<compile_context>
chip_gen: v7x
topology: tpu7x:2x2x1
jax: 0.10.2.dev20260603
libtpu: 0.0.44.dev20260713+nightly
codegen_flags: <defaults>
</compile_context>

<pallas_src>
import functools

import jax
import jax.numpy as jnp
from jax import lax
from jax.experimental import pallas as pl
from jax.experimental.pallas import tpu as pltpu
from jax.experimental.pallas import tpu_sc as plsc

_N = 10000
_NP = 10240
_E = 320000
_D = 128
_R = 39
_B = 8

_NT = 16
_SUBE = 4992
_NSUB = 4
_EPT = _SUBE * _NSUB
_EMAIN = _EPT * _NT
_NMINI = 4
_CAP = _R * _NP
_SLAB = _CAP // _NT

_XPW = 320

_mesh = plsc.VectorSubcoreMesh(
    core_axis_name="c", subcore_axis_name="s", num_cores=2, num_subcores=_NT
)


@functools.partial(
    pl.kernel,
    out_type=(
        jax.ShapeDtypeStruct((_CAP,), jnp.float32),
        jax.ShapeDtypeStruct((_CAP,), jnp.float32),
        jax.ShapeDtypeStruct((_NP, _D), jnp.float32),
    ),
    mesh=_mesh,
    scratch_types=[
        pltpu.VMEM((2, _SUBE), jnp.int32),
        pltpu.VMEM((_SUBE,), jnp.int32),
        pltpu.VMEM((_SUBE,), jnp.int32),
        pltpu.VMEM((_SUBE,), jnp.int32),
        pltpu.VMEM((_SUBE,), jnp.int32),
        pltpu.VMEM((_SUBE,), jnp.float32),
        pltpu.VMEM((_SUBE,), jnp.float32),
        pltpu.VMEM((_SUBE,), jnp.float32),
        pltpu.VMEM((_SUBE,), jnp.float32),
        pltpu.VMEM((2, 128), jnp.int32),
        pltpu.VMEM((128,), jnp.int32),
        pltpu.VMEM((128,), jnp.int32),
        pltpu.VMEM((128,), jnp.int32),
        pltpu.VMEM((128,), jnp.float32),
        pltpu.VMEM((128,), jnp.float32),
        pltpu.VMEM((320,), jnp.int32),
        pltpu.VMEM((64, _D), jnp.float32),
        pltpu.VMEM((64, _D), jnp.float32),
        pltpu.VMEM_SHARED((_CAP,), jnp.float32),
        pltpu.VMEM_SHARED((_CAP,), jnp.float32),
        pltpu.SemaphoreType.DMA,
        pltpu.SemaphoreType.DMA,
        pltpu.SemaphoreType.DMA,
        pltpu.SemaphoreType.DMA,
    ],
)
def _sc_graph(edge_hbm, etyp_hbm, xids_hbm, emb_hbm,
              a_out0, a_out1, x_out,
              ebuf, etyp, segd, sega0, sega1, val0, val1, cnt0, cnt1,
              ebmini, etmini, smini, dmini, vmini, cmini,
              xidx, xrows0, xrows1, counts_sh, at_sh, sem_ld, sem_sc, sem_g,
              sem_xg):
    cid = lax.axis_index("c")
    tid = lax.axis_index("s")
    wid = tid * 2 + cid
    segas = (sega0, sega1)
    vals = (val0, val1)
    cnts = (cnt0, cnt1)
    xrows = (xrows0, xrows1)

    scope = jax.named_scope
    def _zero_i(i, carry):
        val0[pl.ds(i * 16, 16)] = jnp.zeros((16,), jnp.float32)
        return carry
    lax.fori_loop(0, _SUBE // 16, _zero_i, None)
    zcopies = []
    for shared in (counts_sh, at_sh):
        for k in range(5):
            zcopies.append(pltpu.async_copy(
                val0, shared.at[pl.ds(tid * _SLAB + k * _SUBE, _SUBE)],
                sem_sc))

    @pl.when(wid < 31)
    def _():
        pltpu.sync_copy(xids_hbm.at[pl.ds(wid * _XPW, _XPW)], xidx)

    @pl.when(wid == 31)
    def _():
        pltpu.sync_copy(xids_hbm.at[pl.ds(9920, 80)], xidx.at[pl.ds(0, 80)])
        pltpu.sync_copy(xids_hbm.at[pl.ds(0, 240)], xidx.at[pl.ds(80, 240)])

    def _xg_fire(j):
        return pltpu.async_copy(emb_hbm.at[xidx.at[pl.ds(j * 64, 64)]],
                                xrows[j % 2], sem_xg)

    def _xg_write(j):
        pltpu.sync_copy(xrows[j % 2], x_out.at[pl.ds(wid * _XPW + j * 64, 64)])

    pend_xg = _xg_fire(0)

    for c in zcopies:
        c.wait()

    def _ones_i(i, carry):
        val0[pl.ds(i * 16, 16)] = jnp.ones((16,), jnp.float32)
        val1[pl.ds(i * 16, 16)] = jnp.ones((16,), jnp.float32)
        return carry
    lax.fori_loop(0, _SUBE // 16, _ones_i, None)

    def _ones_m(i, carry):
        vmini[pl.ds(i * 16, 16)] = jnp.ones((16,), jnp.float32)
        return carry
    lax.fori_loop(0, 8, _ones_m, None)

    plsc.subcore_barrier()

    _sA = scope("phaseA"); _sA.__enter__()
    def _loads(k):
        eb = tid * _EPT + k * _SUBE
        la = pltpu.async_copy(edge_hbm.at[:, pl.ds(eb, _SUBE)], ebuf, sem_ld)
        lb = pltpu.async_copy(etyp_hbm.at[pl.ds(eb, _SUBE)], etyp, sem_ld)
        return la, lb

    def _seg_a(k):
        sega = segas[k % 2]

        def _seg_i(i, carry):
            sl = pl.ds(i * 16, 16)
            sega[sl] = etyp[sl] * _NP + ebuf[1, sl]
            return carry
        lax.fori_loop(0, _SUBE // 16, _seg_i, None)
        return sega

    pend_ld = _loads(0)
    pend_sc = None
    for k in range(_NSUB):
        for c in pend_ld:
            c.wait()
        sega = _seg_a(k)
        if k + 1 < _NSUB:
            pend_ld = _loads(k + 1)
        if pend_sc is not None:
            pend_sc.wait()
        pend_sc = pltpu.async_copy(vals[k % 2], counts_sh.at[sega], sem_sc,
                                   add=True)
        pend_xg.wait()
        nxt = _xg_fire(k + 1)
        _xg_write(k)
        pend_xg = nxt
    pend_sc.wait()
    pend_xg.wait()
    _xg_write(4)

    @pl.when(tid < _NMINI)
    def _():
        ebm = _EMAIN + tid * 128
        pltpu.sync_copy(edge_hbm.at[:, pl.ds(ebm, 128)], ebmini)
        pltpu.sync_copy(etyp_hbm.at[pl.ds(ebm, 128)], etmini)

        def _mi(i, carry):
            sl = pl.ds(i * 16, 16)
            smini[sl] = etmini[sl] * _NP + ebmini[1, sl]
            return carry
        lax.fori_loop(0, 8, _mi, None)
        pltpu.sync_copy(vmini, counts_sh.at[smini], add=True)

    _sA.__exit__(None, None, None)
    plsc.subcore_barrier()

    _sB = scope("phaseB"); _sB.__enter__()
    def _seg_b(k):
        sega = segas[k % 2]

        def _seg_i(i, carry):
            sl = pl.ds(i * 16, 16)
            t = etyp[sl] * _NP
            segd[sl] = t + ebuf[1, sl]
            sega[sl] = t + ebuf[0, sl]
            return carry
        lax.fori_loop(0, _SUBE // 16, _seg_i, None)
        return sega

    def _recip(k):
        cnt, val = cnts[k % 2], vals[k % 2]

        def _w_i(i, carry):
            sl = pl.ds(i * 16, 16)
            val[sl] = 1.0 / cnt[sl]
            return carry
        lax.fori_loop(0, _SUBE // 16, _w_i, None)
        return val

    def _phase_b(kchunks):
        ks = list(kchunks)
        pend_ld = _loads(ks[0])
        for c in pend_ld:
            c.wait()
        sega = _seg_b(ks[0])
        pend_g = pltpu.async_copy(counts_sh.at[segd], cnts[0], sem_g)
        pend_sc = None
        for j, k in enumerate(ks):
            if j + 1 < len(ks):
                for c in _loads(ks[j + 1]):
                    c.wait()
            pend_g.wait()
            if j + 1 < len(ks):
                next_sega = _seg_b(ks[j + 1])
                pend_g = pltpu.async_copy(counts_sh.at[segd],
                                          cnts[(j + 1) % 2], sem_g)
            val = _recip(j)
            if pend_sc is not None:
                pend_sc.wait()
            pend_sc = pltpu.async_copy(val, at_sh.at[sega], sem_sc, add=True)
            if j + 1 < len(ks):
                sega = next_sega
        pend_sc.wait()

    @pl.when(cid == 0)
    def _():
        _phase_b((0, 1))

    @pl.when(cid == 1)
    def _():
        _phase_b((2, 3))

    @pl.when((tid < _NMINI) & (cid == 1))
    def _():
        ebm = _EMAIN + tid * 128
        pltpu.sync_copy(edge_hbm.at[:, pl.ds(ebm, 128)], ebmini)
        pltpu.sync_copy(etyp_hbm.at[pl.ds(ebm, 128)], etmini)

        def _mi(i, carry):
            sl = pl.ds(i * 16, 16)
            t = etmini[sl] * _NP
            dmini[sl] = t + ebmini[1, sl]
            smini[sl] = t + ebmini[0, sl]
            return carry
        lax.fori_loop(0, 8, _mi, None)
        pltpu.async_copy(counts_sh.at[dmini], cmini, sem_g).wait()

        def _wm(i, carry):
            sl = pl.ds(i * 16, 16)
            vmini[sl] = 1.0 / cmini[sl]
            return carry
        lax.fori_loop(0, 8, _wm, None)
        pltpu.sync_copy(vmini, at_sh.at[smini], add=True)

    _sB.__exit__(None, None, None)
    plsc.subcore_barrier()

    def _writeout(a_out):
        pend = None
        for i in range(5):
            off = tid * _SLAB + i * _SUBE
            buf = cnts[i % 2]
            pltpu.sync_copy(at_sh.at[pl.ds(off, _SUBE)], buf)
            if pend is not None:
                pend.wait()
            pend = pltpu.async_copy(buf, a_out.at[pl.ds(off, _SUBE)], sem_sc)
        pend.wait()

    @pl.when(cid == 0)
    def _():
        _writeout(a_out0)

    @pl.when(cid == 1)
    def _():
        _writeout(a_out1)


def _tc_body(x_ref, at_ref, compt_ref, bases_ref, root_ref, bias_ref, o_ref):
    x = x_ref[...]
    s = jnp.dot(at_ref[...], x,
                preferred_element_type=jnp.float32)
    t = jnp.dot(compt_ref[...], s,
                preferred_element_type=jnp.float32)
    agg = jnp.zeros((1, _D), jnp.float32)
    for b in range(_B):
        agg = agg + jnp.dot(t[b:b + 1, :], bases_ref[b],
                            preferred_element_type=jnp.float32)
    xs = jnp.sum(x[:_N], axis=0, keepdims=True)
    g = agg + jnp.dot(xs, root_ref[...],
                      preferred_element_type=jnp.float32)
    g = g + float(_N) * bias_ref[...]
    nrm = jnp.sqrt(jnp.sum(g * g))
    o_ref[...] = g / jnp.maximum(nrm, 1e-5)


_tc_readout = pl.pallas_call(
    _tc_body,
    out_shape=jax.ShapeDtypeStruct((1, _D), jnp.float32),
)


def kernel(node_final_id, edge_index, edge_type, embedding, comp, bases, root, bias):
    a0, a1, x_pad = _sc_graph(edge_index.astype(jnp.int32),
                              edge_type.astype(jnp.int32),
                              node_final_id.astype(jnp.int32),
                              embedding)
    a_t = a0.reshape(_R, _NP) + a1.reshape(_R, _NP)
    return _tc_readout(x_pad, a_t, comp.T, bases, root, bias.reshape(1, _D))

# --- scband reference (transcript-rebuilt; emitter-appended) ---
"""Pipeline reference for scband-graph-encoder-17952963298146 (READ-ONLY COPY).

The authoritative reference and input builder live on the scoring server;
editing this copy changes nothing except your own understanding.
"""

import jax, jax.numpy as jnp
import numpy as np

N_NODES = 10000
N_EDGES = 320000
EMB_DIM = 128
N_EMBEDDING = 100000
N_REL = 39
N_BASES = 8


def setup_inputs(seed: int = 0) -> dict:
    key = jax.random.key(seed)
    ks = jax.random.split(key, 8)
    node_final_id = jax.random.randint(ks[0], (N_NODES,), 0, N_EMBEDDING)
    edge_index = jax.random.randint(ks[1], (2, N_EDGES), 0, N_NODES)
    edge_type = jax.random.randint(ks[2], (N_EDGES,), 0, N_REL)
    embedding = jax.random.normal(ks[3], (N_EMBEDDING, EMB_DIM), dtype=jnp.float32) * (EMB_DIM ** -0.5)
    comp = jax.random.normal(ks[4], (N_REL, N_BASES), dtype=jnp.float32) * 0.1
    bases = jax.random.normal(ks[5], (N_BASES, EMB_DIM, EMB_DIM), dtype=jnp.float32) * (EMB_DIM ** -0.5)
    root = jax.random.normal(ks[6], (EMB_DIM, EMB_DIM), dtype=jnp.float32) * (EMB_DIM ** -0.5)
    bias = jnp.zeros((EMB_DIM,), dtype=jnp.float32)
    return {
        "node_final_id": node_final_id,
        "edge_index": edge_index,
        "edge_type": edge_type,
        "embedding": embedding,
        "comp": comp,
        "bases": bases,
        "root": root,
        "bias": bias,
    }


def reference(node_final_id, edge_index, edge_type, embedding, comp, bases, root, bias):
    # Embedding lookup (torch.index_select on embedding.weight)
    x = jnp.take(embedding, node_final_id, axis=0)  # [N, d]
    N = x.shape[0]
    d = x.shape[1]
    # RGCN basis decomposition: W_r = sum_b comp[r, b] * bases[b]
    weight = (comp @ bases.reshape(N_BASES, -1)).reshape(N_REL, d, d)  # [R, d, d]
    # Pre-transform every node by every relation weight: [N, R, d]
    xw = jnp.einsum('nd,rdo->nro', x, weight)
    src = edge_index[0]
    dst = edge_index[1]
    # Per-edge messages gathered from pre-transformed features
    msg = xw[src, edge_type]  # [E, d]
    # Per-(dst, relation) mean aggregation (PyG RGCNConv aggr='mean')
    seg = dst * N_REL + edge_type
    sums = jax.ops.segment_sum(msg, seg, num_segments=N * N_REL)  # [N*R, d]
    counts = jax.ops.segment_sum(jnp.ones((msg.shape[0],), dtype=jnp.float32), seg, num_segments=N * N_REL)
    mean = sums / jnp.maximum(counts, 1.0)[:, None]
    agg = mean.reshape(N, N_REL, d).sum(axis=1)  # [N, d]
    # Root transform + bias
    node_feature = agg + x @ root + bias  # [N, d]
    # Graph readout: sum over nodes, then L2 normalize (eps=1e-5)
    graph_embedding = node_feature.sum(axis=0)  # [d]
    norm = jnp.maximum(jnp.linalg.norm(graph_embedding, ord=2), 1e-5)
    graph_feature = graph_embedding / norm
    # batch of one graph -> stack along dim 0
    return jnp.stack([graph_feature], axis=0)  # [1, d]

if __name__ == "__main__":
    import jax
    _d = setup_inputs()
    print(jax.jit(kernel)(*tuple(_d.values())))

</pallas_src>

<mosaic_0001>
#map = affine_map<(d0, d1) -> (0, 0)>
#map1 = affine_map<(d0, d1) -> (0)>
module attributes {stable_mosaic.version = 14 : i64} {
  func.func @_sc_graph(%arg0: i32, %arg1: i32, %arg2: memref<2x320000xi32, #tpu.memory_space<hbm>>, %arg3: memref<320000xi32, #tpu.memory_space<hbm>>, %arg4: memref<10000xi32, #tpu.memory_space<hbm>>, %arg5: memref<100000x128xf32, #tpu.memory_space<hbm>>, %arg6: memref<399360xf32, #tpu.memory_space<hbm>>, %arg7: memref<399360xf32, #tpu.memory_space<hbm>>, %arg8: memref<10240x128xf32, #tpu.memory_space<hbm>>, %arg9: memref<2x4992xi32, #tpu.memory_space<vmem>>, %arg10: memref<4992xi32, #tpu.memory_space<vmem>>, %arg11: memref<4992xi32, #tpu.memory_space<vmem>>, %arg12: memref<4992xi32, #tpu.memory_space<vmem>>, %arg13: memref<4992xi32, #tpu.memory_space<vmem>>, %arg14: memref<4992xf32, #tpu.memory_space<vmem>>, %arg15: memref<4992xf32, #tpu.memory_space<vmem>>, %arg16: memref<4992xf32, #tpu.memory_space<vmem>>, %arg17: memref<4992xf32, #tpu.memory_space<vmem>>, %arg18: memref<2x128xi32, #tpu.memory_space<vmem>>, %arg19: memref<128xi32, #tpu.memory_space<vmem>>, %arg20: memref<128xi32, #tpu.memory_space<vmem>>, %arg21: memref<128xi32, #tpu.memory_space<vmem>>, %arg22: memref<128xf32, #tpu.memory_space<vmem>>, %arg23: memref<128xf32, #tpu.memory_space<vmem>>, %arg24: memref<320xi32, #tpu.memory_space<vmem>>, %arg25: memref<64x128xf32, #tpu.memory_space<vmem>>, %arg26: memref<64x128xf32, #tpu.memory_space<vmem>>, %arg27: memref<399360xf32, #tpu.memory_space<vmem_shared>>, %arg28: memref<399360xf32, #tpu.memory_space<vmem_shared>>, %arg29: memref<!tpu.dma_semaphore, #tpu.memory_space<semaphore_mem>>, %arg30: memref<!tpu.dma_semaphore, #tpu.memory_space<semaphore_mem>>, %arg31: memref<!tpu.dma_semaphore, #tpu.memory_space<semaphore_mem>>, %arg32: memref<!tpu.dma_semaphore, #tpu.memory_space<semaphore_mem>>) attributes {dimension_semantics = [#tpu.dimension_semantics<core_parallel>, #tpu.dimension_semantics<subcore_parallel>], iteration_bounds = array<i64: 2, 16>, scalar_prefetch = 0 : i64, scratch_operands = 24 : i64, tpu.core_type = #tpu.core_type<sc_vector_subcore>, window_params = [{transform_indices = #map}, {transform_indices = #map1}, {transform_indices = #map1}, {transform_indices = #map}, {transform_indices = #map1}, {transform_indices = #map1}, {transform_indices = #map}]} {
    %mul3A = arith.constant 2 : i32
    %mul3A_0 = arith.muli %arg1, %mul3A : i32
    %add3A = arith.addi %mul3A_0, %arg0 : i32
    %scan3A = arith.constant 0 : i32
    %scan3A_1 = arith.constant 312 : i32
    %scan3A_2 = arith.addi %scan3A, %scan3A_1 : i32
    %scan3A_3 = arith.constant 1 : i32
    scf.for %scan3A_303 = %scan3A to %scan3A_2 step %scan3A_3  : i32 {
      %broadcast_in_dim3A = arith.constant 0.000000e+00 : f32
      %broadcast_in_dim3A_304 = vector.broadcast %broadcast_in_dim3A : f32 to vector<16xf32>
      %mul3A_305 = arith.constant 16 : i32
      %mul3A_306 = arith.muli %scan3A_303, %mul3A_305 : i32
      %swap3A = arith.index_cast %mul3A_306 : i32 to index
      %swap3A_307 = tpu.vector_load %arg14[%swap3A] {strides = array<i32>} : memref<4992xf32, #tpu.memory_space<vmem>>, vector<16xf32>,
      %swap3A_308 = vector.shape_cast %swap3A_307 : vector<16xf32> to vector<16xf32>
      %swap3A_309 = vector.shape_cast %broadcast_in_dim3A_304 : vector<16xf32> to vector<16xf32>
      tpu.vector_store %arg14[%swap3A], %swap3A_309 {strides = array<i32>} : memref<4992xf32, #tpu.memory_space<vmem>>, vector<16xf32>,
    }
    %scan3A_4 = arith.constant 312 : i32
    %mul3A_5 = arith.constant 24960 : i32
    %mul3A_6 = arith.muli %arg1, %mul3A_5 : i32
    %add3A_7 = arith.constant 0 : i32
    %add3A_8 = arith.addi %mul3A_6, %add3A_7 : i32
    %dma_start3A = tpu.memref_slice %arg27[%add3A_8] : memref<399360xf32, #tpu.memory_space<vmem_shared>> -> memref<4992xf32, #tpu.memory_space<vmem_shared>>
    %dma_start3A_9 = tpu.memref_slice %arg27[%add3A_8] : memref<399360xf32, #tpu.memory_space<vmem_shared>> -> memref<4992xf32, #tpu.memory_space<vmem_shared>>
    tpu.enqueue_dma source(%arg14 : memref<4992xf32, #tpu.memory_space<vmem>>) target(%dma_start3A_9 : memref<4992xf32, #tpu.memory_space<vmem_shared>>) target_semaphore(%arg30 : memref<!tpu.dma_semaphore, #tpu.memory_space<semaphore_mem>>)
    %mul3A_10 = arith.constant 24960 : i32
    %mul3A_11 = arith.muli %arg1, %mul3A_10 : i32
    %add3A_12 = arith.constant 4992 : i32
    %add3A_13 = arith.addi %mul3A_11, %add3A_12 : i32
    %dma_start3A_14 = tpu.memref_slice %arg27[%add3A_13] : memref<399360xf32, #tpu.memory_space<vmem_shared>> -> memref<4992xf32, #tpu.memory_space<vmem_shared>>
    %dma_start3A_15 = tpu.memref_slice %arg27[%add3A_13] : memref<399360xf32, #tpu.memory_space<vmem_shared>> -> memref<4992xf32, #tpu.memory_space<vmem_shared>>
    tpu.enqueue_dma source(%arg14 : memref<4992xf32, #tpu.memory_space<vmem>>) target(%dma_start3A_15 : memref<4992xf32, #tpu.memory_space<vmem_shared>>) target_semaphore(%arg30 : memref<!tpu.dma_semaphore, #tpu.memory_space<semaphore_mem>>)
    %mul3A_16 = arith.constant 24960 : i32
    %mul3A_17 = arith.muli %arg1, %mul3A_16 : i32
    %add3A_18 = arith.constant 9984 : i32
    %add3A_19 = arith.addi %mul3A_17, %add3A_18 : i32
    %dma_start3A_20 = tpu.memref_slice %arg27[%add3A_19] : memref<399360xf32, #tpu.memory_space<vmem_shared>> -> memref<4992xf32, #tpu.memory_space<vmem_shared>>
    %dma_start3A_21 = tpu.memref_slice %arg27[%add3A_19] : memref<399360xf32, #tpu.memory_space<vmem_shared>> -> memref<4992xf32, #tpu.memory_space<vmem_shared>>
    tpu.enqueue_dma source(%arg14 : memref<4992xf32, #tpu.memory_space<vmem>>) target(%dma_start3A_21 : memref<4992xf32, #tpu.memory_space<vmem_shared>>) target_semaphore(%arg30 : memref<!tpu.dma_semaphore, #tpu.memory_space<semaphore_mem>>)
    %mul3A_22 = arith.constant 24960 : i32
    %mul3A_23 = arith.muli %arg1, %mul3A_22 : i32
    %add3A_24 = arith.constant 14976 : i32
    %add3A_25 = arith.addi %mul3A_23, %add3A_24 : i32
    %dma_start3A_26 = tpu.memref_slice %arg27[%add3A_25] : memref<399360xf32, #tpu.memory_space<vmem_shared>> -> memref<4992xf32, #tpu.memory_space<vmem_shared>>
    %dma_start3A_27 = tpu.memref_slice %arg27[%add3A_25] : memref<399360xf32, #tpu.memory_space<vmem_shared>> -> memref<4992xf32, #tpu.memory_space<vmem_shared>>
    tpu.enqueue_dma source(%arg14 : memref<4992xf32, #tpu.memory_space<vmem>>) target(%dma_start3A_27 : memref<4992xf32, #tpu.memory_space<vmem_shared>>) target_semaphore(%arg30 : memref<!tpu.dma_semaphore, #tpu.memory_space<semaphore_mem>>)
    %mul3A_28 = arith.constant 24960 : i32
    %mul3A_29 = arith.muli %arg1, %mul3A_28 : i32
    %add3A_30 = arith.constant 19968 : i32
    %add3A_31 = arith.addi %mul3A_29, %add3A_30 : i32
    %dma_start3A_32 = tpu.memref_slice %arg27[%add3A_31] : memref<399360xf32, #tpu.memory_space<vmem_shared>> -> memref<4992xf32, #tpu.memory_space<vmem_shared>>
    %dma_start3A_33 = tpu.memref_slice %arg27[%add3A_31] : memref<399360xf32, #tpu.memory_space<vmem_shared>> -> memref<4992xf32, #tpu.memory_space<vmem_shared>>
    tpu.enqueue_dma source(%arg14 : memref<4992xf32, #tpu.memory_space<vmem>>) target(%dma_start3A_33 : memref<4992xf32, #tpu.memory_space<vmem_shared>>) target_semaphore(%arg30 : memref<!tpu.dma_semaphore, #tpu.memory_space<semaphore_mem>>)
    %mul3A_34 = arith.constant 24960 : i32
    %mul3A_35 = arith.muli %arg1, %mul3A_34 : i32
    %add3A_36 = arith.constant 0 : i32
    %add3A_37 = arith.addi %mul3A_35, %add3A_36 : i32
    %dma_start3A_38 = tpu.memref_slice %arg28[%add3A_37] : memref<399360xf32, #tpu.memory_space<vmem_shared>> -> memref<4992xf32, #tpu.memory_space<vmem_shared>>
    %dma_start3A_39 = tpu.memref_slice %arg28[%add3A_37] : memref<399360xf32, #tpu.memory_space<vmem_shared>> -> memref<4992xf32, #tpu.memory_space<vmem_shared>>
    tpu.enqueue_dma source(%arg14 : memref<4992xf32, #tpu.memory_space<vmem>>) target(%dma_start3A_39 : memref<4992xf32, #tpu.memory_space<vmem_shared>>) target_semaphore(%arg30 : memref<!tpu.dma_semaphore, #tpu.memory_space<semaphore_mem>>)
    %mul3A_40 = arith.constant 24960 : i32
    %mul3A_41 = arith.muli %arg1, %mul3A_40 : i32
    %add3A_42 = arith.constant 4992 : i32
    %add3A_43 = arith.addi %mul3A_41, %add3A_42 : i32
    %dma_start3A_44 = tpu.memref_slice %arg28[%add3A_43] : memref<399360xf32, #tpu.memory_space<vmem_shared>> -> memref<4992xf32, #tpu.memory_space<vmem_shared>>
    %dma_start3A_45 = tpu.memref_slice %arg28[%add3A_43] : memref<399360xf32, #tpu.memory_space<vmem_shared>> -> memref<4992xf32, #tpu.memory_space<vmem_shared>>
    tpu.enqueue_dma source(%arg14 : memref<4992xf32, #tpu.memory_space<vmem>>) target(%dma_start3A_45 : memref<4992xf32, #tpu.memory_space<vmem_shared>>) target_semaphore(%arg30 : memref<!tpu.dma_semaphore, #tpu.memory_space<semaphore_mem>>)
    %mul3A_46 = arith.constant 24960 : i32
    %mul3A_47 = arith.muli %arg1, %mul3A_46 : i32
    %add3A_48 = arith.constant 9984 : i32
    %add3A_49 = arith.addi %mul3A_47, %add3A_48 : i32
    %dma_start3A_50 = tpu.memref_slice %arg28[%add3A_49] : memref<399360xf32, #tpu.memory_space<vmem_shared>> -> memref<4992xf32, #tpu.memory_space<vmem_shared>>
    %dma_start3A_51 = tpu.memref_slice %arg28[%add3A_49] : memref<399360xf32, #tpu.memory_space<vmem_shared>> -> memref<4992xf32, #tpu.memory_space<vmem_shared>>
    tpu.enqueue_dma source(%arg14 : memref<4992xf32, #tpu.memory_space<vmem>>) target(%dma_start3A_51 : memref<4992xf32, #tpu.memory_space<vmem_shared>>) target_semaphore(%arg30 : memref<!tpu.dma_semaphore, #tpu.memory_space<semaphore_mem>>)
    %mul3A_52 = arith.constant 24960 : i32
    %mul3A_53 = arith.muli %arg1, %mul3A_52 : i32
    %add3A_54 = arith.constant 14976 : i32
    %add3A_55 = arith.addi %mul3A_53, %add3A_54 : i32
    %dma_start3A_56 = tpu.memref_slice %arg28[%add3A_55] : memref<399360xf32, #tpu.memory_space<vmem_shared>> -> memref<4992xf32, #tpu.memory_space<vmem_shared>>
    %dma_start3A_57 = tpu.memref_slice %arg28[%add3A_55] : memref<399360xf32, #tpu.memory_space<vmem_shared>> -> memref<4992xf32, #tpu.memory_space<vmem_shared>>
    tpu.enqueue_dma source(%arg14 : memref<4992xf32, #tpu.memory_space<vmem>>) target(%dma_start3A_57 : memref<4992xf32, #tpu.memory_space<vmem_shared>>) target_semaphore(%arg30 : memref<!tpu.dma_semaphore, #tpu.memory_space<semaphore_mem>>)
    %mul3A_58 = arith.constant 24960 : i32
    %mul3A_59 = arith.muli %arg1, %mul3A_58 : i32
    %add3A_60 = arith.constant 19968 : i32
    %add3A_61 = arith.addi %mul3A_59, %add3A_60 : i32
    %dma_start3A_62 = tpu.memref_slice %arg28[%add3A_61] : memref<399360xf32, #tpu.memory_space<vmem_shared>> -> memref<4992xf32, #tpu.memory_space<vmem_shared>>
    %dma_start3A_63 = tpu.memref_slice %arg28[%add3A_61] : memref<399360xf32, #tpu.memory_space<vmem_shared>> -> memref<4992xf32, #tpu.memory_space<vmem_shared>>
    tpu.enqueue_dma source(%arg14 : memref<4992xf32, #tpu.memory_space<vmem>>) target(%dma_start3A_63 : memref<4992xf32, #tpu.memory_space<vmem_shared>>) target_semaphore(%arg30 : memref<!tpu.dma_semaphore, #tpu.memory_space<semaphore_mem>>)
    %lt3A = arith.constant 31 : i32
    %lt3A_64 = arith.cmpi slt, %add3A, %lt3A : i32
    %convert_element_type3A = arith.extui %lt3A_64 : i1 to i32
    %cond3A = arith.constant 0 : i32
    %cond3A_65 = arith.cmpi ne, %convert_element_type3A, %cond3A : i32
    scf.if %cond3A_65 {
      %mul3A_303 = arith.constant 320 : i32
      %mul3A_304 = arith.muli %add3A, %mul3A_303 : i32
      "tpu.region"() ({
        %run_scoped3A = tpu.sem_alloc : memref<!tpu.dma_semaphore, #tpu.memory_space<semaphore_mem>>
        %dma_start3A_305 = tpu.memref_slice %arg4[%mul3A_304] : memref<10000xi32, #tpu.memory_space<hbm>> -> memref<320xi32, #tpu.memory_space<hbm>>
        %dma_start3A_306 = tpu.memref_slice %arg4[%mul3A_304] : memref<10000xi32, #tpu.memory_space<hbm>> -> memref<320xi32, #tpu.memory_space<hbm>>
        tpu.enqueue_dma source(%dma_start3A_306 : memref<320xi32, #tpu.memory_space<hbm>>) target(%arg24 : memref<320xi32, #tpu.memory_space<vmem>>) target_semaphore(%run_scoped3A : memref<!tpu.dma_semaphore, #tpu.memory_space<semaphore_mem>>)
        %dma_wait3A_307 = tpu.memref_slice %arg4[%mul3A_304] : memref<10000xi32, #tpu.memory_space<hbm>> -> memref<320xi32, #tpu.memory_space<hbm>>
        %dma_wait3A_308 = tpu.memref_slice %arg4[%mul3A_304] : memref<10000xi32, #tpu.memory_space<hbm>> -> memref<320xi32, #tpu.memory_space<hbm>>
        tpu.wait_dma2 semaphore(%run_scoped3A : memref<!tpu.dma_semaphore, #tpu.memory_space<semaphore_mem>>) src(%dma_wait3A_308 : memref<320xi32, #tpu.memory_space<hbm>>) dst(%arg24 : memref<320xi32, #tpu.memory_space<vmem>>)
        tpu.yield
      }) : () -> ()
    } else {
    }
    %eq3A = arith.constant 31 : i32
    %eq3A_66 = arith.cmpi eq, %add3A, %eq3A : i32
    %convert_element_type3A_67 = arith.extui %eq3A_66 : i1 to i32
    %cond3A_68 = arith.constant 0 : i32
    %cond3A_69 = arith.cmpi ne, %convert_element_type3A_67, %cond3A_68 : i32
    scf.if %cond3A_69 {
      "tpu.region"() ({
        %run_scoped3A = tpu.sem_alloc : memref<!tpu.dma_semaphore, #tpu.memory_space<semaphore_mem>>
        %dma_start3A_303 = arith.constant 0 : i32
        %dma_start3A_304 = tpu.memref_slice %arg24[%dma_start3A_303] : memref<320xi32, #tpu.memory_space<vmem>> -> memref<80xi32, #tpu.memory_space<vmem>>
        %dma_start3A_305 = arith.constant 9920 : i32
        %dma_start3A_306 = tpu.memref_slice %arg4[%dma_start3A_305] : memref<10000xi32, #tpu.memory_space<hbm>> -> memref<80xi32, #tpu.memory_space<hbm>>
        %dma_start3A_307 = arith.constant 0 : i32
        %dma_start3A_308 = tpu.memref_slice %arg24[%dma_start3A_307] : memref<320xi32, #tpu.memory_space<vmem>> -> memref<80xi32, #tpu.memory_space<vmem>>
        %dma_start3A_309 = arith.constant 9920 : i32
        %dma_start3A_310 = tpu.memref_slice %arg4[%dma_start3A_309] : memref<10000xi32, #tpu.memory_space<hbm>> -> memref<80xi32, #tpu.memory_space<hbm>>
        tpu.enqueue_dma source(%dma_start3A_310 : memref<80xi32, #tpu.memory_space<hbm>>) target(%dma_start3A_308 : memref<80xi32, #tpu.memory_space<vmem>>) target_semaphore(%run_scoped3A : memref<!tpu.dma_semaphore, #tpu.memory_space<semaphore_mem>>)
        %dma_wait3A_311 = arith.constant 0 : i32
        %dma_wait3A_312 = tpu.memref_slice %arg24[%dma_wait3A_311] : memref<320xi32, #tpu.memory_space<vmem>> -> memref<80xi32, #tpu.memory_space<vmem>>
        %dma_wait3A_313 = arith.constant 9920 : i32
        %dma_wait3A_314 = tpu.memref_slice %arg4[%dma_wait3A_313] : memref<10000xi32, #tpu.memory_space<hbm>> -> memref<80xi32, #tpu.memory_space<hbm>>
        %dma_wait3A_315 = arith.constant 0 : i32
        %dma_wait3A_316 = tpu.memref_slice %arg24[%dma_wait3A_315] : memref<320xi32, #tpu.memory_space<vmem>> -> memref<80xi32, #tpu.memory_space<vmem>>
        %dma_wait3A_317 = arith.constant 9920 : i32
        %dma_wait3A_318 = tpu.memref_slice %arg4[%dma_wait3A_317] : memref<10000xi32, #tpu.memory_space<hbm>> -> memref<80xi32, #tpu.memory_space<hbm>>
        tpu.wait_dma2 semaphore(%run_scoped3A : memref<!tpu.dma_semaphore, #tpu.memory_space<semaphore_mem>>) src(%dma_wait3A_318 : memref<80xi32, #tpu.memory_space<hbm>>) dst(%dma_wait3A_316 : memref<80xi32, #tpu.memory_space<vmem>>)
        tpu.yield
      }) : () -> ()
      "tpu.region"() ({
        %run_scoped3A = tpu.sem_alloc : memref<!tpu.dma_semaphore, #tpu.memory_space<semaphore_mem>>
        %dma_start3A_303 = arith.constant 80 : i32
        %dma_start3A_304 = tpu.memref_slice %arg24[%dma_start3A_303] : memref<320xi32, #tpu.memory_space<vmem>> -> memref<240xi32, #tpu.memory_space<vmem>>
        %dma_start3A_305 = arith.constant 0 : i32
        %dma_start3A_306 = tpu.memref_slice %arg4[%dma_start3A_305] : memref<10000xi32, #tpu.memory_space<hbm>> -> memref<240xi32, #tpu.memory_space<hbm>>
        %dma_start3A_307 = arith.constant 80 : i32
        %dma_start3A_308 = tpu.memref_slice %arg24[%dma_start3A_307] : memref<320xi32, #tpu.memory_space<vmem>> -> memref<240xi32, #tpu.memory_space<vmem>>
        %dma_start3A_309 = arith.constant 0 : i32
        %dma_start3A_310 = tpu.memref_slice %arg4[%dma_start3A_309] : memref<10000xi32, #tpu.memory_space<hbm>> -> memref<240xi32, #tpu.memory_space<hbm>>
        tpu.enqueue_dma source(%dma_start3A_310 : memref<240xi32, #tpu.memory_space<hbm>>) target(%dma_start3A_308 : memref<240xi32, #tpu.memory_space<vmem>>) target_semaphore(%run_scoped3A : memref<!tpu.dma_semaphore, #tpu.memory_space<semaphore_mem>>)
        %dma_wait3A_311 = arith.constant 80 : i32
        %dma_wait3A_312 = tpu.memref_slice %arg24[%dma_wait3A_311] : memref<320xi32, #tpu.memory_space<vmem>> -> memref<240xi32, #tpu.memory_space<vmem>>
        %dma_wait3A_313 = arith.constant 0 : i32
        %dma_wait3A_314 = tpu.memref_slice %arg4[%dma_wait3A_313] : memref<10000xi32, #tpu.memory_space<hbm>> -> memref<240xi32, #tpu.memory_space<hbm>>
        %dma_wait3A_315 = arith.constant 80 : i32
        %dma_wait3A_316 = tpu.memref_slice %arg24[%dma_wait3A_315] : memref<320xi32, #tpu.memory_space<vmem>> -> memref<240xi32, #tpu.memory_space<vmem>>
        %dma_wait3A_317 = arith.constant 0 : i32
        %dma_wait3A_318 = tpu.memref_slice %arg4[%dma_wait3A_317] : memref<10000xi32, #tpu.memory_space<hbm>> -> memref<240xi32, #tpu.memory_space<hbm>>
        tpu.wait_dma2 semaphore(%run_scoped3A : memref<!tpu.dma_semaphore, #tpu.memory_space<semaphore_mem>>) src(%dma_wait3A_318 : memref<240xi32, #tpu.memory_space<hbm>>) dst(%dma_wait3A_316 : memref<240xi32, #tpu.memory_space<vmem>>)
        tpu.yield
      }) : () -> ()
    } else {
    }
    %dma_start3A_70 = arith.constant 0 : i32
    %dma_start3A_71 = tpu.memref_slice %arg24[%dma_start3A_70] : memref<320xi32, #tpu.memory_space<vmem>> -> memref<64xi32, #tpu.memory_space<vmem>>
    %dma_start3A_72 = arith.constant 0 : i32
    %dma_start3A_73 = arith.constant 0 : i32
    %dma_start3A_74 = tpu.memref_slice %arg5[%dma_start3A_72, %dma_start3A_73] : memref<100000x128xf32, #tpu.memory_space<hbm>> -> memref<100000x128xf32, #tpu.memory_space<hbm>>
    tpu.enqueue_indirect_dma source(%dma_start3A_74 : memref<100000x128xf32, #tpu.memory_space<hbm>>) target(%arg25 : memref<64x128xf32, #tpu.memory_space<vmem>>) offsets(%dma_start3A_71 : memref<64xi32, #tpu.memory_space<vmem>>) semaphore(%arg32 : memref<!tpu.dma_semaphore, #tpu.memory_space<semaphore_mem>>)
    %dma_wait3A = tpu.memref_slice %arg27[%add3A_8] : memref<399360xf32, #tpu.memory_space<vmem_shared>> -> memref<4992xf32, #tpu.memory_space<vmem_shared>>
    %dma_wait3A_75 = tpu.memref_slice %arg27[%add3A_8] : memref<399360xf32, #tpu.memory_space<vmem_shared>> -> memref<4992xf32, #tpu.memory_space<vmem_shared>>
    tpu.wait_dma2 semaphore(%arg30 : memref<!tpu.dma_semaphore, #tpu.memory_space<semaphore_mem>>) src(%arg14 : memref<4992xf32, #tpu.memory_space<vmem>>) dst(%dma_wait3A_75 : memref<4992xf32, #tpu.memory_space<vmem_shared>>)
    %dma_wait3A_76 = tpu.memref_slice %arg27[%add3A_13] : memref<399360xf32, #tpu.memory_space<vmem_shared>> -> memref<4992xf32, #tpu.memory_space<vmem_shared>>
    %dma_wait3A_77 = tpu.memref_slice %arg27[%add3A_13] : memref<399360xf32, #tpu.memory_space<vmem_shared>> -> memref<4992xf32, #tpu.memory_space<vmem_shared>>
    tpu.wait_dma2 semaphore(%arg30 : memref<!tpu.dma_semaphore, #tpu.memory_space<semaphore_mem>>) src(%arg14 : memref<4992xf32, #tpu.memory_space<vmem>>) dst(%dma_wait3A_77 : memref<4992xf32, #tpu.memory_space<vmem_shared>>)
    %dma_wait3A_78 = tpu.memref_slice %arg27[%add3A_19] : memref<399360xf32, #tpu.memory_space<vmem_shared>> -> memref<4992xf32, #tpu.memory_space<vmem_shared>>
    %dma_wait3A_79 = tpu.memref_slice %arg27[%add3A_19] : memref<399360xf32, #tpu.memory_space<vmem_shared>> -> memref<4992xf32, #tpu.memory_space<vmem_shared>>
    tpu.wait_dma2 semaphore(%arg30 : memref<!tpu.dma_semaphore, #tpu.memory_space<semaphore_mem>>) src(%arg14 : memref<4992xf32, #tpu.memory_space<vmem>>) dst(%dma_wait3A_79 : memref<4992xf32, #tpu.memory_space<vmem_shared>>)
    %dma_wait3A_80 = tpu.memref_slice %arg27[%add3A_25] : memref<399360xf32, #tpu.memory_space<vmem_shared>> -> memref<4992xf32, #tpu.memory_space<vmem_shared>>
    %dma_wait3A_81 = tpu.memref_slice %arg27[%add3A_25] : memref<399360xf32, #tpu.memory_space<vmem_shared>> -> memref<4992xf32, #tpu.memory_space<vmem_shared>>
    tpu.wait_dma2 semaphore(%arg30 : memref<!tpu.dma_semaphore, #tpu.memory_space<semaphore_mem>>) src(%arg14 : memref<4992xf32, #tpu.memory_space<vmem>>) dst(%dma_wait3A_81 : memref<4992xf32, #tpu.memory_space<vmem_shared>>)
    %dma_wait3A_82 = tpu.memref_slice %arg27[%add3A_31] : memref<399360xf32, #tpu.memory_space<vmem_shared>> -> memref<4992xf32, #tpu.memory_space<vmem_shared>>
    %dma_wait3A_83 = tpu.memref_slice %arg27[%add3A_31] : memref<399360xf32, #tpu.memory_space<vmem_shared>> -> memref<4992xf32, #tpu.memory_space<vmem_shared>>
    tpu.wait_dma2 semaphore(%arg30 : memref<!tpu.dma_semaphore, #tpu.memory_space<semaphore_mem>>) src(%arg14 : memref<4992xf32, #tpu.memory_space<vmem>>) dst(%dma_wait3A_83 : memref<4992xf32, #tpu.memory_space<vmem_shared>>)
    %dma_wait3A_84 = tpu.memref_slice %arg28[%add3A_37] : memref<399360xf32, #tpu.memory_space<vmem_shared>> -> memref<4992xf32, #tpu.memory_space<vmem_shared>>
    %dma_wait3A_85 = tpu.memref_slice %arg28[%add3A_37] : memref<399360xf32, #tpu.memory_space<vmem_shared>> -> memref<4992xf32, #tpu.memory_space<vmem_shared>>
    tpu.wait_dma2 semaphore(%arg30 : memref<!tpu.dma_semaphore, #tpu.memory_space<semaphore_mem>>) src(%arg14 : memref<4992xf32, #tpu.memory_space<vmem>>) dst(%dma_wait3A_85 : memref<4992xf32, #tpu.memory_space<vmem_shared>>)
    %dma_wait3A_86 = tpu.memref_slice %arg28[%add3A_43] : memref<399360xf32, #tpu.memory_space<vmem_shared>> -> memref<4992xf32, #tpu.memory_space<vmem_shared>>
    %dma_wait3A_87 = tpu.memref_slice %arg28[%add3A_43] : memref<399360xf32, #tpu.memory_space<vmem_shared>> -> memref<4992xf32, #tpu.memory_space<vmem_shared>>
    tpu.wait_dma2 semaphore(%arg30 : memref<!tpu.dma_semaphore, #tpu.memory_space<semaphore_mem>>) src(%arg14 : memref<4992xf32, #tpu.memory_space<vmem>>) dst(%dma_wait3A_87 : memref<4992xf32, #tpu.memory_space<vmem_shared>>)
    %dma_wait3A_88 = tpu.memref_slice %arg28[%add3A_49] : memref<399360xf32, #tpu.memory_space<vmem_shared>> -> memref<4992xf32, #tpu.memory_space<vmem_shared>>
    %dma_wait3A_89 = tpu.memref_slice %arg28[%add3A_49] : memref<399360xf32, #tpu.memory_space<vmem_shared>> -> memref<4992xf32, #tpu.memory_space<vmem_shared>>
    tpu.wait_dma2 semaphore(%arg30 : memref<!tpu.dma_semaphore, #tpu.memory_space<semaphore_mem>>) src(%arg14 : memref<4992xf32, #tpu.memory_space<vmem>>) dst(%dma_wait3A_89 : memref<4992xf32, #tpu.memory_space<vmem_shared>>)
    %dma_wait3A_90 = tpu.memref_slice %arg28[%add3A_55] : memref<399360xf32, #tpu.memory_space<vmem_shared>> -> memref<4992xf32, #tpu.memory_space<vmem_shared>>
    %dma_wait3A_91 = tpu.memref_slice %arg28[%add3A_55] : memref<399360xf32, #tpu.memory_space<vmem_shared>> -> memref<4992xf32, #tpu.memory_space<vmem_shared>>
    tpu.wait_dma2 semaphore(%arg30 : memref<!tpu.dma_semaphore, #tpu.memory_space<semaphore_mem>>) src(%arg14 : memref<4992xf32, #tpu.memory_space<vmem>>) dst(%dma_wait3A_91 : memref<4992xf32, #tpu.memory_space<vmem_shared>>)
    %dma_wait3A_92 = tpu.memref_slice %arg28[%add3A_61] : memref<399360xf32, #tpu.memory_space<vmem_shared>> -> memref<4992xf32, #tpu.memory_space<vmem_shared>>
    %dma_wait3A_93 = tpu.memref_slice %arg28[%add3A_61] : memref<399360xf32, #tpu.memory_space<vmem_shared>> -> memref<4992xf32, #tpu.memory_space<vmem_shared>>
    tpu.wait_dma2 semaphore(%arg30 : memref<!tpu.dma_semaphore, #tpu.memory_space<semaphore_mem>>) src(%arg14 : memref<4992xf32, #tpu.memory_space<vmem>>) dst(%dma_wait3A_93 : memref<4992xf32, #tpu.memory_space<vmem_shared>>)
    %scan3A_94 = arith.constant 0 : i32
    %scan3A_95 = arith.constant 312 : i32
    %scan3A_96 = arith.addi %scan3A_94, %scan3A_95 : i32
    %scan3A_97 = arith.constant 1 : i32
    scf.for %scan3A_303 = %scan3A_94 to %scan3A_96 step %scan3A_97  : i32 {
      %broadcast_in_dim3A = arith.constant 1.000000e+00 : f32
      %broadcast_in_dim3A_304 = vector.broadcast %broadcast_in_dim3A : f32 to vector<16xf32>
      %mul3A_305 = arith.constant 16 : i32
      %mul3A_306 = arith.muli %scan3A_303, %mul3A_305 : i32
      %swap3A = arith.index_cast %mul3A_306 : i32 to index
      %swap3A_307 = tpu.vector_load %arg14[%swap3A] {strides = array<i32>} : memref<4992xf32, #tpu.memory_space<vmem>>, vector<16xf32>,
      %swap3A_308 = vector.shape_cast %swap3A_307 : vector<16xf32> to vector<16xf32>
      %swap3A_309 = vector.shape_cast %broadcast_in_dim3A_304 : vector<16xf32> to vector<16xf32>
      tpu.vector_store %arg14[%swap3A], %swap3A_309 {strides = array<i32>} : memref<4992xf32, #tpu.memory_space<vmem>>, vector<16xf32>,
      %broadcast_in_dim3A_310 = arith.constant 1.000000e+00 : f32
      %broadcast_in_dim3A_311 = vector.broadcast %broadcast_in_dim3A_310 : f32 to vector<16xf32>
      %mul3A_312 = arith.constant 16 : i32
      %mul3A_313 = arith.muli %scan3A_303, %mul3A_312 : i32
      %swap3A_314 = arith.index_cast %mul3A_313 : i32 to index
      %swap3A_315 = tpu.vector_load %arg15[%swap3A_314] {strides = array<i32>} : memref<4992xf32, #tpu.memory_space<vmem>>, vector<16xf32>,
      %swap3A_316 = vector.shape_cast %swap3A_315 : vector<16xf32> to vector<16xf32>
      %swap3A_317 = vector.shape_cast %broadcast_in_dim3A_311 : vector<16xf32> to vector<16xf32>
      tpu.vector_store %arg15[%swap3A_314], %swap3A_317 {strides = array<i32>} : memref<4992xf32, #tpu.memory_space<vmem>>, vector<16xf32>,
    }
    %scan3A_98 = arith.constant 312 : i32
    %scan3A_99 = arith.constant 0 : i32
    %scan3A_100 = arith.constant 8 : i32
    %scan3A_101 = arith.addi %scan3A_99, %scan3A_100 : i32
    %scan3A_102 = arith.constant 1 : i32
    scf.for %scan3A_303 = %scan3A_99 to %scan3A_101 step %scan3A_102  : i32 {
      %broadcast_in_dim3A = arith.constant 1.000000e+00 : f32
      %broadcast_in_dim3A_304 = vector.broadcast %broadcast_in_dim3A : f32 to vector<16xf32>
      %mul3A_305 = arith.constant 16 : i32
      %mul3A_306 = arith.muli %scan3A_303, %mul3A_305 : i32
      %swap3A = arith.index_cast %mul3A_306 : i32 to index
      %swap3A_307 = tpu.vector_load %arg22[%swap3A] {strides = array<i32>} : memref<128xf32, #tpu.memory_space<vmem>>, vector<16xf32>,
      %swap3A_308 = vector.shape_cast %swap3A_307 : vector<16xf32> to vector<16xf32>
      %swap3A_309 = vector.shape_cast %broadcast_in_dim3A_304 : vector<16xf32> to vector<16xf32>
      tpu.vector_store %arg22[%swap3A], %swap3A_309 {strides = array<i32>} : memref<128xf32, #tpu.memory_space<vmem>>, vector<16xf32>,
    }
    %scan3A_103 = arith.constant 8 : i32
    %barrier3A = arith.constant 0 : index
    tpu.barrier barrier_id(%barrier3A)
    "tpu.trace_start"() <{level = 10 : i32, message = "phaseA"}> : () -> ()
    %mul3A_104 = arith.constant 19968 : i32
    %mul3A_105 = arith.muli %arg1, %mul3A_104 : i32
    %add3A_106 = arith.constant 0 : i32
    %add3A_107 = arith.addi %mul3A_105, %add3A_106 : i32
    %dma_start3A_108 = arith.constant 0 : i32
    %dma_start3A_109 = tpu.memref_slice %arg2[%dma_start3A_108, %add3A_107] : memref<2x320000xi32, #tpu.memory_space<hbm>> -> memref<2x4992xi32, #tpu.memory_space<hbm>>
    %dma_start3A_110 = arith.constant 0 : i32
    %dma_start3A_111 = tpu.memref_slice %arg2[%dma_start3A_110, %add3A_107] : memref<2x320000xi32, #tpu.memory_space<hbm>> -> memref<2x4992xi32, #tpu.memory_space<hbm>>
    tpu.enqueue_dma source(%dma_start3A_111 : memref<2x4992xi32, #tpu.memory_space<hbm>>) target(%arg9 : memref<2x4992xi32, #tpu.memory_space<vmem>>) target_semaphore(%arg29 : memref<!tpu.dma_semaphore, #tpu.memory_space<semaphore_mem>>)
    %dma_start3A_112 = tpu.memref_slice %arg3[%add3A_107] : memref<320000xi32, #tpu.memory_space<hbm>> -> memref<4992xi32, #tpu.memory_space<hbm>>
    %dma_start3A_113 = tpu.memref_slice %arg3[%add3A_107] : memref<320000xi32, #tpu.memory_space<hbm>> -> memref<4992xi32, #tpu.memory_space<hbm>>
    tpu.enqueue_dma source(%dma_start3A_113 : memref<4992xi32, #tpu.memory_space<hbm>>) target(%arg10 : memref<4992xi32, #tpu.memory_space<vmem>>) target_semaphore(%arg29 : memref<!tpu.dma_semaphore, #tpu.memory_space<semaphore_mem>>)
    %dma_wait3A_114 = arith.constant 0 : i32
    %dma_wait3A_115 = tpu.memref_slice %arg2[%dma_wait3A_114, %add3A_107] : memref<2x320000xi32, #tpu.memory_space<hbm>> -> memref<2x4992xi32, #tpu.memory_space<hbm>>
    %dma_wait3A_116 = arith.constant 0 : i32
    %dma_wait3A_117 = tpu.memref_slice %arg2[%dma_wait3A_116, %add3A_107] : memref<2x320000xi32, #tpu.memory_space<hbm>> -> memref<2x4992xi32, #tpu.memory_space<hbm>>
    tpu.wait_dma2 semaphore(%arg29 : memref<!tpu.dma_semaphore, #tpu.memory_space<semaphore_mem>>) src(%dma_wait3A_117 : memref<2x4992xi32, #tpu.memory_space<hbm>>) dst(%arg9 : memref<2x4992xi32, #tpu.memory_space<vmem>>)
    %dma_wait3A_118 = tpu.memref_slice %arg3[%add3A_107] : memref<320000xi32, #tpu.memory_space<hbm>> -> memref<4992xi32, #tpu.memory_space<hbm>>
    %dma_wait3A_119 = tpu.memref_slice %arg3[%add3A_107] : memref<320000xi32, #tpu.memory_space<hbm>> -> memref<4992xi32, #tpu.memory_space<hbm>>
    tpu.wait_dma2 semaphore(%arg29 : memref<!tpu.dma_semaphore, #tpu.memory_space<semaphore_mem>>) src(%dma_wait3A_119 : memref<4992xi32, #tpu.memory_space<hbm>>) dst(%arg10 : memref<4992xi32, #tpu.memory_space<vmem>>)
    %scan3A_120 = arith.constant 0 : i32
    %scan3A_121 = arith.constant 312 : i32
    %scan3A_122 = arith.addi %scan3A_120, %scan3A_121 : i32
    %scan3A_123 = arith.constant 1 : i32
    scf.for %scan3A_303 = %scan3A_120 to %scan3A_122 step %scan3A_123  : i32 {
      %mul3A_304 = arith.constant 16 : i32
      %mul3A_305 = arith.muli %scan3A_303, %mul3A_304 : i32
      %get3A = arith.index_cast %mul3A_305 : i32 to index
      %get3A_306 = tpu.vector_load %arg10[%get3A] {strides = array<i32>} : memref<4992xi32, #tpu.memory_space<vmem>>, vector<16xi32>,
      %get3A_307 = vector.shape_cast %get3A_306 : vector<16xi32> to vector<16xi32>
      %mul3A_308 = arith.constant 10240 : i32
      %mul3A_309 = vector.broadcast %mul3A_308 : i32 to vector<16xi32>
      %mul3A_310 = arith.muli %get3A_307, %mul3A_309 : vector<16xi32>
      %get3A_311 = arith.constant 1 : i32
      %get3A_312 = arith.index_cast %get3A_311 : i32 to index
      %get3A_313 = arith.index_cast %mul3A_305 : i32 to index
      %get3A_314 = tpu.vector_load %arg9[%get3A_312, %get3A_313] {strides = array<i32>} : memref<2x4992xi32, #tpu.memory_space<vmem>>, vector<1x16xi32>,
      %get3A_315 = vector.shape_cast %get3A_314 : vector<1x16xi32> to vector<16xi32>
      %add3A_316 = arith.addi %mul3A_310, %get3A_315 : vector<16xi32>
      %swap3A = arith.index_cast %mul3A_305 : i32 to index
      %swap3A_317 = tpu.vector_load %arg12[%swap3A] {strides = array<i32>} : memref<4992xi32, #tpu.memory_space<vmem>>, vector<16xi32>,
      %swap3A_318 = vector.shape_cast %swap3A_317 : vector<16xi32> to vector<16xi32>
      %swap3A_319 = vector.shape_cast %add3A_316 : vector<16xi32> to vector<16xi32>
      tpu.vector_store %arg12[%swap3A], %swap3A_319 {strides = array<i32>} : memref<4992xi32, #tpu.memory_space<vmem>>, vector<16xi32>,
    }
    %scan3A_124 = arith.constant 312 : i32
    %mul3A_125 = arith.constant 19968 : i32
    %mul3A_126 = arith.muli %arg1, %mul3A_125 : i32
    %add3A_127 = arith.constant 4992 : i32
    %add3A_128 = arith.addi %mul3A_126, %add3A_127 : i32
    %dma_start3A_129 = arith.constant 0 : i32
    %dma_start3A_130 = tpu.memref_slice %arg2[%dma_start3A_129, %add3A_128] : memref<2x320000xi32, #tpu.memory_space<hbm>> -> memref<2x4992xi32, #tpu.memory_space<hbm>>
    %dma_start3A_131 = arith.constant 0 : i32
    %dma_start3A_132 = tpu.memref_slice %arg2[%dma_start3A_131, %add3A_128] : memref<2x320000xi32, #tpu.memory_space<hbm>> -> memref<2x4992xi32, #tpu.memory_space<hbm>>
    tpu.enqueue_dma source(%dma_start3A_132 : memref<2x4992xi32, #tpu.memory_space<hbm>>) target(%arg9 : memref<2x4992xi32, #tpu.memory_space<vmem>>) target_semaphore(%arg29 : memref<!tpu.dma_semaphore, #tpu.memory_space<semaphore_mem>>)
    %dma_start3A_133 = tpu.memref_slice %arg3[%add3A_128] : memref<320000xi32, #tpu.memory_space<hbm>> -> memref<4992xi32, #tpu.memory_space<hbm>>
    %dma_start3A_134 = tpu.memref_slice %arg3[%add3A_128] : memref<320000xi32, #tpu.memory_space<hbm>> -> memref<4992xi32, #tpu.memory_space<hbm>>
    tpu.enqueue_dma source(%dma_start3A_134 : memref<4992xi32, #tpu.memory_space<hbm>>) target(%arg10 : memref<4992xi32, #tpu.memory_space<vmem>>) target_semaphore(%arg29 : memref<!tpu.dma_semaphore, #tpu.memory_space<semaphore_mem>>)
    %dma_start3A_135 = arith.constant 0 : i32
    %dma_start3A_136 = tpu.memref_slice %arg27[%dma_start3A_135] : memref<399360xf32, #tpu.memory_space<vmem_shared>> -> memref<399360xf32, #tpu.memory_space<vmem_shared>>
    tpu.enqueue_indirect_dma source(%arg14 : memref<4992xf32, #tpu.memory_space<vmem>>) target(%dma_start3A_136 : memref<399360xf32, #tpu.memory_space<vmem_shared>>) offsets(%arg12 : memref<4992xi32, #tpu.memory_space<vmem>>) semaphore(%arg30 : memref<!tpu.dma_semaphore, #tpu.memory_space<semaphore_mem>>) {add = true}
    %dma_wait3A_137 = arith.constant 0 : i32
    %dma_wait3A_138 = tpu.memref_slice %arg24[%dma_wait3A_137] : memref<320xi32, #tpu.memory_space<vmem>> -> memref<64xi32, #tpu.memory_space<vmem>>
    %dma_wait3A_139 = arith.constant 0 : i32
    %dma_wait3A_140 = arith.constant 0 : i32
    %dma_wait3A_141 = tpu.memref_slice %arg5[%dma_wait3A_139, %dma_wait3A_140] : memref<100000x128xf32, #tpu.memory_space<hbm>> -> memref<100000x128xf32, #tpu.memory_space<hbm>>
    tpu.wait_indirect_dma semaphore(%arg32 : memref<!tpu.dma_semaphore, #tpu.memory_space<semaphore_mem>>) src(%dma_wait3A_141 : memref<100000x128xf32, #tpu.memory_space<hbm>>) dst(%arg25 : memref<64x128xf32, #tpu.memory_space<vmem>>)
    %dma_start3A_142 = arith.constant 64 : i32
    %dma_start3A_143 = tpu.memref_slice %arg24[%dma_start3A_142] : memref<320xi32, #tpu.memory_space<vmem>> -> memref<64xi32, #tpu.memory_space<vmem>>
    %dma_start3A_144 = arith.constant 0 : i32
    %dma_start3A_145 = arith.constant 0 : i32
    %dma_start3A_146 = tpu.memref_slice %arg5[%dma_start3A_144, %dma_start3A_145] : memref<100000x128xf32, #tpu.memory_space<hbm>> -> memref<100000x128xf32, #tpu.memory_space<hbm>>
    tpu.enqueue_indirect_dma source(%dma_start3A_146 : memref<100000x128xf32, #tpu.memory_space<hbm>>) target(%arg26 : memref<64x128xf32, #tpu.memory_space<vmem>>) offsets(%dma_start3A_143 : memref<64xi32, #tpu.memory_space<vmem>>) semaphore(%arg32 : memref<!tpu.dma_semaphore, #tpu.memory_space<semaphore_mem>>)
    %mul3A_147 = arith.constant 320 : i32
    %mul3A_148 = arith.muli %add3A, %mul3A_147 : i32
    %add3A_149 = arith.constant 0 : i32
    %add3A_150 = arith.addi %mul3A_148, %add3A_149 : i32
    "tpu.region"() ({
      %run_scoped3A = tpu.sem_alloc : memref<!tpu.dma_semaphore, #tpu.memory_space<semaphore_mem>>
      %dma_start3A_303 = arith.constant 0 : i32
      %dma_start3A_304 = tpu.memref_slice %arg8[%add3A_150, %dma_start3A_303] : memref<10240x128xf32, #tpu.memory_space<hbm>> -> memref<64x128xf32, #tpu.memory_space<hbm>>
      %dma_start3A_305 = arith.constant 0 : i32
      %dma_start3A_306 = tpu.memref_slice %arg8[%add3A_150, %dma_start3A_305] : memref<10240x128xf32, #tpu.memory_space<hbm>> -> memref<64x128xf32, #tpu.memory_space<hbm>>
      tpu.enqueue_dma source(%arg25 : memref<64x128xf32, #tpu.memory_space<vmem>>) target(%dma_start3A_306 : memref<64x128xf32, #tpu.memory_space<hbm>>) target_semaphore(%run_scoped3A : memref<!tpu.dma_semaphore, #tpu.memory_space<semaphore_mem>>)
      %dma_wait3A_307 = arith.constant 0 : i32
      %dma_wait3A_308 = tpu.memref_slice %arg8[%add3A_150, %dma_wait3A_307] : memref<10240x128xf32, #tpu.memory_space<hbm>> -> memref<64x128xf32, #tpu.memory_space<hbm>>
      %dma_wait3A_309 = arith.constant 0 : i32
      %dma_wait3A_310 = tpu.memref_slice %arg8[%add3A_150, %dma_wait3A_309] : memref<10240x128xf32, #tpu.memory_space<hbm>> -> memref<64x128xf32, #tpu.memory_space<hbm>>
      tpu.wait_dma2 semaphore(%run_scoped3A : memref<!tpu.dma_semaphore, #tpu.memory_space<semaphore_mem>>) src(%arg25 : memref<64x128xf32, #tpu.memory_space<vmem>>) dst(%dma_wait3A_310 : memref<64x128xf32, #tpu.memory_space<hbm>>)
      tpu.yield
    }) : () -> ()
    %dma_wait3A_151 = arith.constant 0 : i32
    %dma_wait3A_152 = tpu.memref_slice %arg2[%dma_wait3A_151, %add3A_128] : memref<2x320000xi32, #tpu.memory_space<hbm>> -> memref<2x4992xi32, #tpu.memory_space<hbm>>
    %dma_wait3A_153 = arith.constant 0 : i32
    %dma_wait3A_154 = tpu.memref_slice %arg2[%dma_wait3A_153, %add3A_128] : memref<2x320000xi32, #tpu.memory_space<hbm>> -> memref<2x4992xi32, #tpu.memory_space<hbm>>
    tpu.wait_dma2 semaphore(%arg29 : memref<!tpu.dma_semaphore, #tpu.memory_space<semaphore_mem>>) src(%dma_wait3A_154 : memref<2x4992xi32, #tpu.memory_space<hbm>>) dst(%arg9 : memref<2x4992xi32, #tpu.memory_space<vmem>>)
    %dma_wait3A_155 = tpu.memref_slice %arg3[%add3A_128] : memref<320000xi32, #tpu.memory_space<hbm>> -> memref<4992xi32, #tpu.memory_space<hbm>>
    %dma_wait3A_156 = tpu.memref_slice %arg3[%add3A_128] : memref<320000xi32, #tpu.memory_space<hbm>> -> memref<4992xi32, #tpu.memory_space<hbm>>
    tpu.wait_dma2 semaphore(%arg29 : memref<!tpu.dma_semaphore, #tpu.memory_space<semaphore_mem>>) src(%dma_wait3A_156 : memref<4992xi32, #tpu.memory_space<hbm>>) dst(%arg10 : memref<4992xi32, #tpu.memory_space<vmem>>)
    %scan3A_157 = arith.constant 0 : i32
    %scan3A_158 = arith.constant 312 : i32
    %scan3A_159 = arith.addi %scan3A_157, %scan3A_158 : i32
    %scan3A_160 = arith.constant 1 : i32
    scf.for %scan3A_303 = %scan3A_157 to %scan3A_159 step %scan3A_160  : i32 {
      %mul3A_304 = arith.constant 16 : i32
      %mul3A_305 = arith.muli %scan3A_303, %mul3A_304 : i32
      %get3A = arith.index_cast %mul3A_305 : i32 to index
      %get3A_306 = tpu.vector_load %arg10[%get3A] {strides = array<i32>} : memref<4992xi32, #tpu.memory_space<vmem>>, vector<16xi32>,
      %get3A_307 = vector.shape_cast %get3A_306 : vector<16xi32> to vector<16xi32>
      %mul3A_308 = arith.constant 10240 : i32
      %mul3A_309 = vector.broadcast %mul3A_308 : i32 to vector<16xi32>
      %mul3A_310 = arith.muli %get3A_307, %mul3A_309 : vector<16xi32>
      %get3A_311 = arith.constant 1 : i32
      %get3A_312 = arith.index_cast %get3A_311 : i32 to index
      %get3A_313 = arith.index_cast %mul3A_305 : i32 to index
      %get3A_314 = tpu.vector_load %arg9[%get3A_312, %get3A_313] {strides = array<i32>} : memref<2x4992xi32, #tpu.memory_space<vmem>>, vector<1x16xi32>,
      %get3A_315 = vector.shape_cast %get3A_314 : vector<1x16xi32> to vector<16xi32>
      %add3A_316 = arith.addi %mul3A_310, %get3A_315 : vector<16xi32>
      %swap3A = arith.index_cast %mul3A_305 : i32 to index
      %swap3A_317 = tpu.vector_load %arg13[%swap3A] {strides = array<i32>} : memref<4992xi32, #tpu.memory_space<vmem>>, vector<16xi32>,
      %swap3A_318 = vector.shape_cast %swap3A_317 : vector<16xi32> to vector<16xi32>
      %swap3A_319 = vector.shape_cast %add3A_316 : vector<16xi32> to vector<16xi32>
      tpu.vector_store %arg13[%swap3A], %swap3A_319 {strides = array<i32>} : memref<4992xi32, #tpu.memory_space<vmem>>, vector<16xi32>,
    }
    %scan3A_161 = arith.constant 312 : i32
    %mul3A_162 = arith.constant 19968 : i32
    %mul3A_163 = arith.muli %arg1, %mul3A_162 : i32
    %add3A_164 = arith.constant 9984 : i32
    %add3A_165 = arith.addi %mul3A_163, %add3A_164 : i32
    %dma_start3A_166 = arith.constant 0 : i32
    %dma_start3A_167 = tpu.memref_slice %arg2[%dma_start3A_166, %add3A_165] : memref<2x320000xi32, #tpu.memory_space<hbm>> -> memref<2x4992xi32, #tpu.memory_space<hbm>>
    %dma_start3A_168 = arith.constant 0 : i32
    %dma_start3A_169 = tpu.memref_slice %arg2[%dma_start3A_168, %add3A_165] : memref<2x320000xi32, #tpu.memory_space<hbm>> -> memref<2x4992xi32, #tpu.memory_space<hbm>>
    tpu.enqueue_dma source(%dma_start3A_169 : memref<2x4992xi32, #tpu.memory_space<hbm>>) target(%arg9 : memref<2x4992xi32, #tpu.memory_space<vmem>>) target_semaphore(%arg29 : memref<!tpu.dma_semaphore, #tpu.memory_space<semaphore_mem>>)
    %dma_start3A_170 = tpu.memref_slice %arg3[%add3A_165] : memref<320000xi32, #tpu.memory_space<hbm>> -> memref<4992xi32, #tpu.memory_space<hbm>>
    %dma_start3A_171 = tpu.memref_slice %arg3[%add3A_165] : memref<320000xi32, #tpu.memory_space<hbm>> -> memref<4992xi32, #tpu.memory_space<hbm>>
    tpu.enqueue_dma source(%dma_start3A_171 : memref<4992xi32, #tpu.memory_space<hbm>>) target(%arg10 : memref<4992xi32, #tpu.memory_space<vmem>>) target_semaphore(%arg29 : memref<!tpu.dma_semaphore, #tpu.memory_space<semaphore_mem>>)
    %dma_wait3A_172 = arith.constant 0 : i32
    %dma_wait3A_173 = tpu.memref_slice %arg27[%dma_wait3A_172] : memref<399360xf32, #tpu.memory_space<vmem_shared>> -> memref<399360xf32, #tpu.memory_space<vmem_shared>>
    tpu.wait_indirect_dma semaphore(%arg30 : memref<!tpu.dma_semaphore, #tpu.memory_space<semaphore_mem>>) src(%arg14 : memref<4992xf32, #tpu.memory_space<vmem>>) dst(%dma_wait3A_173 : memref<399360xf32, #tpu.memory_space<vmem_shared>>)
    %dma_start3A_174 = arith.constant 0 : i32
    %dma_start3A_175 = tpu.memref_slice %arg27[%dma_start3A_174] : memref<399360xf32, #tpu.memory_space<vmem_shared>> -> memref<399360xf32, #tpu.memory_space<vmem_shared>>
    tpu.enqueue_indirect_dma source(%arg15 : memref<4992xf32, #tpu.memory_space<vmem>>) target(%dma_start3A_175 : memref<399360xf32, #tpu.memory_space<vmem_shared>>) offsets(%arg13 : memref<4992xi32, #tpu.memory_space<vmem>>) semaphore(%arg30 : memref<!tpu.dma_semaphore, #tpu.memory_space<semaphore_mem>>) {add = true}
    %dma_wait3A_176 = arith.constant 64 : i32
    %dma_wait3A_177 = tpu.memref_slice %arg24[%dma_wait3A_176] : memref<320xi32, #tpu.memory_space<vmem>> -> memref<64xi32, #tpu.memory_space<vmem>>
    %dma_wait3A_178 = arith.constant 0 : i32
    %dma_wait3A_179 = arith.constant 0 : i32
    %dma_wait3A_180 = tpu.memref_slice %arg5[%dma_wait3A_178, %dma_wait3A_179] : memref<100000x128xf32, #tpu.memory_space<hbm>> -> memref<100000x128xf32, #tpu.memory_space<hbm>>
    tpu.wait_indirect_dma semaphore(%arg32 : memref<!tpu.dma_semaphore, #tpu.memory_space<semaphore_mem>>) src(%dma_wait3A_180 : memref<100000x128xf32, #tpu.memory_space<hbm>>) dst(%arg26 : memref<64x128xf32, #tpu.memory_space<vmem>>)
    %dma_start3A_181 = arith.constant 128 : i32
    %dma_start3A_182 = tpu.memref_slice %arg24[%dma_start3A_181] : memref<320xi32, #tpu.memory_space<vmem>> -> memref<64xi32, #tpu.memory_space<vmem>>
    %dma_start3A_183 = arith.constant 0 : i32
    %dma_start3A_184 = arith.constant 0 : i32
    %dma_start3A_185 = tpu.memref_slice %arg5[%dma_start3A_183, %dma_start3A_184] : memref<100000x128xf32, #tpu.memory_space<hbm>> -> memref<100000x128xf32, #tpu.memory_space<hbm>>
    tpu.enqueue_indirect_dma source(%dma_start3A_185 : memref<100000x128xf32, #tpu.memory_space<hbm>>) target(%arg25 : memref<64x128xf32, #tpu.memory_space<vmem>>) offsets(%dma_start3A_182 : memref<64xi32, #tpu.memory_space<vmem>>) semaphore(%arg32 : memref<!tpu.dma_semaphore, #tpu.memory_space<semaphore_mem>>)
    %mul3A_186 = arith.constant 320 : i32
    %mul3A_187 = arith.muli %add3A, %mul3A_186 : i32
    %add3A_188 = arith.constant 64 : i32
    %add3A_189 = arith.addi %mul3A_187, %add3A_188 : i32
    "tpu.region"() ({
      %run_scoped3A = tpu.sem_alloc : memref<!tpu.dma_semaphore, #tpu.memory_space<semaphore_mem>>
      %dma_start3A_303 = arith.constant 0 : i32
      %dma_start3A_304 = tpu.memref_slice %arg8[%add3A_189, %dma_start3A_303] : memref<10240x128xf32, #tpu.memory_space<hbm>> -> memref<64x128xf32, #tpu.memory_space<hbm>>
      %dma_start3A_305 = arith.constant 0 : i32
      %dma_start3A_306 = tpu.memref_slice %arg8[%add3A_189, %dma_start3A_305] : memref<10240x128xf32, #tpu.memory_space<hbm>> -> memref<64x128xf32, #tpu.memory_space<hbm>>
      tpu.enqueue_dma source(%arg26 : memref<64x128xf32, #tpu.memory_space<vmem>>) target(%dma_start3A_306 : memref<64x128xf32, #tpu.memory_space<hbm>>) target_semaphore(%run_scoped3A : memref<!tpu.dma_semaphore, #tpu.memory_space<semaphore_mem>>)
      %dma_wait3A_307 = arith.constant 0 : i32
      %dma_wait3A_308 = tpu.memref_slice %arg8[%add3A_189, %dma_wait3A_307] : memref<10240x128xf32, #tpu.memory_space<hbm>> -> memref<64x128xf32, #tpu.memory_space<hbm>>
      %dma_wait3A_309 = arith.constant 0 : i32
      %dma_wait3A_310 = tpu.memref_slice %arg8[%add3A_189, %dma_wait3A_309] : memref<10240x128xf32, #tpu.memory_space<hbm>> -> memref<64x128xf32, #tpu.memory_space<hbm>>
      tpu.wait_dma2 semaphore(%run_scoped3A : memref<!tpu.dma_semaphore, #tpu.memory_space<semaphore_mem>>) src(%arg26 : memref<64x128xf32, #tpu.memory_space<vmem>>) dst(%dma_wait3A_310 : memref<64x128xf32, #tpu.memory_space<hbm>>)
      tpu.yield
    }) : () -> ()
    %dma_wait3A_190 = arith.constant 0 : i32
    %dma_wait3A_191 = tpu.memref_slice %arg2[%dma_wait3A_190, %add3A_165] : memref<2x320000xi32, #tpu.memory_space<hbm>> -> memref<2x4992xi32, #tpu.memory_space<hbm>>
    %dma_wait3A_192 = arith.constant 0 : i32
    %dma_wait3A_193 = tpu.memref_slice %arg2[%dma_wait3A_192, %add3A_165] : memref<2x320000xi32, #tpu.memory_space<hbm>> -> memref<2x4992xi32, #tpu.memory_space<hbm>>
    tpu.wait_dma2 semaphore(%arg29 : memref<!tpu.dma_semaphore, #tpu.memory_space<semaphore_mem>>) src(%dma_wait3A_193 : memref<2x4992xi32, #tpu.memory_space<hbm>>) dst(%arg9 : memref<2x4992xi32, #tpu.memory_space<vmem>>)
    %dma_wait3A_194 = tpu.memref_slice %arg3[%add3A_165] : memref<320000xi32, #tpu.memory_space<hbm>> -> memref<4992xi32, #tpu.memory_space<hbm>>
    %dma_wait3A_195 = tpu.memref_slice %arg3[%add3A_165] : memref<320000xi32, #tpu.memory_space<hbm>> -> memref<4992xi32, #tpu.memory_space<hbm>>
    tpu.wait_dma2 semaphore(%arg29 : memref<!tpu.dma_semaphore, #tpu.memory_space<semaphore_mem>>) src(%dma_wait3A_195 : memref<4992xi32, #tpu.memory_space<hbm>>) dst(%arg10 : memref<4992xi32, #tpu.memory_space<vmem>>)
    %scan3A_196 = arith.constant 0 : i32
    %scan3A_197 = arith.constant 312 : i32
    %scan3A_198 = arith.addi %scan3A_196, %scan3A_197 : i32
    %scan3A_199 = arith.constant 1 : i32
    scf.for %scan3A_303 = %scan3A_196 to %scan3A_198 step %scan3A_199  : i32 {
      %mul3A_304 = arith.constant 16 : i32
      %mul3A_305 = arith.muli %scan3A_303, %mul3A_304 : i32
      %get3A = arith.index_cast %mul3A_305 : i32 to index
      %get3A_306 = tpu.vector_load %arg10[%get3A] {strides = array<i32>} : memref<4992xi32, #tpu.memory_space<vmem>>, vector<16xi32>,
      %get3A_307 = vector.shape_cast %get3A_306 : vector<16xi32> to vector<16xi32>
      %mul3A_308 = arith.constant 10240 : i32
      %mul3A_309 = vector.broadcast %mul3A_308 : i32 to vector<16xi32>
      %mul3A_310 = arith.muli %get3A_307, %mul3A_309 : vector<16xi32>
      %get3A_311 = arith.constant 1 : i32
      %get3A_312 = arith.index_cast %get3A_311 : i32 to index
      %get3A_313 = arith.index_cast %mul3A_305 : i32 to index
      %get3A_314 = tpu.vector_load %arg9[%get3A_312, %get3A_313] {strides = array<i32>} : memref<2x4992xi32, #tpu.memory_space<vmem>>, vector<1x16xi32>,
      %get3A_315 = vector.shape_cast %get3A_314 : vector<1x16xi32> to vector<16xi32>
      %add3A_316 = arith.addi %mul3A_310, %get3A_315 : vector<16xi32>
      %swap3A = arith.index_cast %mul3A_305 : i32 to index
      %swap3A_317 = tpu.vector_load %arg12[%swap3A] {strides = array<i32>} : memref<4992xi32, #tpu.memory_space<vmem>>, vector<16xi32>,
      %swap3A_318 = vector.shape_cast %swap3A_317 : vector<16xi32> to vector<16xi32>
      %swap3A_319 = vector.shape_cast %add3A_316 : vector<16xi32> to vector<16xi32>
      tpu.vector_store %arg12[%swap3A], %swap3A_319 {strides = array<i32>} : memref<4992xi32, #tpu.memory_space<vmem>>, vector<16xi32>,
    }
    %scan3A_200 = arith.constant 312 : i32
    %mul3A_201 = arith.constant 19968 : i32
    %mul3A_202 = arith.muli %arg1, %mul3A_201 : i32
    %add3A_203 = arith.constant 14976 : i32
    %add3A_204 = arith.addi %mul3A_202, %add3A_203 : i32
    %dma_start3A_205 = arith.constant 0 : i32
    %dma_start3A_206 = tpu.memref_slice %arg2[%dma_start3A_205, %add3A_204] : memref<2x320000xi32, #tpu.memory_space<hbm>> -> memref<2x4992xi32, #tpu.memory_space<hbm>>
    %dma_start3A_207 = arith.constant 0 : i32
    %dma_start3A_208 = tpu.memref_slice %arg2[%dma_start3A_207, %add3A_204] : memref<2x320000xi32, #tpu.memory_space<hbm>> -> memref<2x4992xi32, #tpu.memory_space<hbm>>
    tpu.enqueue_dma source(%dma_start3A_208 : memref<2x4992xi32, #tpu.memory_space<hbm>>) target(%arg9 : memref<2x4992xi32, #tpu.memory_space<vmem>>) target_semaphore(%arg29 : memref<!tpu.dma_semaphore, #tpu.memory_space<semaphore_mem>>)
    %dma_start3A_209 = tpu.memref_slice %arg3[%add3A_204] : memref<320000xi32, #tpu.memory_space<hbm>> -> memref<4992xi32, #tpu.memory_space<hbm>>
    %dma_start3A_210 = tpu.memref_slice %arg3[%add3A_204] : memref<320000xi32, #tpu.memory_space<hbm>> -> memref<4992xi32, #tpu.memory_space<hbm>>
    tpu.enqueue_dma source(%dma_start3A_210 : memref<4992xi32, #tpu.memory_space<hbm>>) target(%arg10 : memref<4992xi32, #tpu.memory_space<vmem>>) target_semaphore(%arg29 : memref<!tpu.dma_semaphore, #tpu.memory_space<semaphore_mem>>)
    %dma_wait3A_211 = arith.constant 0 : i32
    %dma_wait3A_212 = tpu.memref_slice %arg27[%dma_wait3A_211] : memref<399360xf32, #tpu.memory_space<vmem_shared>> -> memref<399360xf32, #tpu.memory_space<vmem_shared>>
    tpu.wait_indirect_dma semaphore(%arg30 : memref<!tpu.dma_semaphore, #tpu.memory_space<semaphore_mem>>) src(%arg15 : memref<4992xf32, #tpu.memory_space<vmem>>) dst(%dma_wait3A_212 : memref<399360xf32, #tpu.memory_space<vmem_shared>>)
    %dma_start3A_213 = arith.constant 0 : i32
    %dma_start3A_214 = tpu.memref_slice %arg27[%dma_start3A_213] : memref<399360xf32, #tpu.memory_space<vmem_shared>> -> memref<399360xf32, #tpu.memory_space<vmem_shared>>
    tpu.enqueue_indirect_dma source(%arg14 : memref<4992xf32, #tpu.memory_space<vmem>>) target(%dma_start3A_214 : memref<399360xf32, #tpu.memory_space<vmem_shared>>) offsets(%arg12 : memref<4992xi32, #tpu.memory_space<vmem>>) semaphore(%arg30 : memref<!tpu.dma_semaphore, #tpu.memory_space<semaphore_mem>>) {add = true}
    %dma_wait3A_215 = arith.constant 128 : i32
    %dma_wait3A_216 = tpu.memref_slice %arg24[%dma_wait3A_215] : memref<320xi32, #tpu.memory_space<vmem>> -> memref<64xi32, #tpu.memory_space<vmem>>
    %dma_wait3A_217 = arith.constant 0 : i32
    %dma_wait3A_218 = arith.constant 0 : i32
    %dma_wait3A_219 = tpu.memref_slice %arg5[%dma_wait3A_217, %dma_wait3A_218] : memref<100000x128xf32, #tpu.memory_space<hbm>> -> memref<100000x128xf32, #tpu.memory_space<hbm>>
    tpu.wait_indirect_dma semaphore(%arg32 : memref<!tpu.dma_semaphore, #tpu.memory_space<semaphore_mem>>) src(%dma_wait3A_219 : memref<100000x128xf32, #tpu.memory_space<hbm>>) dst(%arg25 : memref<64x128xf32, #tpu.memory_space<vmem>>)
    %dma_start3A_220 = arith.constant 192 : i32
    %dma_start3A_221 = tpu.memref_slice %arg24[%dma_start3A_220] : memref<320xi32, #tpu.memory_space<vmem>> -> memref<64xi32, #tpu.memory_space<vmem>>
    %dma_start3A_222 = arith.constant 0 : i32
    %dma_start3A_223 = arith.constant 0 : i32
    %dma_start3A_224 = tpu.memref_slice %arg5[%dma_start3A_222, %dma_start3A_223] : memref<100000x128xf32, #tpu.memory_space<hbm>> -> memref<100000x128xf32, #tpu.memory_space<hbm>>
    tpu.enqueue_indirect_dma source(%dma_start3A_224 : memref<100000x128xf32, #tpu.memory_space<hbm>>) target(%arg26 : memref<64x128xf32, #tpu.memory_space<vmem>>) offsets(%dma_start3A_221 : memref<64xi32, #tpu.memory_space<vmem>>) semaphore(%arg32 : memref<!tpu.dma_semaphore, #tpu.memory_space<semaphore_mem>>)
    %mul3A_225 = arith.constant 320 : i32
    %mul3A_226 = arith.muli %add3A, %mul3A_225 : i32
    %add3A_227 = arith.constant 128 : i32
    %add3A_228 = arith.addi %mul3A_226, %add3A_227 : i32
    "tpu.region"() ({
      %run_scoped3A = tpu.sem_alloc : memref<!tpu.dma_semaphore, #tpu.memory_space<semaphore_mem>>
      %dma_start3A_303 = arith.constant 0 : i32
      %dma_start3A_304 = tpu.memref_slice %arg8[%add3A_228, %dma_start3A_303] : memref<10240x128xf32, #tpu.memory_space<hbm>> -> memref<64x128xf32, #tpu.memory_space<hbm>>
      %dma_start3A_305 = arith.constant 0 : i32
      %dma_start3A_306 = tpu.memref_slice %arg8[%add3A_228, %dma_start3A_305] : memref<10240x128xf32, #tpu.memory_space<hbm>> -> memref<64x128xf32, #tpu.memory_space<hbm>>
      tpu.enqueue_dma source(%arg25 : memref<64x128xf32, #tpu.memory_space<vmem>>) target(%dma_start3A_306 : memref<64x128xf32, #tpu.memory_space<hbm>>) target_semaphore(%run_scoped3A : memref<!tpu.dma_semaphore, #tpu.memory_space<semaphore_mem>>)
      %dma_wait3A_307 = arith.constant 0 : i32
      %dma_wait3A_308 = tpu.memref_slice %arg8[%add3A_228, %dma_wait3A_307] : memref<10240x128xf32, #tpu.memory_space<hbm>> -> memref<64x128xf32, #tpu.memory_space<hbm>>
      %dma_wait3A_309 = arith.constant 0 : i32
      %dma_wait3A_310 = tpu.memref_slice %arg8[%add3A_228, %dma_wait3A_309] : memref<10240x128xf32, #tpu.memory_space<hbm>> -> memref<64x128xf32, #tpu.memory_space<hbm>>
      tpu.wait_dma2 semaphore(%run_scoped3A : memref<!tpu.dma_semaphore, #tpu.memory_space<semaphore_mem>>) src(%arg25 : memref<64x128xf32, #tpu.memory_space<vmem>>) dst(%dma_wait3A_310 : memref<64x128xf32, #tpu.memory_space<hbm>>)
      tpu.yield
    }) : () -> ()
    %dma_wait3A_229 = arith.constant 0 : i32
    %dma_wait3A_230 = tpu.memref_slice %arg2[%dma_wait3A_229, %add3A_204] : memref<2x320000xi32, #tpu.memory_space<hbm>> -> memref<2x4992xi32, #tpu.memory_space<hbm>>
    %dma_wait3A_231 = arith.constant 0 : i32
    %dma_wait3A_232 = tpu.memref_slice %arg2[%dma_wait3A_231, %add3A_204] : memref<2x320000xi32, #tpu.memory_space<hbm>> -> memref<2x4992xi32, #tpu.memory_space<hbm>>
    tpu.wait_dma2 semaphore(%arg29 : memref<!tpu.dma_semaphore, #tpu.memory_space<semaphore_mem>>) src(%dma_wait3A_232 : memref<2x4992xi32, #tpu.memory_space<hbm>>) dst(%arg9 : memref<2x4992xi32, #tpu.memory_space<vmem>>)
    %dma_wait3A_233 = tpu.memref_slice %arg3[%add3A_204] : memref<320000xi32, #tpu.memory_space<hbm>> -> memref<4992xi32, #tpu.memory_space<hbm>>
    %dma_wait3A_234 = tpu.memref_slice %arg3[%add3A_204] : memref<320000xi32, #tpu.memory_space<hbm>> -> memref<4992xi32, #tpu.memory_space<hbm>>
    tpu.wait_dma2 semaphore(%arg29 : memref<!tpu.dma_semaphore, #tpu.memory_space<semaphore_mem>>) src(%dma_wait3A_234 : memref<4992xi32, #tpu.memory_space<hbm>>) dst(%arg10 : memref<4992xi32, #tpu.memory_space<vmem>>)
    %scan3A_235 = arith.constant 0 : i32
    %scan3A_236 = arith.constant 312 : i32
    %scan3A_237 = arith.addi %scan3A_235, %scan3A_236 : i32
    %scan3A_238 = arith.constant 1 : i32
    scf.for %scan3A_303 = %scan3A_235 to %scan3A_237 step %scan3A_238  : i32 {
      %mul3A_304 = arith.constant 16 : i32
      %mul3A_305 = arith.muli %scan3A_303, %mul3A_304 : i32
      %get3A = arith.index_cast %mul3A_305 : i32 to index
      %get3A_306 = tpu.vector_load %arg10[%get3A] {strides = array<i32>} : memref<4992xi32, #tpu.memory_space<vmem>>, vector<16xi32>,
      %get3A_307 = vector.shape_cast %get3A_306 : vector<16xi32> to vector<16xi32>
      %mul3A_308 = arith.constant 10240 : i32
      %mul3A_309 = vector.broadcast %mul3A_308 : i32 to vector<16xi32>
      %mul3A_310 = arith.muli %get3A_307, %mul3A_309 : vector<16xi32>
      %get3A_311 = arith.constant 1 : i32
      %get3A_312 = arith.index_cast %get3A_311 : i32 to index
      %get3A_313 = arith.index_cast %mul3A_305 : i32 to index
      %get3A_314 = tpu.vector_load %arg9[%get3A_312, %get3A_313] {strides = array<i32>} : memref<2x4992xi32, #tpu.memory_space<vmem>>, vector<1x16xi32>,
      %get3A_315 = vector.shape_cast %get3A_314 : vector<1x16xi32> to vector<16xi32>
      %add3A_316 = arith.addi %mul3A_310, %get3A_315 : vector<16xi32>
      %swap3A = arith.index_cast %mul3A_305 : i32 to index
      %swap3A_317 = tpu.vector_load %arg13[%swap3A] {strides = array<i32>} : memref<4992xi32, #tpu.memory_space<vmem>>, vector<16xi32>,
      %swap3A_318 = vector.shape_cast %swap3A_317 : vector<16xi32> to vector<16xi32>
      %swap3A_319 = vector.shape_cast %add3A_316 : vector<16xi32> to vector<16xi32>
      tpu.vector_store %arg13[%swap3A], %swap3A_319 {strides = array<i32>} : memref<4992xi32, #tpu.memory_space<vmem>>, vector<16xi32>,
    }
    %scan3A_239 = arith.constant 312 : i32
    %dma_wait3A_240 = arith.constant 0 : i32
    %dma_wait3A_241 = tpu.memref_slice %arg27[%dma_wait3A_240] : memref<399360xf32, #tpu.memory_space<vmem_shared>> -> memref<399360xf32, #tpu.memory_space<vmem_shared>>
    tpu.wait_indirect_dma semaphore(%arg30 : memref<!tpu.dma_semaphore, #tpu.memory_space<semaphore_mem>>) src(%arg14 : memref<4992xf32, #tpu.memory_space<vmem>>) dst(%dma_wait3A_241 : memref<399360xf32, #tpu.memory_space<vmem_shared>>)
    %dma_start3A_242 = arith.constant 0 : i32
    %dma_start3A_243 = tpu.memref_slice %arg27[%dma_start3A_242] : memref<399360xf32, #tpu.memory_space<vmem_shared>> -> memref<399360xf32, #tpu.memory_space<vmem_shared>>
    tpu.enqueue_indirect_dma source(%arg15 : memref<4992xf32, #tpu.memory_space<vmem>>) target(%dma_start3A_243 : memref<399360xf32, #tpu.memory_space<vmem_shared>>) offsets(%arg13 : memref<4992xi32, #tpu.memory_space<vmem>>) semaphore(%arg30 : memref<!tpu.dma_semaphore, #tpu.memory_space<semaphore_mem>>) {add = true}
    %dma_wait3A_244 = arith.constant 192 : i32
    %dma_wait3A_245 = tpu.memref_slice %arg24[%dma_wait3A_244] : memref<320xi32, #tpu.memory_space<vmem>> -> memref<64xi32, #tpu.memory_space<vmem>>
    %dma_wait3A_246 = arith.constant 0 : i32
    %dma_wait3A_247 = arith.constant 0 : i32
    %dma_wait3A_248 = tpu.memref_slice %arg5[%dma_wait3A_246, %dma_wait3A_247] : memref<100000x128xf32, #tpu.memory_space<hbm>> -> memref<100000x128xf32, #tpu.memory_space<hbm>>
    tpu.wait_indirect_dma semaphore(%arg32 : memref<!tpu.dma_semaphore, #tpu.memory_space<semaphore_mem>>) src(%dma_wait3A_248 : memref<100000x128xf32, #tpu.memory_space<hbm>>) dst(%arg26 : memref<64x128xf32, #tpu.memory_space<vmem>>)
    %dma_start3A_249 = arith.constant 256 : i32
    %dma_start3A_250 = tpu.memref_slice %arg24[%dma_start3A_249] : memref<320xi32, #tpu.memory_space<vmem>> -> memref<64xi32, #tpu.memory_space<vmem>>
    %dma_start3A_251 = arith.constant 0 : i32
    %dma_start3A_252 = arith.constant 0 : i32
    %dma_start3A_253 = tpu.memref_slice %arg5[%dma_start3A_251, %dma_start3A_252] : memref<100000x128xf32, #tpu.memory_space<hbm>> -> memref<100000x128xf32, #tpu.memory_space<hbm>>
    tpu.enqueue_indirect_dma source(%dma_start3A_253 : memref<100000x128xf32, #tpu.memory_space<hbm>>) target(%arg25 : memref<64x128xf32, #tpu.memory_space<vmem>>) offsets(%dma_start3A_250 : memref<64xi32, #tpu.memory_space<vmem>>) semaphore(%arg32 : memref<!tpu.dma_semaphore, #tpu.memory_space<semaphore_mem>>)
    %mul3A_254 = arith.constant 320 : i32
    %mul3A_255 = arith.muli %add3A, %mul3A_254 : i32
    %add3A_256 = arith.constant 192 : i32
    %add3A_257 = arith.addi %mul3A_255, %add3A_256 : i32
    "tpu.region"() ({
      %run_scoped3A = tpu.sem_alloc : memref<!tpu.dma_semaphore, #tpu.memory_space<semaphore_mem>>
      %dma_start3A_303 = arith.constant 0 : i32
      %dma_start3A_304 = tpu.memref_slice %arg8[%add3A_257, %dma_start3A_303] : memref<10240x128xf32, #tpu.memory_space<hbm>> -> memref<64x128xf32, #tpu.memory_space<hbm>>
      %dma_start3A_305 = arith.constant 0 : i32
      %dma_start3A_306 = tpu.memref_slice %arg8[%add3A_257, %dma_start3A_305] : memref<10240x128xf32, #tpu.memory_space<hbm>> -> memref<64x128xf32, #tpu.memory_space<hbm>>
      tpu.enqueue_dma source(%arg26 : memref<64x128xf32, #tpu.memory_space<vmem>>) target(%dma_start3A_306 : memref<64x128xf32, #tpu.memory_space<hbm>>) target_semaphore(%run_scoped3A : memref<!tpu.dma_semaphore, #tpu.memory_space<semaphore_mem>>)
      %dma_wait3A_307 = arith.constant 0 : i32
      %dma_wait3A_308 = tpu.memref_slice %arg8[%add3A_257, %dma_wait3A_307] : memref<10240x128xf32, #tpu.memory_space<hbm>> -> memref<64x128xf32, #tpu.memory_space<hbm>>
      %dma_wait3A_309 = arith.constant 0 : i32
      %dma_wait3A_310 = tpu.memref_slice %arg8[%add3A_257, %dma_wait3A_309] : memref<10240x128xf32, #tpu.memory_space<hbm>> -> memref<64x128xf32, #tpu.memory_space<hbm>>
      tpu.wait_dma2 semaphore(%run_scoped3A : memref<!tpu.dma_semaphore, #tpu.memory_space<semaphore_mem>>) src(%arg26 : memref<64x128xf32, #tpu.memory_space<vmem>>) dst(%dma_wait3A_310 : memref<64x128xf32, #tpu.memory_space<hbm>>)
      tpu.yield
    }) : () -> ()
    %dma_wait3A_258 = arith.constant 0 : i32
    %dma_wait3A_259 = tpu.memref_slice %arg27[%dma_wait3A_258] : memref<399360xf32, #tpu.memory_space<vmem_shared>> -> memref<399360xf32, #tpu.memory_space<vmem_shared>>
    tpu.wait_indirect_dma semaphore(%arg30 : memref<!tpu.dma_semaphore, #tpu.memory_space<semaphore_mem>>) src(%arg15 : memref<4992xf32, #tpu.memory_space<vmem>>) dst(%dma_wait3A_259 : memref<399360xf32, #tpu.memory_space<vmem_shared>>)
    %dma_wait3A_260 = arith.constant 256 : i32
    %dma_wait3A_261 = tpu.memref_slice %arg24[%dma_wait3A_260] : memref<320xi32, #tpu.memory_space<vmem>> -> memref<64xi32, #tpu.memory_space<vmem>>
    %dma_wait3A_262 = arith.constant 0 : i32
    %dma_wait3A_263 = arith.constant 0 : i32
    %dma_wait3A_264 = tpu.memref_slice %arg5[%dma_wait3A_262, %dma_wait3A_263] : memref<100000x128xf32, #tpu.memory_space<hbm>> -> memref<100000x128xf32, #tpu.memory_space<hbm>>
    tpu.wait_indirect_dma semaphore(%arg32 : memref<!tpu.dma_semaphore, #tpu.memory_space<semaphore_mem>>) src(%dma_wait3A_264 : memref<100000x128xf32, #tpu.memory_space<hbm>>) dst(%arg25 : memref<64x128xf32, #tpu.memory_space<vmem>>)
    %mul3A_265 = arith.constant 320 : i32
    %mul3A_266 = arith.muli %add3A, %mul3A_265 : i32
    %add3A_267 = arith.constant 256 : i32
    %add3A_268 = arith.addi %mul3A_266, %add3A_267 : i32
    "tpu.region"() ({
      %run_scoped3A = tpu.sem_alloc : memref<!tpu.dma_semaphore, #tpu.memory_space<semaphore_mem>>
      %dma_start3A_303 = arith.constant 0 : i32
      %dma_start3A_304 = tpu.memref_slice %arg8[%add3A_268, %dma_start3A_303] : memref<10240x128xf32, #tpu.memory_space<hbm>> -> memref<64x128xf32, #tpu.memory_space<hbm>>
      %dma_start3A_305 = arith.constant 0 : i32
      %dma_start3A_306 = tpu.memref_slice %arg8[%add3A_268, %dma_start3A_305] : memref<10240x128xf32, #tpu.memory_space<hbm>> -> memref<64x128xf32, #tpu.memory_space<hbm>>
      tpu.enqueue_dma source(%arg25 : memref<64x128xf32, #tpu.memory_space<vmem>>) target(%dma_start3A_306 : memref<64x128xf32, #tpu.memory_space<hbm>>) target_semaphore(%run_scoped3A : memref<!tpu.dma_semaphore, #tpu.memory_space<semaphore_mem>>)
      %dma_wait3A_307 = arith.constant 0 : i32
      %dma_wait3A_308 = tpu.memref_slice %arg8[%add3A_268, %dma_wait3A_307] : memref<10240x128xf32, #tpu.memory_space<hbm>> -> memref<64x128xf32, #tpu.memory_space<hbm>>
      %dma_wait3A_309 = arith.constant 0 : i32
      %dma_wait3A_310 = tpu.memref_slice %arg8[%add3A_268, %dma_wait3A_309] : memref<10240x128xf32, #tpu.memory_space<hbm>> -> memref<64x128xf32, #tpu.memory_space<hbm>>
      tpu.wait_dma2 semaphore(%run_scoped3A : memref<!tpu.dma_semaphore, #tpu.memory_space<semaphore_mem>>) src(%arg25 : memref<64x128xf32, #tpu.memory_space<vmem>>) dst(%dma_wait3A_310 : memref<64x128xf32, #tpu.memory_space<hbm>>)
      tpu.yield
    }) : () -> ()
    %lt3A_269 = arith.constant 4 : i32
    %lt3A_270 = arith.cmpi slt, %arg1, %lt3A_269 : i32
    %convert_element_type3A_271 = arith.extui %lt3A_270 : i1 to i32
    %cond3A_272 = arith.constant 0 : i32
    %cond3A_273 = arith.cmpi ne, %convert_element_type3A_271, %cond3A_272 : i32
    scf.if %cond3A_273 {
      %mul3A_303 = arith.constant 128 : i32
      %mul3A_304 = arith.muli %arg1, %mul3A_303 : i32
      %add3A_305 = arith.constant 319488 : i32
      %add3A_306 = arith.addi %add3A_305, %mul3A_304 : i32
      "tpu.region"() ({
        %run_scoped3A = tpu.sem_alloc : memref<!tpu.dma_semaphore, #tpu.memory_space<semaphore_mem>>
        %dma_start3A_312 = arith.constant 0 : i32
        %dma_start3A_313 = tpu.memref_slice %arg2[%dma_start3A_312, %add3A_306] : memref<2x320000xi32, #tpu.memory_space<hbm>> -> memref<2x128xi32, #tpu.memory_space<hbm>>
        %dma_start3A_314 = arith.constant 0 : i32
        %dma_start3A_315 = tpu.memref_slice %arg2[%dma_start3A_314, %add3A_306] : memref<2x320000xi32, #tpu.memory_space<hbm>> -> memref<2x128xi32, #tpu.memory_space<hbm>>
        tpu.enqueue_dma source(%dma_start3A_315 : memref<2x128xi32, #tpu.memory_space<hbm>>) target(%arg18 : memref<2x128xi32, #tpu.memory_space<vmem>>) target_semaphore(%run_scoped3A : memref<!tpu.dma_semaphore, #tpu.memory_space<semaphore_mem>>)
        %dma_wait3A_316 = arith.constant 0 : i32
        %dma_wait3A_317 = tpu.memref_slice %arg2[%dma_wait3A_316, %add3A_306] : memref<2x320000xi32, #tpu.memory_space<hbm>> -> memref<2x128xi32, #tpu.memory_space<hbm>>
        %dma_wait3A_318 = arith.constant 0 : i32
        %dma_wait3A_319 = tpu.memref_slice %arg2[%dma_wait3A_318, %add3A_306] : memref<2x320000xi32, #tpu.memory_space<hbm>> -> memref<2x128xi32, #tpu.memory_space<hbm>>
        tpu.wait_dma2 semaphore(%run_scoped3A : memref<!tpu.dma_semaphore, #tpu.memory_space<semaphore_mem>>) src(%dma_wait3A_319 : memref<2x128xi32, #tpu.memory_space<hbm>>) dst(%arg18 : memref<2x128xi32, #tpu.memory_space<vmem>>)
        tpu.yield
      }) : () -> ()
      "tpu.region"() ({
        %run_scoped3A = tpu.sem_alloc : memref<!tpu.dma_semaphore, #tpu.memory_space<semaphore_mem>>
        %dma_start3A_312 = tpu.memref_slice %arg3[%add3A_306] : memref<320000xi32, #tpu.memory_space<hbm>> -> memref<128xi32, #tpu.memory_space<hbm>>
        %dma_start3A_313 = tpu.memref_slice %arg3[%add3A_306] : memref<320000xi32, #tpu.memory_space<hbm>> -> memref<128xi32, #tpu.memory_space<hbm>>
        tpu.enqueue_dma source(%dma_start3A_313 : memref<128xi32, #tpu.memory_space<hbm>>) target(%arg19 : memref<128xi32, #tpu.memory_space<vmem>>) target_semaphore(%run_scoped3A : memref<!tpu.dma_semaphore, #tpu.memory_space<semaphore_mem>>)
        %dma_wait3A_314 = tpu.memref_slice %arg3[%add3A_306] : memref<320000xi32, #tpu.memory_space<hbm>> -> memref<128xi32, #tpu.memory_space<hbm>>
        %dma_wait3A_315 = tpu.memref_slice %arg3[%add3A_306] : memref<320000xi32, #tpu.memory_space<hbm>> -> memref<128xi32, #tpu.memory_space<hbm>>
        tpu.wait_dma2 semaphore(%run_scoped3A : memref<!tpu.dma_semaphore, #tpu.memory_space<semaphore_mem>>) src(%dma_wait3A_315 : memref<128xi32, #tpu.memory_space<hbm>>) dst(%arg19 : memref<128xi32, #tpu.memory_space<vmem>>)
        tpu.yield
      }) : () -> ()
      %scan3A_307 = arith.constant 0 : i32
      %scan3A_308 = arith.constant 8 : i32
      %scan3A_309 = arith.addi %scan3A_307, %scan3A_308 : i32
      %scan3A_310 = arith.constant 1 : i32
      scf.for %scan3A_312 = %scan3A_307 to %scan3A_309 step %scan3A_310  : i32 {
        %mul3A_313 = arith.constant 16 : i32
        %mul3A_314 = arith.muli %scan3A_312, %mul3A_313 : i32
        %get3A = arith.index_cast %mul3A_314 : i32 to index
        %get3A_315 = tpu.vector_load %arg19[%get3A] {strides = array<i32>} : memref<128xi32, #tpu.memory_space<vmem>>, vector<16xi32>,
        %get3A_316 = vector.shape_cast %get3A_315 : vector<16xi32> to vector<16xi32>
        %mul3A_317 = arith.constant 10240 : i32
        %mul3A_318 = vector.broadcast %mul3A_317 : i32 to vector<16xi32>
        %mul3A_319 = arith.muli %get3A_316, %mul3A_318 : vector<16xi32>
        %get3A_320 = arith.constant 1 : i32
        %get3A_321 = arith.index_cast %get3A_320 : i32 to index
        %get3A_322 = arith.index_cast %mul3A_314 : i32 to index
        %get3A_323 = tpu.vector_load %arg18[%get3A_321, %get3A_322] {strides = array<i32>} : memref<2x128xi32, #tpu.memory_space<vmem>>, vector<1x16xi32>,
        %get3A_324 = vector.shape_cast %get3A_323 : vector<1x16xi32> to vector<16xi32>
        %add3A_325 = arith.addi %mul3A_319, %get3A_324 : vector<16xi32>
        %swap3A = arith.index_cast %mul3A_314 : i32 to index
        %swap3A_326 = tpu.vector_load %arg20[%swap3A] {strides = array<i32>} : memref<128xi32, #tpu.memory_space<vmem>>, vector<16xi32>,
        %swap3A_327 = vector.shape_cast %swap3A_326 : vector<16xi32> to vector<16xi32>
        %swap3A_328 = vector.shape_cast %add3A_325 : vector<16xi32> to vector<16xi32>
        tpu.vector_store %arg20[%swap3A], %swap3A_328 {strides = array<i32>} : memref<128xi32, #tpu.memory_space<vmem>>, vector<16xi32>,
      }
      %scan3A_311 = arith.constant 8 : i32
      "tpu.region"() ({
        %run_scoped3A = tpu.sem_alloc : memref<!tpu.dma_semaphore, #tpu.memory_space<semaphore_mem>>
        %dma_start3A_312 = arith.constant 0 : i32
        %dma_start3A_313 = tpu.memref_slice %arg27[%dma_start3A_312] : memref<399360xf32, #tpu.memory_space<vmem_shared>> -> memref<399360xf32, #tpu.memory_space<vmem_shared>>
        tpu.enqueue_indirect_dma source(%arg22 : memref<128xf32, #tpu.memory_space<vmem>>) target(%dma_start3A_313 : memref<399360xf32, #tpu.memory_space<vmem_shared>>) offsets(%arg20 : memref<128xi32, #tpu.memory_space<vmem>>) semaphore(%run_scoped3A : memref<!tpu.dma_semaphore, #tpu.memory_space<semaphore_mem>>) {add = true}
        %dma_wait3A_314 = arith.constant 0 : i32
        %dma_wait3A_315 = tpu.memref_slice %arg27[%dma_wait3A_314] : memref<399360xf32, #tpu.memory_space<vmem_shared>> -> memref<399360xf32, #tpu.memory_space<vmem_shared>>
        tpu.wait_indirect_dma semaphore(%run_scoped3A : memref<!tpu.dma_semaphore, #tpu.memory_space<semaphore_mem>>) src(%arg22 : memref<128xf32, #tpu.memory_space<vmem>>) dst(%dma_wait3A_315 : memref<399360xf32, #tpu.memory_space<vmem_shared>>)
        tpu.yield
      }) : () -> ()
    } else {
    }
    "tpu.trace_stop"() : () -> ()
    %barrier3A_274 = arith.constant 0 : index
    tpu.barrier barrier_id(%barrier3A_274)
    %eq3A_275 = arith.constant 0 : i32
    "tpu.trace_start"() <{level = 10 : i32, message = "phaseB"}> : () -> ()
    %eq3A_276 = arith.cmpi eq, %arg0, %eq3A_275 : i32
    %convert_element_type3A_277 = arith.extui %eq3A_276 : i1 to i32
    %cond3A_278 = arith.constant 0 : i32
    %cond3A_279 = arith.cmpi ne, %convert_element_type3A_277, %cond3A_278 : i32
    scf.if %cond3A_279 {
      %mul3A_303 = arith.constant 19968 : i32
      %mul3A_304 = arith.muli %arg1, %mul3A_303 : i32
      %add3A_305 = arith.constant 0 : i32
      %add3A_306 = arith.addi %mul3A_304, %add3A_305 : i32
      %dma_start3A_307 = arith.constant 0 : i32
      %dma_start3A_308 = tpu.memref_slice %arg2[%dma_start3A_307, %add3A_306] : memref<2x320000xi32, #tpu.memory_space<hbm>> -> memref<2x4992xi32, #tpu.memory_space<hbm>>
      %dma_start3A_309 = arith.constant 0 : i32
      %dma_start3A_310 = tpu.memref_slice %arg2[%dma_start3A_309, %add3A_306] : memref<2x320000xi32, #tpu.memory_space<hbm>> -> memref<2x4992xi32, #tpu.memory_space<hbm>>
      tpu.enqueue_dma source(%dma_start3A_310 : memref<2x4992xi32, #tpu.memory_space<hbm>>) target(%arg9 : memref<2x4992xi32, #tpu.memory_space<vmem>>) target_semaphore(%arg29 : memref<!tpu.dma_semaphore, #tpu.memory_space<semaphore_mem>>)
      %dma_start3A_311 = tpu.memref_slice %arg3[%add3A_306] : memref<320000xi32, #tpu.memory_space<hbm>> -> memref<4992xi32, #tpu.memory_space<hbm>>
      %dma_start3A_312 = tpu.memref_slice %arg3[%add3A_306] : memref<320000xi32, #tpu.memory_space<hbm>> -> memref<4992xi32, #tpu.memory_space<hbm>>
      tpu.enqueue_dma source(%dma_start3A_312 : memref<4992xi32, #tpu.memory_space<hbm>>) target(%arg10 : memref<4992xi32, #tpu.memory_space<vmem>>) target_semaphore(%arg29 : memref<!tpu.dma_semaphore, #tpu.memory_space<semaphore_mem>>)
      %dma_wait3A_313 = arith.constant 0 : i32
      %dma_wait3A_314 = tpu.memref_slice %arg2[%dma_wait3A_313, %add3A_306] : memref<2x320000xi32, #tpu.memory_space<hbm>> -> memref<2x4992xi32, #tpu.memory_space<hbm>>
      %dma_wait3A_315 = arith.constant 0 : i32
      %dma_wait3A_316 = tpu.memref_slice %arg2[%dma_wait3A_315, %add3A_306] : memref<2x320000xi32, #tpu.memory_space<hbm>> -> memref<2x4992xi32, #tpu.memory_space<hbm>>
      tpu.wait_dma2 semaphore(%arg29 : memref<!tpu.dma_semaphore, #tpu.memory_space<semaphore_mem>>) src(%dma_wait3A_316 : memref<2x4992xi32, #tpu.memory_space<hbm>>) dst(%arg9 : memref<2x4992xi32, #tpu.memory_space<vmem>>)
      %dma_wait3A_317 = tpu.memref_slice %arg3[%add3A_306] : memref<320000xi32, #tpu.memory_space<hbm>> -> memref<4992xi32, #tpu.memory_space<hbm>>
      %dma_wait3A_318 = tpu.memref_slice %arg3[%add3A_306] : memref<320000xi32, #tpu.memory_space<hbm>> -> memref<4992xi32, #tpu.memory_space<hbm>>
      tpu.wait_dma2 semaphore(%arg29 : memref<!tpu.dma_semaphore, #tpu.memory_space<semaphore_mem>>) src(%dma_wait3A_318 : memref<4992xi32, #tpu.memory_space<hbm>>) dst(%arg10 : memref<4992xi32, #tpu.memory_space<vmem>>)
      %scan3A_319 = arith.constant 0 : i32
      %scan3A_320 = arith.constant 312 : i32
      %scan3A_321 = arith.addi %scan3A_319, %scan3A_320 : i32
      %scan3A_322 = arith.constant 1 : i32
      scf.for %scan3A_371 = %scan3A_319 to %scan3A_321 step %scan3A_322  : i32 {
        %mul3A_372 = arith.constant 16 : i32
        %mul3A_373 = arith.muli %scan3A_371, %mul3A_372 : i32
        %get3A = arith.index_cast %mul3A_373 : i32 to index
        %get3A_374 = tpu.vector_load %arg10[%get3A] {strides = array<i32>} : memref<4992xi32, #tpu.memory_space<vmem>>, vector<16xi32>,
        %get3A_375 = vector.shape_cast %get3A_374 : vector<16xi32> to vector<16xi32>
        %mul3A_376 = arith.constant 10240 : i32
        %mul3A_377 = vector.broadcast %mul3A_376 : i32 to vector<16xi32>
        %mul3A_378 = arith.muli %get3A_375, %mul3A_377 : vector<16xi32>
        %get3A_379 = arith.constant 1 : i32
        %get3A_380 = arith.index_cast %get3A_379 : i32 to index
        %get3A_381 = arith.index_cast %mul3A_373 : i32 to index
        %get3A_382 = tpu.vector_load %arg9[%get3A_380, %get3A_381] {strides = array<i32>} : memref<2x4992xi32, #tpu.memory_space<vmem>>, vector<1x16xi32>,
        %get3A_383 = vector.shape_cast %get3A_382 : vector<1x16xi32> to vector<16xi32>
        %add3A_384 = arith.addi %mul3A_378, %get3A_383 : vector<16xi32>
        %swap3A = arith.index_cast %mul3A_373 : i32 to index
        %swap3A_385 = tpu.vector_load %arg11[%swap3A] {strides = array<i32>} : memref<4992xi32, #tpu.memory_space<vmem>>, vector<16xi32>,
        %swap3A_386 = vector.shape_cast %swap3A_385 : vector<16xi32> to vector<16xi32>
        %swap3A_387 = vector.shape_cast %add3A_384 : vector<16xi32> to vector<16xi32>
        tpu.vector_store %arg11[%swap3A], %swap3A_387 {strides = array<i32>} : memref<4992xi32, #tpu.memory_space<vmem>>, vector<16xi32>,
        %get3A_388 = arith.constant 0 : i32
        %get3A_389 = arith.index_cast %get3A_388 : i32 to index
        %get3A_390 = arith.index_cast %mul3A_373 : i32 to index
        %get3A_391 = tpu.vector_load %arg9[%get3A_389, %get3A_390] {strides = array<i32>} : memref<2x4992xi32, #tpu.memory_space<vmem>>, vector<1x16xi32>,
        %get3A_392 = vector.shape_cast %get3A_391 : vector<1x16xi32> to vector<16xi32>
        %add3A_393 = arith.addi %mul3A_378, %get3A_392 : vector<16xi32>
        %swap3A_394 = arith.index_cast %mul3A_373 : i32 to index
        %swap3A_395 = tpu.vector_load %arg12[%swap3A_394] {strides = array<i32>} : memref<4992xi32, #tpu.memory_space<vmem>>, vector<16xi32>,
        %swap3A_396 = vector.shape_cast %swap3A_395 : vector<16xi32> to vector<16xi32>
        %swap3A_397 = vector.shape_cast %add3A_393 : vector<16xi32> to vector<16xi32>
        tpu.vector_store %arg12[%swap3A_394], %swap3A_397 {strides = array<i32>} : memref<4992xi32, #tpu.memory_space<vmem>>, vector<16xi32>,
      }
      %scan3A_323 = arith.constant 312 : i32
      %dma_start3A_324 = arith.constant 0 : i32
      %dma_start3A_325 = tpu.memref_slice %arg27[%dma_start3A_324] : memref<399360xf32, #tpu.memory_space<vmem_shared>> -> memref<399360xf32, #tpu.memory_space<vmem_shared>>
      tpu.enqueue_indirect_dma source(%dma_start3A_325 : memref<399360xf32, #tpu.memory_space<vmem_shared>>) target(%arg16 : memref<4992xf32, #tpu.memory_space<vmem>>) offsets(%arg11 : memref<4992xi32, #tpu.memory_space<vmem>>) semaphore(%arg31 : memref<!tpu.dma_semaphore, #tpu.memory_space<semaphore_mem>>)
      %mul3A_326 = arith.constant 19968 : i32
      %mul3A_327 = arith.muli %arg1, %mul3A_326 : i32
      %add3A_328 = arith.constant 4992 : i32
      %add3A_329 = arith.addi %mul3A_327, %add3A_328 : i32
      %dma_start3A_330 = arith.constant 0 : i32
      %dma_start3A_331 = tpu.memref_slice %arg2[%dma_start3A_330, %add3A_329] : memref<2x320000xi32, #tpu.memory_space<hbm>> -> memref<2x4992xi32, #tpu.memory_space<hbm>>
      %dma_start3A_332 = arith.constant 0 : i32
      %dma_start3A_333 = tpu.memref_slice %arg2[%dma_start3A_332, %add3A_329] : memref<2x320000xi32, #tpu.memory_space<hbm>> -> memref<2x4992xi32, #tpu.memory_space<hbm>>
      tpu.enqueue_dma source(%dma_start3A_333 : memref<2x4992xi32, #tpu.memory_space<hbm>>) target(%arg9 : memref<2x4992xi32, #tpu.memory_space<vmem>>) target_semaphore(%arg29 : memref<!tpu.dma_semaphore, #tpu.memory_space<semaphore_mem>>)
      %dma_start3A_334 = tpu.memref_slice %arg3[%add3A_329] : memref<320000xi32, #tpu.memory_space<hbm>> -> memref<4992xi32, #tpu.memory_space<hbm>>
      %dma_start3A_335 = tpu.memref_slice %arg3[%add3A_329] : memref<320000xi32, #tpu.memory_space<hbm>> -> memref<4992xi32, #tpu.memory_space<hbm>>
      tpu.enqueue_dma source(%dma_start3A_335 : memref<4992xi32, #tpu.memory_space<hbm>>) target(%arg10 : memref<4992xi32, #tpu.memory_space<vmem>>) target_semaphore(%arg29 : memref<!tpu.dma_semaphore, #tpu.memory_space<semaphore_mem>>)
      %dma_wait3A_336 = arith.constant 0 : i32
      %dma_wait3A_337 = tpu.memref_slice %arg2[%dma_wait3A_336, %add3A_329] : memref<2x320000xi32, #tpu.memory_space<hbm>> -> memref<2x4992xi32, #tpu.memory_space<hbm>>
      %dma_wait3A_338 = arith.constant 0 : i32
      %dma_wait3A_339 = tpu.memref_slice %arg2[%dma_wait3A_338, %add3A_329] : memref<2x320000xi32, #tpu.memory_space<hbm>> -> memref<2x4992xi32, #tpu.memory_space<hbm>>
      tpu.wait_dma2 semaphore(%arg29 : memref<!tpu.dma_semaphore, #tpu.memory_space<semaphore_mem>>) src(%dma_wait3A_339 : memref<2x4992xi32, #tpu.memory_space<hbm>>) dst(%arg9 : memref<2x4992xi32, #tpu.memory_space<vmem>>)
      %dma_wait3A_340 = tpu.memref_slice %arg3[%add3A_329] : memref<320000xi32, #tpu.memory_space<hbm>> -> memref<4992xi32, #tpu.memory_space<hbm>>
      %dma_wait3A_341 = tpu.memref_slice %arg3[%add3A_329] : memref<320000xi32, #tpu.memory_space<hbm>> -> memref<4992xi32, #tpu.memory_space<hbm>>
      tpu.wait_dma2 semaphore(%arg29 : memref<!tpu.dma_semaphore, #tpu.memory_space<semaphore_mem>>) src(%dma_wait3A_341 : memref<4992xi32, #tpu.memory_space<hbm>>) dst(%arg10 : memref<4992xi32, #tpu.memory_space<vmem>>)
      %dma_wait3A_342 = arith.constant 0 : i32
      %dma_wait3A_343 = tpu.memref_slice %arg27[%dma_wait3A_342] : memref<399360xf32, #tpu.memory_space<vmem_shared>> -> memref<399360xf32, #tpu.memory_space<vmem_shared>>
      tpu.wait_indirect_dma semaphore(%arg31 : memref<!tpu.dma_semaphore, #tpu.memory_space<semaphore_mem>>) src(%dma_wait3A_343 : memref<399360xf32, #tpu.memory_space<vmem_shared>>) dst(%arg16 : memref<4992xf32, #tpu.memory_space<vmem>>)
      %scan3A_344 = arith.constant 0 : i32
      %scan3A_345 = arith.constant 312 : i32
      %scan3A_346 = arith.addi %scan3A_344, %scan3A_345 : i32
      %scan3A_347 = arith.constant 1 : i32
      scf.for %scan3A_371 = %scan3A_344 to %scan3A_346 step %scan3A_347  : i32 {
        %mul3A_372 = arith.constant 16 : i32
        %mul3A_373 = arith.muli %scan3A_371, %mul3A_372 : i32
        %get3A = arith.index_cast %mul3A_373 : i32 to index
        %get3A_374 = tpu.vector_load %arg10[%get3A] {strides = array<i32>} : memref<4992xi32, #tpu.memory_space<vmem>>, vector<16xi32>,
        %get3A_375 = vector.shape_cast %get3A_374 : vector<16xi32> to vector<16xi32>
        %mul3A_376 = arith.constant 10240 : i32
        %mul3A_377 = vector.broadcast %mul3A_376 : i32 to vector<16xi32>
        %mul3A_378 = arith.muli %get3A_375, %mul3A_377 : vector<16xi32>
        %get3A_379 = arith.constant 1 : i32
        %get3A_380 = arith.index_cast %get3A_379 : i32 to index
        %get3A_381 = arith.index_cast %mul3A_373 : i32 to index
        %get3A_382 = tpu.vector_load %arg9[%get3A_380, %get3A_381] {strides = array<i32>} : memref<2x4992xi32, #tpu.memory_space<vmem>>, vector<1x16xi32>,
        %get3A_383 = vector.shape_cast %get3A_382 : vector<1x16xi32> to vector<16xi32>
        %add3A_384 = arith.addi %mul3A_378, %get3A_383 : vector<16xi32>
        %swap3A = arith.index_cast %mul3A_373 : i32 to index
        %swap3A_385 = tpu.vector_load %arg11[%swap3A] {strides = array<i32>} : memref<4992xi32, #tpu.memory_space<vmem>>, vector<16xi32>,
        %swap3A_386 = vector.shape_cast %swap3A_385 : vector<16xi32> to vector<16xi32>
        %swap3A_387 = vector.shape_cast %add3A_384 : vector<16xi32> to vector<16xi32>
        tpu.vector_store %arg11[%swap3A], %swap3A_387 {strides = array<i32>} : memref<4992xi32, #tpu.memory_space<vmem>>, vector<16xi32>,
        %get3A_388 = arith.constant 0 : i32
        %get3A_389 = arith.index_cast %get3A_388 : i32 to index
        %get3A_390 = arith.index_cast %mul3A_373 : i32 to index
        %get3A_391 = tpu.vector_load %arg9[%get3A_389, %get3A_390] {strides = array<i32>} : memref<2x4992xi32, #tpu.memory_space<vmem>>, vector<1x16xi32>,
        %get3A_392 = vector.shape_cast %get3A_391 : vector<1x16xi32> to vector<16xi32>
        %add3A_393 = arith.addi %mul3A_378, %get3A_392 : vector<16xi32>
        %swap3A_394 = arith.index_cast %mul3A_373 : i32 to index
        %swap3A_395 = tpu.vector_load %arg13[%swap3A_394] {strides = array<i32>} : memref<4992xi32, #tpu.memory_space<vmem>>, vector<16xi32>,
        %swap3A_396 = vector.shape_cast %swap3A_395 : vector<16xi32> to vector<16xi32>
        %swap3A_397 = vector.shape_cast %add3A_393 : vector<16xi32> to vector<16xi32>
        tpu.vector_store %arg13[%swap3A_394], %swap3A_397 {strides = array<i32>} : memref<4992xi32, #tpu.memory_space<vmem>>, vector<16xi32>,
      }
      %scan3A_348 = arith.constant 312 : i32
      %dma_start3A_349 = arith.constant 0 : i32
      %dma_start3A_350 = tpu.memref_slice %arg27[%dma_start3A_349] : memref<399360xf32, #tpu.memory_space<vmem_shared>> -> memref<399360xf32, #tpu.memory_space<vmem_shared>>
      tpu.enqueue_indirect_dma source(%dma_start3A_350 : memref<399360xf32, #tpu.memory_space<vmem_shared>>) target(%arg17 : memref<4992xf32, #tpu.memory_space<vmem>>) offsets(%arg11 : memref<4992xi32, #tpu.memory_space<vmem>>) semaphore(%arg31 : memref<!tpu.dma_semaphore, #tpu.memory_space<semaphore_mem>>)
      %scan3A_351 = arith.constant 0 : i32
      %scan3A_352 = arith.constant 312 : i32
      %scan3A_353 = arith.addi %scan3A_351, %scan3A_352 : i32
      %scan3A_354 = arith.constant 1 : i32
      scf.for %scan3A_371 = %scan3A_351 to %scan3A_353 step %scan3A_354  : i32 {
        %mul3A_372 = arith.constant 16 : i32
        %mul3A_373 = arith.muli %scan3A_371, %mul3A_372 : i32
        %get3A = arith.index_cast %mul3A_373 : i32 to index
        %get3A_374 = tpu.vector_load %arg16[%get3A] {strides = array<i32>} : memref<4992xf32, #tpu.memory_space<vmem>>, vector<16xf32>,
        %get3A_375 = vector.shape_cast %get3A_374 : vector<16xf32> to vector<16xf32>
        %div3A = arith.constant 1.000000e+00 : f32
        %div3A_376 = vector.broadcast %div3A : f32 to vector<16xf32>
        %div3A_377 = arith.divf %div3A_376, %get3A_375 : vector<16xf32>
        %swap3A = arith.index_cast %mul3A_373 : i32 to index
        %swap3A_378 = tpu.vector_load %arg14[%swap3A] {strides = array<i32>} : memref<4992xf32, #tpu.memory_space<vmem>>, vector<16xf32>,
        %swap3A_379 = vector.shape_cast %swap3A_378 : vector<16xf32> to vector<16xf32>
        %swap3A_380 = vector.shape_cast %div3A_377 : vector<16xf32> to vector<16xf32>
        tpu.vector_store %arg14[%swap3A], %swap3A_380 {strides = array<i32>} : memref<4992xf32, #tpu.memory_space<vmem>>, vector<16xf32>,
      }
      %scan3A_355 = arith.constant 312 : i32
      %dma_start3A_356 = arith.constant 0 : i32
      %dma_start3A_357 = tpu.memref_slice %arg28[%dma_start3A_356] : memref<399360xf32, #tpu.memory_space<vmem_shared>> -> memref<399360xf32, #tpu.memory_space<vmem_shared>>
      tpu.enqueue_indirect_dma source(%arg14 : memref<4992xf32, #tpu.memory_space<vmem>>) target(%dma_start3A_357 : memref<399360xf32, #tpu.memory_space<vmem_shared>>) offsets(%arg12 : memref<4992xi32, #tpu.memory_space<vmem>>) semaphore(%arg30 : memref<!tpu.dma_semaphore, #tpu.memory_space<semaphore_mem>>) {add = true}
      %dma_wait3A_358 = arith.constant 0 : i32
      %dma_wait3A_359 = tpu.memref_slice %arg27[%dma_wait3A_358] : memref<399360xf32, #tpu.memory_space<vmem_shared>> -> memref<399360xf32, #tpu.memory_space<vmem_shared>>
      tpu.wait_indirect_dma semaphore(%arg31 : memref<!tpu.dma_semaphore, #tpu.memory_space<semaphore_mem>>) src(%dma_wait3A_359 : memref<399360xf32, #tpu.memory_space<vmem_shared>>) dst(%arg17 : memref<4992xf32, #tpu.memory_space<vmem>>)
      %scan3A_360 = arith.constant 0 : i32
      %scan3A_361 = arith.constant 312 : i32
      %scan3A_362 = arith.addi %scan3A_360, %scan3A_361 : i32
      %scan3A_363 = arith.constant 1 : i32
      scf.for %scan3A_371 = %scan3A_360 to %scan3A_362 step %scan3A_363  : i32 {
        %mul3A_372 = arith.constant 16 : i32
        %mul3A_373 = arith.muli %scan3A_371, %mul3A_372 : i32
        %get3A = arith.index_cast %mul3A_373 : i32 to index
        %get3A_374 = tpu.vector_load %arg17[%get3A] {strides = array<i32>} : memref<4992xf32, #tpu.memory_space<vmem>>, vector<16xf32>,
        %get3A_375 = vector.shape_cast %get3A_374 : vector<16xf32> to vector<16xf32>
        %div3A = arith.constant 1.000000e+00 : f32
        %div3A_376 = vector.broadcast %div3A : f32 to vector<16xf32>
        %div3A_377 = arith.divf %div3A_376, %get3A_375 : vector<16xf32>
        %swap3A = arith.index_cast %mul3A_373 : i32 to index
        %swap3A_378 = tpu.vector_load %arg15[%swap3A] {strides = array<i32>} : memref<4992xf32, #tpu.memory_space<vmem>>, vector<16xf32>,
        %swap3A_379 = vector.shape_cast %swap3A_378 : vector<16xf32> to vector<16xf32>
        %swap3A_380 = vector.shape_cast %div3A_377 : vector<16xf32> to vector<16xf32>
        tpu.vector_store %arg15[%swap3A], %swap3A_380 {strides = array<i32>} : memref<4992xf32, #tpu.memory_space<vmem>>, vector<16xf32>,
      }
      %scan3A_364 = arith.constant 312 : i32
      %dma_wait3A_365 = arith.constant 0 : i32
      %dma_wait3A_366 = tpu.memref_slice %arg28[%dma_wait3A_365] : memref<399360xf32, #tpu.memory_space<vmem_shared>> -> memref<399360xf32, #tpu.memory_space<vmem_shared>>
      tpu.wait_indirect_dma semaphore(%arg30 : memref<!tpu.dma_semaphore, #tpu.memory_space<semaphore_mem>>) src(%arg14 : memref<4992xf32, #tpu.memory_space<vmem>>) dst(%dma_wait3A_366 : memref<399360xf32, #tpu.memory_space<vmem_shared>>)
      %dma_start3A_367 = arith.constant 0 : i32
      %dma_start3A_368 = tpu.memref_slice %arg28[%dma_start3A_367] : memref<399360xf32, #tpu.memory_space<vmem_shared>> -> memref<399360xf32, #tpu.memory_space<vmem_shared>>
      tpu.enqueue_indirect_dma source(%arg15 : memref<4992xf32, #tpu.memory_space<vmem>>) target(%dma_start3A_368 : memref<399360xf32, #tpu.memory_space<vmem_shared>>) offsets(%arg13 : memref<4992xi32, #tpu.memory_space<vmem>>) semaphore(%arg30 : memref<!tpu.dma_semaphore, #tpu.memory_space<semaphore_mem>>) {add = true}
      %dma_wait3A_369 = arith.constant 0 : i32
      %dma_wait3A_370 = tpu.memref_slice %arg28[%dma_wait3A_369] : memref<399360xf32, #tpu.memory_space<vmem_shared>> -> memref<399360xf32, #tpu.memory_space<vmem_shared>>
      tpu.wait_indirect_dma semaphore(%arg30 : memref<!tpu.dma_semaphore, #tpu.memory_space<semaphore_mem>>) src(%arg15 : memref<4992xf32, #tpu.memory_space<vmem>>) dst(%dma_wait3A_370 : memref<399360xf32, #tpu.memory_space<vmem_shared>>)
    } else {
    }
    %eq3A_280 = arith.constant 1 : i32
    %eq3A_281 = arith.cmpi eq, %arg0, %eq3A_280 : i32
    %convert_element_type3A_282 = arith.extui %eq3A_281 : i1 to i32
    %cond3A_283 = arith.constant 0 : i32
    %cond3A_284 = arith.cmpi ne, %convert_element_type3A_282, %cond3A_283 : i32
    scf.if %cond3A_284 {
      %mul3A_303 = arith.constant 19968 : i32
      %mul3A_304 = arith.muli %arg1, %mul3A_303 : i32
      %add3A_305 = arith.constant 9984 : i32
      %add3A_306 = arith.addi %mul3A_304, %add3A_305 : i32
      %dma_start3A_307 = arith.constant 0 : i32
      %dma_start3A_308 = tpu.memref_slice %arg2[%dma_start3A_307, %add3A_306] : memref<2x320000xi32, #tpu.memory_space<hbm>> -> memref<2x4992xi32, #tpu.memory_space<hbm>>
      %dma_start3A_309 = arith.constant 0 : i32
      %dma_start3A_310 = tpu.memref_slice %arg2[%dma_start3A_309, %add3A_306] : memref<2x320000xi32, #tpu.memory_space<hbm>> -> memref<2x4992xi32, #tpu.memory_space<hbm>>
      tpu.enqueue_dma source(%dma_start3A_310 : memref<2x4992xi32, #tpu.memory_space<hbm>>) target(%arg9 : memref<2x4992xi32, #tpu.memory_space<vmem>>) target_semaphore(%arg29 : memref<!tpu.dma_semaphore, #tpu.memory_space<semaphore_mem>>)
      %dma_start3A_311 = tpu.memref_slice %arg3[%add3A_306] : memref<320000xi32, #tpu.memory_space<hbm>> -> memref<4992xi32, #tpu.memory_space<hbm>>
      %dma_start3A_312 = tpu.memref_slice %arg3[%add3A_306] : memref<320000xi32, #tpu.memory_space<hbm>> -> memref<4992xi32, #tpu.memory_space<hbm>>
      tpu.enqueue_dma source(%dma_start3A_312 : memref<4992xi32, #tpu.memory_space<hbm>>) target(%arg10 : memref<4992xi32, #tpu.memory_space<vmem>>) target_semaphore(%arg29 : memref<!tpu.dma_semaphore, #tpu.memory_space<semaphore_mem>>)
      %dma_wait3A_313 = arith.constant 0 : i32
      %dma_wait3A_314 = tpu.memref_slice %arg2[%dma_wait3A_313, %add3A_306] : memref<2x320000xi32, #tpu.memory_space<hbm>> -> memref<2x4992xi32, #tpu.memory_space<hbm>>
      %dma_wait3A_315 = arith.constant 0 : i32
      %dma_wait3A_316 = tpu.memref_slice %arg2[%dma_wait3A_315, %add3A_306] : memref<2x320000xi32, #tpu.memory_space<hbm>> -> memref<2x4992xi32, #tpu.memory_space<hbm>>
      tpu.wait_dma2 semaphore(%arg29 : memref<!tpu.dma_semaphore, #tpu.memory_space<semaphore_mem>>) src(%dma_wait3A_316 : memref<2x4992xi32, #tpu.memory_space<hbm>>) dst(%arg9 : memref<2x4992xi32, #tpu.memory_space<vmem>>)
      %dma_wait3A_317 = tpu.memref_slice %arg3[%add3A_306] : memref<320000xi32, #tpu.memory_space<hbm>> -> memref<4992xi32, #tpu.memory_space<hbm>>
      %dma_wait3A_318 = tpu.memref_slice %arg3[%add3A_306] : memref<320000xi32, #tpu.memory_space<hbm>> -> memref<4992xi32, #tpu.memory_space<hbm>>
      tpu.wait_dma2 semaphore(%arg29 : memref<!tpu.dma_semaphore, #tpu.memory_space<semaphore_mem>>) src(%dma_wait3A_318 : memref<4992xi32, #tpu.memory_space<hbm>>) dst(%arg10 : memref<4992xi32, #tpu.memory_space<vmem>>)
      %scan3A_319 = arith.constant 0 : i32
      %scan3A_320 = arith.constant 312 : i32
      %scan3A_321 = arith.addi %scan3A_319, %scan3A_320 : i32
      %scan3A_322 = arith.constant 1 : i32
      scf.for %scan3A_371 = %scan3A_319 to %scan3A_321 step %scan3A_322  : i32 {
        %mul3A_372 = arith.constant 16 : i32
        %mul3A_373 = arith.muli %scan3A_371, %mul3A_372 : i32
        %get3A = arith.index_cast %mul3A_373 : i32 to index
        %get3A_374 = tpu.vector_load %arg10[%get3A] {strides = array<i32>} : memref<4992xi32, #tpu.memory_space<vmem>>, vector<16xi32>,
        %get3A_375 = vector.shape_cast %get3A_374 : vector<16xi32> to vector<16xi32>
        %mul3A_376 = arith.constant 10240 : i32
        %mul3A_377 = vector.broadcast %mul3A_376 : i32 to vector<16xi32>
        %mul3A_378 = arith.muli %get3A_375, %mul3A_377 : vector<16xi32>
        %get3A_379 = arith.constant 1 : i32
        %get3A_380 = arith.index_cast %get3A_379 : i32 to index
        %get3A_381 = arith.index_cast %mul3A_373 : i32 to index
        %get3A_382 = tpu.vector_load %arg9[%get3A_380, %get3A_381] {strides = array<i32>} : memref<2x4992xi32, #tpu.memory_space<vmem>>, vector<1x16xi32>,
        %get3A_383 = vector.shape_cast %get3A_382 : vector<1x16xi32> to vector<16xi32>
        %add3A_384 = arith.addi %mul3A_378, %get3A_383 : vector<16xi32>
        %swap3A = arith.index_cast %mul3A_373 : i32 to index
        %swap3A_385 = tpu.vector_load %arg11[%swap3A] {strides = array<i32>} : memref<4992xi32, #tpu.memory_space<vmem>>, vector<16xi32>,
        %swap3A_386 = vector.shape_cast %swap3A_385 : vector<16xi32> to vector<16xi32>
        %swap3A_387 = vector.shape_cast %add3A_384 : vector<16xi32> to vector<16xi32>
        tpu.vector_store %arg11[%swap3A], %swap3A_387 {strides = array<i32>} : memref<4992xi32, #tpu.memory_space<vmem>>, vector<16xi32>,
        %get3A_388 = arith.constant 0 : i32
        %get3A_389 = arith.index_cast %get3A_388 : i32 to index
        %get3A_390 = arith.index_cast %mul3A_373 : i32 to index
        %get3A_391 = tpu.vector_load %arg9[%get3A_389, %get3A_390] {strides = array<i32>} : memref<2x4992xi32, #tpu.memory_space<vmem>>, vector<1x16xi32>,
        %get3A_392 = vector.shape_cast %get3A_391 : vector<1x16xi32> to vector<16xi32>
        %add3A_393 = arith.addi %mul3A_378, %get3A_392 : vector<16xi32>
        %swap3A_394 = arith.index_cast %mul3A_373 : i32 to index
        %swap3A_395 = tpu.vector_load %arg12[%swap3A_394] {strides = array<i32>} : memref<4992xi32, #tpu.memory_space<vmem>>, vector<16xi32>,
        %swap3A_396 = vector.shape_cast %swap3A_395 : vector<16xi32> to vector<16xi32>
        %swap3A_397 = vector.shape_cast %add3A_393 : vector<16xi32> to vector<16xi32>
        tpu.vector_store %arg12[%swap3A_394], %swap3A_397 {strides = array<i32>} : memref<4992xi32, #tpu.memory_space<vmem>>, vector<16xi32>,
      }
      %scan3A_323 = arith.constant 312 : i32
      %dma_start3A_324 = arith.constant 0 : i32
      %dma_start3A_325 = tpu.memref_slice %arg27[%dma_start3A_324] : memref<399360xf32, #tpu.memory_space<vmem_shared>> -> memref<399360xf32, #tpu.memory_space<vmem_shared>>
      tpu.enqueue_indirect_dma source(%dma_start3A_325 : memref<399360xf32, #tpu.memory_space<vmem_shared>>) target(%arg16 : memref<4992xf32, #tpu.memory_space<vmem>>) offsets(%arg11 : memref<4992xi32, #tpu.memory_space<vmem>>) semaphore(%arg31 : memref<!tpu.dma_semaphore, #tpu.memory_space<semaphore_mem>>)
      %mul3A_326 = arith.constant 19968 : i32
      %mul3A_327 = arith.muli %arg1, %mul3A_326 : i32
      %add3A_328 = arith.constant 14976 : i32
      %add3A_329 = arith.addi %mul3A_327, %add3A_328 : i32
      %dma_start3A_330 = arith.constant 0 : i32
      %dma_start3A_331 = tpu.memref_slice %arg2[%dma_start3A_330, %add3A_329] : memref<2x320000xi32, #tpu.memory_space<hbm>> -> memref<2x4992xi32, #tpu.memory_space<hbm>>
      %dma_start3A_332 = arith.constant 0 : i32
      %dma_start3A_333 = tpu.memref_slice %arg2[%dma_start3A_332, %add3A_329] : memref<2x320000xi32, #tpu.memory_space<hbm>> -> memref<2x4992xi32, #tpu.memory_space<hbm>>
      tpu.enqueue_dma source(%dma_start3A_333 : memref<2x4992xi32, #tpu.memory_space<hbm>>) target(%arg9 : memref<2x4992xi32, #tpu.memory_space<vmem>>) target_semaphore(%arg29 : memref<!tpu.dma_semaphore, #tpu.memory_space<semaphore_mem>>)
      %dma_start3A_334 = tpu.memref_slice %arg3[%add3A_329] : memref<320000xi32, #tpu.memory_space<hbm>> -> memref<4992xi32, #tpu.memory_space<hbm>>
      %dma_start3A_335 = tpu.memref_slice %arg3[%add3A_329] : memref<320000xi32, #tpu.memory_space<hbm>> -> memref<4992xi32, #tpu.memory_space<hbm>>
      tpu.enqueue_dma source(%dma_start3A_335 : memref<4992xi32, #tpu.memory_space<hbm>>) target(%arg10 : memref<4992xi32, #tpu.memory_space<vmem>>) target_semaphore(%arg29 : memref<!tpu.dma_semaphore, #tpu.memory_space<semaphore_mem>>)
      %dma_wait3A_336 = arith.constant 0 : i32
      %dma_wait3A_337 = tpu.memref_slice %arg2[%dma_wait3A_336, %add3A_329] : memref<2x320000xi32, #tpu.memory_space<hbm>> -> memref<2x4992xi32, #tpu.memory_space<hbm>>
      %dma_wait3A_338 = arith.constant 0 : i32
      %dma_wait3A_339 = tpu.memref_slice %arg2[%dma_wait3A_338, %add3A_329] : memref<2x320000xi32, #tpu.memory_space<hbm>> -> memref<2x4992xi32, #tpu.memory_space<hbm>>
      tpu.wait_dma2 semaphore(%arg29 : memref<!tpu.dma_semaphore, #tpu.memory_space<semaphore_mem>>) src(%dma_wait3A_339 : memref<2x4992xi32, #tpu.memory_space<hbm>>) dst(%arg9 : memref<2x4992xi32, #tpu.memory_space<vmem>>)
      %dma_wait3A_340 = tpu.memref_slice %arg3[%add3A_329] : memref<320000xi32, #tpu.memory_space<hbm>> -> memref<4992xi32, #tpu.memory_space<hbm>>
      %dma_wait3A_341 = tpu.memref_slice %arg3[%add3A_329] : memref<320000xi32, #tpu.memory_space<hbm>> -> memref<4992xi32, #tpu.memory_space<hbm>>
      tpu.wait_dma2 semaphore(%arg29 : memref<!tpu.dma_semaphore, #tpu.memory_space<semaphore_mem>>) src(%dma_wait3A_341 : memref<4992xi32, #tpu.memory_space<hbm>>) dst(%arg10 : memref<4992xi32, #tpu.memory_space<vmem>>)
      %dma_wait3A_342 = arith.constant 0 : i32
      %dma_wait3A_343 = tpu.memref_slice %arg27[%dma_wait3A_342] : memref<399360xf32, #tpu.memory_space<vmem_shared>> -> memref<399360xf32, #tpu.memory_space<vmem_shared>>
      tpu.wait_indirect_dma semaphore(%arg31 : memref<!tpu.dma_semaphore, #tpu.memory_space<semaphore_mem>>) src(%dma_wait3A_343 : memref<399360xf32, #tpu.memory_space<vmem_shared>>) dst(%arg16 : memref<4992xf32, #tpu.memory_space<vmem>>)
      %scan3A_344 = arith.constant 0 : i32
      %scan3A_345 = arith.constant 312 : i32
      %scan3A_346 = arith.addi %scan3A_344, %scan3A_345 : i32
      %scan3A_347 = arith.constant 1 : i32
      scf.for %scan3A_371 = %scan3A_344 to %scan3A_346 step %scan3A_347  : i32 {
        %mul3A_372 = arith.constant 16 : i32
        %mul3A_373 = arith.muli %scan3A_371, %mul3A_372 : i32
        %get3A = arith.index_cast %mul3A_373 : i32 to index
        %get3A_374 = tpu.vector_load %arg10[%get3A] {strides = array<i32>} : memref<4992xi32, #tpu.memory_space<vmem>>, vector<16xi32>,
        %get3A_375 = vector.shape_cast %get3A_374 : vector<16xi32> to vector<16xi32>
        %mul3A_376 = arith.constant 10240 : i32
        %mul3A_377 = vector.broadcast %mul3A_376 : i32 to vector<16xi32>
        %mul3A_378 = arith.muli %get3A_375, %mul3A_377 : vector<16xi32>
        %get3A_379 = arith.constant 1 : i32
        %get3A_380 = arith.index_cast %get3A_379 : i32 to index
        %get3A_381 = arith.index_cast %mul3A_373 : i32 to index
        %get3A_382 = tpu.vector_load %arg9[%get3A_380, %get3A_381] {strides = array<i32>} : memref<2x4992xi32, #tpu.memory_space<vmem>>, vector<1x16xi32>,
        %get3A_383 = vector.shape_cast %get3A_382 : vector<1x16xi32> to vector<16xi32>
        %add3A_384 = arith.addi %mul3A_378, %get3A_383 : vector<16xi32>
        %swap3A = arith.index_cast %mul3A_373 : i32 to index
        %swap3A_385 = tpu.vector_load %arg11[%swap3A] {strides = array<i32>} : memref<4992xi32, #tpu.memory_space<vmem>>, vector<16xi32>,
        %swap3A_386 = vector.shape_cast %swap3A_385 : vector<16xi32> to vector<16xi32>
        %swap3A_387 = vector.shape_cast %add3A_384 : vector<16xi32> to vector<16xi32>
        tpu.vector_store %arg11[%swap3A], %swap3A_387 {strides = array<i32>} : memref<4992xi32, #tpu.memory_space<vmem>>, vector<16xi32>,
        %get3A_388 = arith.constant 0 : i32
        %get3A_389 = arith.index_cast %get3A_388 : i32 to index
        %get3A_390 = arith.index_cast %mul3A_373 : i32 to index
        %get3A_391 = tpu.vector_load %arg9[%get3A_389, %get3A_390] {strides = array<i32>} : memref<2x4992xi32, #tpu.memory_space<vmem>>, vector<1x16xi32>,
        %get3A_392 = vector.shape_cast %get3A_391 : vector<1x16xi32> to vector<16xi32>
        %add3A_393 = arith.addi %mul3A_378, %get3A_392 : vector<16xi32>
        %swap3A_394 = arith.index_cast %mul3A_373 : i32 to index
        %swap3A_395 = tpu.vector_load %arg13[%swap3A_394] {strides = array<i32>} : memref<4992xi32, #tpu.memory_space<vmem>>, vector<16xi32>,
        %swap3A_396 = vector.shape_cast %swap3A_395 : vector<16xi32> to vector<16xi32>
        %swap3A_397 = vector.shape_cast %add3A_393 : vector<16xi32> to vector<16xi32>
        tpu.vector_store %arg13[%swap3A_394], %swap3A_397 {strides = array<i32>} : memref<4992xi32, #tpu.memory_space<vmem>>, vector<16xi32>,
      }
      %scan3A_348 = arith.constant 312 : i32
      %dma_start3A_349 = arith.constant 0 : i32
      %dma_start3A_350 = tpu.memref_slice %arg27[%dma_start3A_349] : memref<399360xf32, #tpu.memory_space<vmem_shared>> -> memref<399360xf32, #tpu.memory_space<vmem_shared>>
      tpu.enqueue_indirect_dma source(%dma_start3A_350 : memref<399360xf32, #tpu.memory_space<vmem_shared>>) target(%arg17 : memref<4992xf32, #tpu.memory_space<vmem>>) offsets(%arg11 : memref<4992xi32, #tpu.memory_space<vmem>>) semaphore(%arg31 : memref<!tpu.dma_semaphore, #tpu.memory_space<semaphore_mem>>)
      %scan3A_351 = arith.constant 0 : i32
      %scan3A_352 = arith.constant 312 : i32
      %scan3A_353 = arith.addi %scan3A_351, %scan3A_352 : i32
      %scan3A_354 = arith.constant 1 : i32
      scf.for %scan3A_371 = %scan3A_351 to %scan3A_353 step %scan3A_354  : i32 {
        %mul3A_372 = arith.constant 16 : i32
        %mul3A_373 = arith.muli %scan3A_371, %mul3A_372 : i32
        %get3A = arith.index_cast %mul3A_373 : i32 to index
        %get3A_374 = tpu.vector_load %arg16[%get3A] {strides = array<i32>} : memref<4992xf32, #tpu.memory_space<vmem>>, vector<16xf32>,
        %get3A_375 = vector.shape_cast %get3A_374 : vector<16xf32> to vector<16xf32>
        %div3A = arith.constant 1.000000e+00 : f32
        %div3A_376 = vector.broadcast %div3A : f32 to vector<16xf32>
        %div3A_377 = arith.divf %div3A_376, %get3A_375 : vector<16xf32>
        %swap3A = arith.index_cast %mul3A_373 : i32 to index
        %swap3A_378 = tpu.vector_load %arg14[%swap3A] {strides = array<i32>} : memref<4992xf32, #tpu.memory_space<vmem>>, vector<16xf32>,
        %swap3A_379 = vector.shape_cast %swap3A_378 : vector<16xf32> to vector<16xf32>
        %swap3A_380 = vector.shape_cast %div3A_377 : vector<16xf32> to vector<16xf32>
        tpu.vector_store %arg14[%swap3A], %swap3A_380 {strides = array<i32>} : memref<4992xf32, #tpu.memory_space<vmem>>, vector<16xf32>,
      }
      %scan3A_355 = arith.constant 312 : i32
      %dma_start3A_356 = arith.constant 0 : i32
      %dma_start3A_357 = tpu.memref_slice %arg28[%dma_start3A_356] : memref<399360xf32, #tpu.memory_space<vmem_shared>> -> memref<399360xf32, #tpu.memory_space<vmem_shared>>
      tpu.enqueue_indirect_dma source(%arg14 : memref<4992xf32, #tpu.memory_space<vmem>>) target(%dma_start3A_357 : memref<399360xf32, #tpu.memory_space<vmem_shared>>) offsets(%arg12 : memref<4992xi32, #tpu.memory_space<vmem>>) semaphore(%arg30 : memref<!tpu.dma_semaphore, #tpu.memory_space<semaphore_mem>>) {add = true}
      %dma_wait3A_358 = arith.constant 0 : i32
      %dma_wait3A_359 = tpu.memref_slice %arg27[%dma_wait3A_358] : memref<399360xf32, #tpu.memory_space<vmem_shared>> -> memref<399360xf32, #tpu.memory_space<vmem_shared>>
      tpu.wait_indirect_dma semaphore(%arg31 : memref<!tpu.dma_semaphore, #tpu.memory_space<semaphore_mem>>) src(%dma_wait3A_359 : memref<399360xf32, #tpu.memory_space<vmem_shared>>) dst(%arg17 : memref<4992xf32, #tpu.memory_space<vmem>>)
      %scan3A_360 = arith.constant 0 : i32
      %scan3A_361 = arith.constant 312 : i32
      %scan3A_362 = arith.addi %scan3A_360, %scan3A_361 : i32
      %scan3A_363 = arith.constant 1 : i32
      scf.for %scan3A_371 = %scan3A_360 to %scan3A_362 step %scan3A_363  : i32 {
        %mul3A_372 = arith.constant 16 : i32
        %mul3A_373 = arith.muli %scan3A_371, %mul3A_372 : i32
        %get3A = arith.index_cast %mul3A_373 : i32 to index
        %get3A_374 = tpu.vector_load %arg17[%get3A] {strides = array<i32>} : memref<4992xf32, #tpu.memory_space<vmem>>, vector<16xf32>,
        %get3A_375 = vector.shape_cast %get3A_374 : vector<16xf32> to vector<16xf32>
        %div3A = arith.constant 1.000000e+00 : f32
        %div3A_376 = vector.broadcast %div3A : f32 to vector<16xf32>
        %div3A_377 = arith.divf %div3A_376, %get3A_375 : vector<16xf32>
        %swap3A = arith.index_cast %mul3A_373 : i32 to index
        %swap3A_378 = tpu.vector_load %arg15[%swap3A] {strides = array<i32>} : memref<4992xf32, #tpu.memory_space<vmem>>, vector<16xf32>,
        %swap3A_379 = vector.shape_cast %swap3A_378 : vector<16xf32> to vector<16xf32>
        %swap3A_380 = vector.shape_cast %div3A_377 : vector<16xf32> to vector<16xf32>
        tpu.vector_store %arg15[%swap3A], %swap3A_380 {strides = array<i32>} : memref<4992xf32, #tpu.memory_space<vmem>>, vector<16xf32>,
      }
      %scan3A_364 = arith.constant 312 : i32
      %dma_wait3A_365 = arith.constant 0 : i32
      %dma_wait3A_366 = tpu.memref_slice %arg28[%dma_wait3A_365] : memref<399360xf32, #tpu.memory_space<vmem_shared>> -> memref<399360xf32, #tpu.memory_space<vmem_shared>>
      tpu.wait_indirect_dma semaphore(%arg30 : memref<!tpu.dma_semaphore, #tpu.memory_space<semaphore_mem>>) src(%arg14 : memref<4992xf32, #tpu.memory_space<vmem>>) dst(%dma_wait3A_366 : memref<399360xf32, #tpu.memory_space<vmem_shared>>)
      %dma_start3A_367 = arith.constant 0 : i32
      %dma_start3A_368 = tpu.memref_slice %arg28[%dma_start3A_367] : memref<399360xf32, #tpu.memory_space<vmem_shared>> -> memref<399360xf32, #tpu.memory_space<vmem_shared>>
      tpu.enqueue_indirect_dma source(%arg15 : memref<4992xf32, #tpu.memory_space<vmem>>) target(%dma_start3A_368 : memref<399360xf32, #tpu.memory_space<vmem_shared>>) offsets(%arg13 : memref<4992xi32, #tpu.memory_space<vmem>>) semaphore(%arg30 : memref<!tpu.dma_semaphore, #tpu.memory_space<semaphore_mem>>) {add = true}
      %dma_wait3A_369 = arith.constant 0 : i32
      %dma_wait3A_370 = tpu.memref_slice %arg28[%dma_wait3A_369] : memref<399360xf32, #tpu.memory_space<vmem_shared>> -> memref<399360xf32, #tpu.memory_space<vmem_shared>>
      tpu.wait_indirect_dma semaphore(%arg30 : memref<!tpu.dma_semaphore, #tpu.memory_space<semaphore_mem>>) src(%arg15 : memref<4992xf32, #tpu.memory_space<vmem>>) dst(%dma_wait3A_370 : memref<399360xf32, #tpu.memory_space<vmem_shared>>)
    } else {
    }
    %lt3A_285 = arith.constant 4 : i32
    %lt3A_286 = arith.cmpi slt, %arg1, %lt3A_285 : i32
    %eq3A_287 = arith.constant 1 : i32
    %eq3A_288 = arith.cmpi eq, %arg0, %eq3A_287 : i32
    %and3A = arith.andi %lt3A_286, %eq3A_288 : i1
    %convert_element_type3A_289 = arith.extui %and3A : i1 to i32
    %cond3A_290 = arith.constant 0 : i32
    %cond3A_291 = arith.cmpi ne, %convert_element_type3A_289, %cond3A_290 : i32
    scf.if %cond3A_291 {
      %mul3A_303 = arith.constant 128 : i32
      %mul3A_304 = arith.muli %arg1, %mul3A_303 : i32
      %add3A_305 = arith.constant 319488 : i32
      %add3A_306 = arith.addi %add3A_305, %mul3A_304 : i32
      "tpu.region"() ({
        %run_scoped3A = tpu.sem_alloc : memref<!tpu.dma_semaphore, #tpu.memory_space<semaphore_mem>>
        %dma_start3A_321 = arith.constant 0 : i32
        %dma_start3A_322 = tpu.memref_slice %arg2[%dma_start3A_321, %add3A_306] : memref<2x320000xi32, #tpu.memory_space<hbm>> -> memref<2x128xi32, #tpu.memory_space<hbm>>
        %dma_start3A_323 = arith.constant 0 : i32
        %dma_start3A_324 = tpu.memref_slice %arg2[%dma_start3A_323, %add3A_306] : memref<2x320000xi32, #tpu.memory_space<hbm>> -> memref<2x128xi32, #tpu.memory_space<hbm>>
        tpu.enqueue_dma source(%dma_start3A_324 : memref<2x128xi32, #tpu.memory_space<hbm>>) target(%arg18 : memref<2x128xi32, #tpu.memory_space<vmem>>) target_semaphore(%run_scoped3A : memref<!tpu.dma_semaphore, #tpu.memory_space<semaphore_mem>>)
        %dma_wait3A_325 = arith.constant 0 : i32
        %dma_wait3A_326 = tpu.memref_slice %arg2[%dma_wait3A_325, %add3A_306] : memref<2x320000xi32, #tpu.memory_space<hbm>> -> memref<2x128xi32, #tpu.memory_space<hbm>>
        %dma_wait3A_327 = arith.constant 0 : i32
        %dma_wait3A_328 = tpu.memref_slice %arg2[%dma_wait3A_327, %add3A_306] : memref<2x320000xi32, #tpu.memory_space<hbm>> -> memref<2x128xi32, #tpu.memory_space<hbm>>
        tpu.wait_dma2 semaphore(%run_scoped3A : memref<!tpu.dma_semaphore, #tpu.memory_space<semaphore_mem>>) src(%dma_wait3A_328 : memref<2x128xi32, #tpu.memory_space<hbm>>) dst(%arg18 : memref<2x128xi32, #tpu.memory_space<vmem>>)
        tpu.yield
      }) : () -> ()
      "tpu.region"() ({
        %run_scoped3A = tpu.sem_alloc : memref<!tpu.dma_semaphore, #tpu.memory_space<semaphore_mem>>
        %dma_start3A_321 = tpu.memref_slice %arg3[%add3A_306] : memref<320000xi32, #tpu.memory_space<hbm>> -> memref<128xi32, #tpu.memory_space<hbm>>
        %dma_start3A_322 = tpu.memref_slice %arg3[%add3A_306] : memref<320000xi32, #tpu.memory_space<hbm>> -> memref<128xi32, #tpu.memory_space<hbm>>
        tpu.enqueue_dma source(%dma_start3A_322 : memref<128xi32, #tpu.memory_space<hbm>>) target(%arg19 : memref<128xi32, #tpu.memory_space<vmem>>) target_semaphore(%run_scoped3A : memref<!tpu.dma_semaphore, #tpu.memory_space<semaphore_mem>>)
        %dma_wait3A_323 = tpu.memref_slice %arg3[%add3A_306] : memref<320000xi32, #tpu.memory_space<hbm>> -> memref<128xi32, #tpu.memory_space<hbm>>
        %dma_wait3A_324 = tpu.memref_slice %arg3[%add3A_306] : memref<320000xi32, #tpu.memory_space<hbm>> -> memref<128xi32, #tpu.memory_space<hbm>>
        tpu.wait_dma2 semaphore(%run_scoped3A : memref<!tpu.dma_semaphore, #tpu.memory_space<semaphore_mem>>) src(%dma_wait3A_324 : memref<128xi32, #tpu.memory_space<hbm>>) dst(%arg19 : memref<128xi32, #tpu.memory_space<vmem>>)
        tpu.yield
      }) : () -> ()
      %scan3A_307 = arith.constant 0 : i32
      %scan3A_308 = arith.constant 8 : i32
      %scan3A_309 = arith.addi %scan3A_307, %scan3A_308 : i32
      %scan3A_310 = arith.constant 1 : i32
      scf.for %scan3A_321 = %scan3A_307 to %scan3A_309 step %scan3A_310  : i32 {
        %mul3A_322 = arith.constant 16 : i32
        %mul3A_323 = arith.muli %scan3A_321, %mul3A_322 : i32
        %get3A = arith.index_cast %mul3A_323 : i32 to index
        %get3A_324 = tpu.vector_load %arg19[%get3A] {strides = array<i32>} : memref<128xi32, #tpu.memory_space<vmem>>, vector<16xi32>,
        %get3A_325 = vector.shape_cast %get3A_324 : vector<16xi32> to vector<16xi32>
        %mul3A_326 = arith.constant 10240 : i32
        %mul3A_327 = vector.broadcast %mul3A_326 : i32 to vector<16xi32>
        %mul3A_328 = arith.muli %get3A_325, %mul3A_327 : vector<16xi32>
        %get3A_329 = arith.constant 1 : i32
        %get3A_330 = arith.index_cast %get3A_329 : i32 to index
        %get3A_331 = arith.index_cast %mul3A_323 : i32 to index
        %get3A_332 = tpu.vector_load %arg18[%get3A_330, %get3A_331] {strides = array<i32>} : memref<2x128xi32, #tpu.memory_space<vmem>>, vector<1x16xi32>,
        %get3A_333 = vector.shape_cast %get3A_332 : vector<1x16xi32> to vector<16xi32>
        %add3A_334 = arith.addi %mul3A_328, %get3A_333 : vector<16xi32>
        %swap3A = arith.index_cast %mul3A_323 : i32 to index
        %swap3A_335 = tpu.vector_load %arg21[%swap3A] {strides = array<i32>} : memref<128xi32, #tpu.memory_space<vmem>>, vector<16xi32>,
        %swap3A_336 = vector.shape_cast %swap3A_335 : vector<16xi32> to vector<16xi32>
        %swap3A_337 = vector.shape_cast %add3A_334 : vector<16xi32> to vector<16xi32>
        tpu.vector_store %arg21[%swap3A], %swap3A_337 {strides = array<i32>} : memref<128xi32, #tpu.memory_space<vmem>>, vector<16xi32>,
        %get3A_338 = arith.constant 0 : i32
        %get3A_339 = arith.index_cast %get3A_338 : i32 to index
        %get3A_340 = arith.index_cast %mul3A_323 : i32 to index
        %get3A_341 = tpu.vector_load %arg18[%get3A_339, %get3A_340] {strides = array<i32>} : memref<2x128xi32, #tpu.memory_space<vmem>>, vector<1x16xi32>,
        %get3A_342 = vector.shape_cast %get3A_341 : vector<1x16xi32> to vector<16xi32>
        %add3A_343 = arith.addi %mul3A_328, %get3A_342 : vector<16xi32>
        %swap3A_344 = arith.index_cast %mul3A_323 : i32 to index
        %swap3A_345 = tpu.vector_load %arg20[%swap3A_344] {strides = array<i32>} : memref<128xi32, #tpu.memory_space<vmem>>, vector<16xi32>,
        %swap3A_346 = vector.shape_cast %swap3A_345 : vector<16xi32> to vector<16xi32>
        %swap3A_347 = vector.shape_cast %add3A_343 : vector<16xi32> to vector<16xi32>
        tpu.vector_store %arg20[%swap3A_344], %swap3A_347 {strides = array<i32>} : memref<128xi32, #tpu.memory_space<vmem>>, vector<16xi32>,
      }
      %scan3A_311 = arith.constant 8 : i32
      %dma_start3A_312 = arith.constant 0 : i32
      %dma_start3A_313 = tpu.memref_slice %arg27[%dma_start3A_312] : memref<399360xf32, #tpu.memory_space<vmem_shared>> -> memref<399360xf32, #tpu.memory_space<vmem_shared>>
      tpu.enqueue_indirect_dma source(%dma_start3A_313 : memref<399360xf32, #tpu.memory_space<vmem_shared>>) target(%arg23 : memref<128xf32, #tpu.memory_space<vmem>>) offsets(%arg21 : memref<128xi32, #tpu.memory_space<vmem>>) semaphore(%arg31 : memref<!tpu.dma_semaphore, #tpu.memory_space<semaphore_mem>>)
      %dma_wait3A_314 = arith.constant 0 : i32
      %dma_wait3A_315 = tpu.memref_slice %arg27[%dma_wait3A_314] : memref<399360xf32, #tpu.memory_space<vmem_shared>> -> memref<399360xf32, #tpu.memory_space<vmem_shared>>
      tpu.wait_indirect_dma semaphore(%arg31 : memref<!tpu.dma_semaphore, #tpu.memory_space<semaphore_mem>>) src(%dma_wait3A_315 : memref<399360xf32, #tpu.memory_space<vmem_shared>>) dst(%arg23 : memref<128xf32, #tpu.memory_space<vmem>>)
      %scan3A_316 = arith.constant 0 : i32
      %scan3A_317 = arith.constant 8 : i32
      %scan3A_318 = arith.addi %scan3A_316, %scan3A_317 : i32
      %scan3A_319 = arith.constant 1 : i32
      scf.for %scan3A_321 = %scan3A_316 to %scan3A_318 step %scan3A_319  : i32 {
        %mul3A_322 = arith.constant 16 : i32
        %mul3A_323 = arith.muli %scan3A_321, %mul3A_322 : i32
        %get3A = arith.index_cast %mul3A_323 : i32 to index
        %get3A_324 = tpu.vector_load %arg23[%get3A] {strides = array<i32>} : memref<128xf32, #tpu.memory_space<vmem>>, vector<16xf32>,
        %get3A_325 = vector.shape_cast %get3A_324 : vector<16xf32> to vector<16xf32>
        %div3A = arith.constant 1.000000e+00 : f32
        %div3A_326 = vector.broadcast %div3A : f32 to vector<16xf32>
        %div3A_327 = arith.divf %div3A_326, %get3A_325 : vector<16xf32>
        %swap3A = arith.index_cast %mul3A_323 : i32 to index
        %swap3A_328 = tpu.vector_load %arg22[%swap3A] {strides = array<i32>} : memref<128xf32, #tpu.memory_space<vmem>>, vector<16xf32>,
        %swap3A_329 = vector.shape_cast %swap3A_328 : vector<16xf32> to vector<16xf32>
        %swap3A_330 = vector.shape_cast %div3A_327 : vector<16xf32> to vector<16xf32>
        tpu.vector_store %arg22[%swap3A], %swap3A_330 {strides = array<i32>} : memref<128xf32, #tpu.memory_space<vmem>>, vector<16xf32>,
      }
      %scan3A_320 = arith.constant 8 : i32
      "tpu.region"() ({
        %run_scoped3A = tpu.sem_alloc : memref<!tpu.dma_semaphore, #tpu.memory_space<semaphore_mem>>
        %dma_start3A_321 = arith.constant 0 : i32
        %dma_start3A_322 = tpu.memref_slice %arg28[%dma_start3A_321] : memref<399360xf32, #tpu.memory_space<vmem_shared>> -> memref<399360xf32, #tpu.memory_space<vmem_shared>>
        tpu.enqueue_indirect_dma source(%arg22 : memref<128xf32, #tpu.memory_space<vmem>>) target(%dma_start3A_322 : memref<399360xf32, #tpu.memory_space<vmem_shared>>) offsets(%arg20 : memref<128xi32, #tpu.memory_space<vmem>>) semaphore(%run_scoped3A : memref<!tpu.dma_semaphore, #tpu.memory_space<semaphore_mem>>) {add = true}
        %dma_wait3A_323 = arith.constant 0 : i32
        %dma_wait3A_324 = tpu.memref_slice %arg28[%dma_wait3A_323] : memref<399360xf32, #tpu.memory_space<vmem_shared>> -> memref<399360xf32, #tpu.memory_space<vmem_shared>>
        tpu.wait_indirect_dma semaphore(%run_scoped3A : memref<!tpu.dma_semaphore, #tpu.memory_space<semaphore_mem>>) src(%arg22 : memref<128xf32, #tpu.memory_space<vmem>>) dst(%dma_wait3A_324 : memref<399360xf32, #tpu.memory_space<vmem_shared>>)
        tpu.yield
      }) : () -> ()
    } else {
    }
    "tpu.trace_stop"() : () -> ()
    %barrier3A_292 = arith.constant 0 : index
    tpu.barrier barrier_id(%barrier3A_292)
    %eq3A_293 = arith.constant 0 : i32
    %eq3A_294 = arith.cmpi eq, %arg0, %eq3A_293 : i32
    %convert_element_type3A_295 = arith.extui %eq3A_294 : i1 to i32
    %cond3A_296 = arith.constant 0 : i32
    %cond3A_297 = arith.cmpi ne, %convert_element_type3A_295, %cond3A_296 : i32
    scf.if %cond3A_297 {
      %mul3A_303 = arith.constant 24960 : i32
      %mul3A_304 = arith.muli %arg1, %mul3A_303 : i32
      %add3A_305 = arith.constant 0 : i32
      %add3A_306 = arith.addi %mul3A_304, %add3A_305 : i32
      "tpu.region"() ({
        %run_scoped3A = tpu.sem_alloc : memref<!tpu.dma_semaphore, #tpu.memory_space<semaphore_mem>>
        %dma_start3A_343 = tpu.memref_slice %arg28[%add3A_306] : memref<399360xf32, #tpu.memory_space<vmem_shared>> -> memref<4992xf32, #tpu.memory_space<vmem_shared>>
        %dma_start3A_344 = tpu.memref_slice %arg28[%add3A_306] : memref<399360xf32, #tpu.memory_space<vmem_shared>> -> memref<4992xf32, #tpu.memory_space<vmem_shared>>
        tpu.enqueue_dma source(%dma_start3A_344 : memref<4992xf32, #tpu.memory_space<vmem_shared>>) target(%arg16 : memref<4992xf32, #tpu.memory_space<vmem>>) target_semaphore(%run_scoped3A : memref<!tpu.dma_semaphore, #tpu.memory_space<semaphore_mem>>)
        %dma_wait3A_345 = tpu.memref_slice %arg28[%add3A_306] : memref<399360xf32, #tpu.memory_space<vmem_shared>> -> memref<4992xf32, #tpu.memory_space<vmem_shared>>
        %dma_wait3A_346 = tpu.memref_slice %arg28[%add3A_306] : memref<399360xf32, #tpu.memory_space<vmem_shared>> -> memref<4992xf32, #tpu.memory_space<vmem_shared>>
        tpu.wait_dma2 semaphore(%run_scoped3A : memref<!tpu.dma_semaphore, #tpu.memory_space<semaphore_mem>>) src(%dma_wait3A_346 : memref<4992xf32, #tpu.memory_space<vmem_shared>>) dst(%arg16 : memref<4992xf32, #tpu.memory_space<vmem>>)
        tpu.yield
      }) : () -> ()
      %dma_start3A_307 = tpu.memref_slice %arg6[%add3A_306] : memref<399360xf32, #tpu.memory_space<hbm>> -> memref<4992xf32, #tpu.memory_space<hbm>>
      %dma_start3A_308 = tpu.memref_slice %arg6[%add3A_306] : memref<399360xf32, #tpu.memory_space<hbm>> -> memref<4992xf32, #tpu.memory_space<hbm>>
      tpu.enqueue_dma source(%arg16 : memref<4992xf32, #tpu.memory_space<vmem>>) target(%dma_start3A_308 : memref<4992xf32, #tpu.memory_space<hbm>>) target_semaphore(%arg30 : memref<!tpu.dma_semaphore, #tpu.memory_space<semaphore_mem>>)
      %mul3A_309 = arith.constant 24960 : i32
      %mul3A_310 = arith.muli %arg1, %mul3A_309 : i32
      %add3A_311 = arith.constant 4992 : i32
      %add3A_312 = arith.addi %mul3A_310, %add3A_311 : i32
      "tpu.region"() ({
        %run_scoped3A = tpu.sem_alloc : memref<!tpu.dma_semaphore, #tpu.memory_space<semaphore_mem>>
        %dma_start3A_343 = tpu.memref_slice %arg28[%add3A_312] : memref<399360xf32, #tpu.memory_space<vmem_shared>> -> memref<4992xf32, #tpu.memory_space<vmem_shared>>
        %dma_start3A_344 = tpu.memref_slice %arg28[%add3A_312] : memref<399360xf32, #tpu.memory_space<vmem_shared>> -> memref<4992xf32, #tpu.memory_space<vmem_shared>>
        tpu.enqueue_dma source(%dma_start3A_344 : memref<4992xf32, #tpu.memory_space<vmem_shared>>) target(%arg17 : memref<4992xf32, #tpu.memory_space<vmem>>) target_semaphore(%run_scoped3A : memref<!tpu.dma_semaphore, #tpu.memory_space<semaphore_mem>>)
        %dma_wait3A_345 = tpu.memref_slice %arg28[%add3A_312] : memref<399360xf32, #tpu.memory_space<vmem_shared>> -> memref<4992xf32, #tpu.memory_space<vmem_shared>>
        %dma_wait3A_346 = tpu.memref_slice %arg28[%add3A_312] : memref<399360xf32, #tpu.memory_space<vmem_shared>> -> memref<4992xf32, #tpu.memory_space<vmem_shared>>
        tpu.wait_dma2 semaphore(%run_scoped3A : memref<!tpu.dma_semaphore, #tpu.memory_space<semaphore_mem>>) src(%dma_wait3A_346 : memref<4992xf32, #tpu.memory_space<vmem_shared>>) dst(%arg17 : memref<4992xf32, #tpu.memory_space<vmem>>)
        tpu.yield
      }) : () -> ()
      %dma_wait3A_313 = tpu.memref_slice %arg6[%add3A_306] : memref<399360xf32, #tpu.memory_space<hbm>> -> memref<4992xf32, #tpu.memory_space<hbm>>
      %dma_wait3A_314 = tpu.memref_slice %arg6[%add3A_306] : memref<399360xf32, #tpu.memory_space<hbm>> -> memref<4992xf32, #tpu.memory_space<hbm>>
      tpu.wait_dma2 semaphore(%arg30 : memref<!tpu.dma_semaphore, #tpu.memory_space<semaphore_mem>>) src(%arg16 : memref<4992xf32, #tpu.memory_space<vmem>>) dst(%dma_wait3A_314 : memref<4992xf32, #tpu.memory_space<hbm>>)
      %dma_start3A_315 = tpu.memref_slice %arg6[%add3A_312] : memref<399360xf32, #tpu.memory_space<hbm>> -> memref<4992xf32, #tpu.memory_space<hbm>>
      %dma_start3A_316 = tpu.memref_slice %arg6[%add3A_312] : memref<399360xf32, #tpu.memory_space<hbm>> -> memref<4992xf32, #tpu.memory_space<hbm>>
      tpu.enqueue_dma source(%arg17 : memref<4992xf32, #tpu.memory_space<vmem>>) target(%dma_start3A_316 : memref<4992xf32, #tpu.memory_space<hbm>>) target_semaphore(%arg30 : memref<!tpu.dma_semaphore, #tpu.memory_space<semaphore_mem>>)
      %mul3A_317 = arith.constant 24960 : i32
      %mul3A_318 = arith.muli %arg1, %mul3A_317 : i32
      %add3A_319 = arith.constant 9984 : i32
      %add3A_320 = arith.addi %mul3A_318, %add3A_319 : i32
      "tpu.region"() ({
        %run_scoped3A = tpu.sem_alloc : memref<!tpu.dma_semaphore, #tpu.memory_space<semaphore_mem>>
        %dma_start3A_343 = tpu.memref_slice %arg28[%add3A_320] : memref<399360xf32, #tpu.memory_space<vmem_shared>> -> memref<4992xf32, #tpu.memory_space<vmem_shared>>
        %dma_start3A_344 = tpu.memref_slice %arg28[%add3A_320] : memref<399360xf32, #tpu.memory_space<vmem_shared>> -> memref<4992xf32, #tpu.memory_space<vmem_shared>>
        tpu.enqueue_dma source(%dma_start3A_344 : memref<4992xf32, #tpu.memory_space<vmem_shared>>) target(%arg16 : memref<4992xf32, #tpu.memory_space<vmem>>) target_semaphore(%run_scoped3A : memref<!tpu.dma_semaphore, #tpu.memory_space<semaphore_mem>>)
        %dma_wait3A_345 = tpu.memref_slice %arg28[%add3A_320] : memref<399360xf32, #tpu.memory_space<vmem_shared>> -> memref<4992xf32, #tpu.memory_space<vmem_shared>>
        %dma_wait3A_346 = tpu.memref_slice %arg28[%add3A_320] : memref<399360xf32, #tpu.memory_space<vmem_shared>> -> memref<4992xf32, #tpu.memory_space<vmem_shared>>
        tpu.wait_dma2 semaphore(%run_scoped3A : memref<!tpu.dma_semaphore, #tpu.memory_space<semaphore_mem>>) src(%dma_wait3A_346 : memref<4992xf32, #tpu.memory_space<vmem_shared>>) dst(%arg16 : memref<4992xf32, #tpu.memory_space<vmem>>)
        tpu.yield
      }) : () -> ()
      %dma_wait3A_321 = tpu.memref_slice %arg6[%add3A_312] : memref<399360xf32, #tpu.memory_space<hbm>> -> memref<4992xf32, #tpu.memory_space<hbm>>
      %dma_wait3A_322 = tpu.memref_slice %arg6[%add3A_312] : memref<399360xf32, #tpu.memory_space<hbm>> -> memref<4992xf32, #tpu.memory_space<hbm>>
      tpu.wait_dma2 semaphore(%arg30 : memref<!tpu.dma_semaphore, #tpu.memory_space<semaphore_mem>>) src(%arg17 : memref<4992xf32, #tpu.memory_space<vmem>>) dst(%dma_wait3A_322 : memref<4992xf32, #tpu.memory_space<hbm>>)
      %dma_start3A_323 = tpu.memref_slice %arg6[%add3A_320] : memref<399360xf32, #tpu.memory_space<hbm>> -> memref<4992xf32, #tpu.memory_space<hbm>>
      %dma_start3A_324 = tpu.memref_slice %arg6[%add3A_320] : memref<399360xf32, #tpu.memory_space<hbm>> -> memref<4992xf32, #tpu.memory_space<hbm>>
      tpu.enqueue_dma source(%arg16 : memref<4992xf32, #tpu.memory_space<vmem>>) target(%dma_start3A_324 : memref<4992xf32, #tpu.memory_space<hbm>>) target_semaphore(%arg30 : memref<!tpu.dma_semaphore, #tpu.memory_space<semaphore_mem>>)
      %mul3A_325 = arith.constant 24960 : i32
      %mul3A_326 = arith.muli %arg1, %mul3A_325 : i32
      %add3A_327 = arith.constant 14976 : i32
      %add3A_328 = arith.addi %mul3A_326, %add3A_327 : i32
      "tpu.region"() ({
        %run_scoped3A = tpu.sem_alloc : memref<!tpu.dma_semaphore, #tpu.memory_space<semaphore_mem>>
        %dma_start3A_343 = tpu.memref_slice %arg28[%add3A_328] : memref<399360xf32, #tpu.memory_space<vmem_shared>> -> memref<4992xf32, #tpu.memory_space<vmem_shared>>
        %dma_start3A_344 = tpu.memref_slice %arg28[%add3A_328] : memref<399360xf32, #tpu.memory_space<vmem_shared>> -> memref<4992xf32, #tpu.memory_space<vmem_shared>>
        tpu.enqueue_dma source(%dma_start3A_344 : memref<4992xf32, #tpu.memory_space<vmem_shared>>) target(%arg17 : memref<4992xf32, #tpu.memory_space<vmem>>) target_semaphore(%run_scoped3A : memref<!tpu.dma_semaphore, #tpu.memory_space<semaphore_mem>>)
        %dma_wait3A_345 = tpu.memref_slice %arg28[%add3A_328] : memref<399360xf32, #tpu.memory_space<vmem_shared>> -> memref<4992xf32, #tpu.memory_space<vmem_shared>>
        %dma_wait3A_346 = tpu.memref_slice %arg28[%add3A_328] : memref<399360xf32, #tpu.memory_space<vmem_shared>> -> memref<4992xf32, #tpu.memory_space<vmem_shared>>
        tpu.wait_dma2 semaphore(%run_scoped3A : memref<!tpu.dma_semaphore, #tpu.memory_space<semaphore_mem>>) src(%dma_wait3A_346 : memref<4992xf32, #tpu.memory_space<vmem_shared>>) dst(%arg17 : memref<4992xf32, #tpu.memory_space<vmem>>)
        tpu.yield
      }) : () -> ()
      %dma_wait3A_329 = tpu.memref_slice %arg6[%add3A_320] : memref<399360xf32, #tpu.memory_space<hbm>> -> memref<4992xf32, #tpu.memory_space<hbm>>
      %dma_wait3A_330 = tpu.memref_slice %arg6[%add3A_320] : memref<399360xf32, #tpu.memory_space<hbm>> -> memref<4992xf32, #tpu.memory_space<hbm>>
      tpu.wait_dma2 semaphore(%arg30 : memref<!tpu.dma_semaphore, #tpu.memory_space<semaphore_mem>>) src(%arg16 : memref<4992xf32, #tpu.memory_space<vmem>>) dst(%dma_wait3A_330 : memref<4992xf32, #tpu.memory_space<hbm>>)
      %dma_start3A_331 = tpu.memref_slice %arg6[%add3A_328] : memref<399360xf32, #tpu.memory_space<hbm>> -> memref<4992xf32, #tpu.memory_space<hbm>>
      %dma_start3A_332 = tpu.memref_slice %arg6[%add3A_328] : memref<399360xf32, #tpu.memory_space<hbm>> -> memref<4992xf32, #tpu.memory_space<hbm>>
      tpu.enqueue_dma source(%arg17 : memref<4992xf32, #tpu.memory_space<vmem>>) target(%dma_start3A_332 : memref<4992xf32, #tpu.memory_space<hbm>>) target_semaphore(%arg30 : memref<!tpu.dma_semaphore, #tpu.memory_space<semaphore_mem>>)
      %mul3A_333 = arith.constant 24960 : i32
      %mul3A_334 = arith.muli %arg1, %mul3A_333 : i32
      %add3A_335 = arith.constant 19968 : i32
      %add3A_336 = arith.addi %mul3A_334, %add3A_335 : i32
      "tpu.region"() ({
        %run_scoped3A = tpu.sem_alloc : memref<!tpu.dma_semaphore, #tpu.memory_space<semaphore_mem>>
        %dma_start3A_343 = tpu.memref_slice %arg28[%add3A_336] : memref<399360xf32, #tpu.memory_space<vmem_shared>> -> memref<4992xf32, #tpu.memory_space<vmem_shared>>
        %dma_start3A_344 = tpu.memref_slice %arg28[%add3A_336] : memref<399360xf32, #tpu.memory_space<vmem_shared>> -> memref<4992xf32, #tpu.memory_space<vmem_shared>>
        tpu.enqueue_dma source(%dma_start3A_344 : memref<4992xf32, #tpu.memory_space<vmem_shared>>) target(%arg16 : memref<4992xf32, #tpu.memory_space<vmem>>) target_semaphore(%run_scoped3A : memref<!tpu.dma_semaphore, #tpu.memory_space<semaphore_mem>>)
        %dma_wait3A_345 = tpu.memref_slice %arg28[%add3A_336] : memref<399360xf32, #tpu.memory_space<vmem_shared>> -> memref<4992xf32, #tpu.memory_space<vmem_shared>>
        %dma_wait3A_346 = tpu.memref_slice %arg28[%add3A_336] : memref<399360xf32, #tpu.memory_space<vmem_shared>> -> memref<4992xf32, #tpu.memory_space<vmem_shared>>
        tpu.wait_dma2 semaphore(%run_scoped3A : memref<!tpu.dma_semaphore, #tpu.memory_space<semaphore_mem>>) src(%dma_wait3A_346 : memref<4992xf32, #tpu.memory_space<vmem_shared>>) dst(%arg16 : memref<4992xf32, #tpu.memory_space<vmem>>)
        tpu.yield
      }) : () -> ()
      %dma_wait3A_337 = tpu.memref_slice %arg6[%add3A_328] : memref<399360xf32, #tpu.memory_space<hbm>> -> memref<4992xf32, #tpu.memory_space<hbm>>
      %dma_wait3A_338 = tpu.memref_slice %arg6[%add3A_328] : memref<399360xf32, #tpu.memory_space<hbm>> -> memref<4992xf32, #tpu.memory_space<hbm>>
      tpu.wait_dma2 semaphore(%arg30 : memref<!tpu.dma_semaphore, #tpu.memory_space<semaphore_mem>>) src(%arg17 : memref<4992xf32, #tpu.memory_space<vmem>>) dst(%dma_wait3A_338 : memref<4992xf32, #tpu.memory_space<hbm>>)
      %dma_start3A_339 = tpu.memref_slice %arg6[%add3A_336] : memref<399360xf32, #tpu.memory_space<hbm>> -> memref<4992xf32, #tpu.memory_space<hbm>>
      %dma_start3A_340 = tpu.memref_slice %arg6[%add3A_336] : memref<399360xf32, #tpu.memory_space<hbm>> -> memref<4992xf32, #tpu.memory_space<hbm>>
      tpu.enqueue_dma source(%arg16 : memref<4992xf32, #tpu.memory_space<vmem>>) target(%dma_start3A_340 : memref<4992xf32, #tpu.memory_space<hbm>>) target_semaphore(%arg30 : memref<!tpu.dma_semaphore, #tpu.memory_space<semaphore_mem>>)
      %dma_wait3A_341 = tpu.memref_slice %arg6[%add3A_336] : memref<399360xf32, #tpu.memory_space<hbm>> -> memref<4992xf32, #tpu.memory_space<hbm>>
      %dma_wait3A_342 = tpu.memref_slice %arg6[%add3A_336] : memref<399360xf32, #tpu.memory_space<hbm>> -> memref<4992xf32, #tpu.memory_space<hbm>>
      tpu.wait_dma2 semaphore(%arg30 : memref<!tpu.dma_semaphore, #tpu.memory_space<semaphore_mem>>) src(%arg16 : memref<4992xf32, #tpu.memory_space<vmem>>) dst(%dma_wait3A_342 : memref<4992xf32, #tpu.memory_space<hbm>>)
    } else {
    }
    %eq3A_298 = arith.constant 1 : i32
    %eq3A_299 = arith.cmpi eq, %arg0, %eq3A_298 : i32
    %convert_element_type3A_300 = arith.extui %eq3A_299 : i1 to i32
    %cond3A_301 = arith.constant 0 : i32
    %cond3A_302 = arith.cmpi ne, %convert_element_type3A_300, %cond3A_301 : i32
    scf.if %cond3A_302 {
      %mul3A_303 = arith.constant 24960 : i32
      %mul3A_304 = arith.muli %arg1, %mul3A_303 : i32
      %add3A_305 = arith.constant 0 : i32
      %add3A_306 = arith.addi %mul3A_304, %add3A_305 : i32
      "tpu.region"() ({
        %run_scoped3A = tpu.sem_alloc : memref<!tpu.dma_semaphore, #tpu.memory_space<semaphore_mem>>
        %dma_start3A_343 = tpu.memref_slice %arg28[%add3A_306] : memref<399360xf32, #tpu.memory_space<vmem_shared>> -> memref<4992xf32, #tpu.memory_space<vmem_shared>>
        %dma_start3A_344 = tpu.memref_slice %arg28[%add3A_306] : memref<399360xf32, #tpu.memory_space<vmem_shared>> -> memref<4992xf32, #tpu.memory_space<vmem_shared>>
        tpu.enqueue_dma source(%dma_start3A_344 : memref<4992xf32, #tpu.memory_space<vmem_shared>>) target(%arg16 : memref<4992xf32, #tpu.memory_space<vmem>>) target_semaphore(%run_scoped3A : memref<!tpu.dma_semaphore, #tpu.memory_space<semaphore_mem>>)
        %dma_wait3A_345 = tpu.memref_slice %arg28[%add3A_306] : memref<399360xf32, #tpu.memory_space<vmem_shared>> -> memref<4992xf32, #tpu.memory_space<vmem_shared>>
        %dma_wait3A_346 = tpu.memref_slice %arg28[%add3A_306] : memref<399360xf32, #tpu.memory_space<vmem_shared>> -> memref<4992xf32, #tpu.memory_space<vmem_shared>>
        tpu.wait_dma2 semaphore(%run_scoped3A : memref<!tpu.dma_semaphore, #tpu.memory_space<semaphore_mem>>) src(%dma_wait3A_346 : memref<4992xf32, #tpu.memory_space<vmem_shared>>) dst(%arg16 : memref<4992xf32, #tpu.memory_space<vmem>>)
        tpu.yield
      }) : () -> ()
      %dma_start3A_307 = tpu.memref_slice %arg7[%add3A_306] : memref<399360xf32, #tpu.memory_space<hbm>> -> memref<4992xf32, #tpu.memory_space<hbm>>
      %dma_start3A_308 = tpu.memref_slice %arg7[%add3A_306] : memref<399360xf32, #tpu.memory_space<hbm>> -> memref<4992xf32, #tpu.memory_space<hbm>>
      tpu.enqueue_dma source(%arg16 : memref<4992xf32, #tpu.memory_space<vmem>>) target(%dma_start3A_308 : memref<4992xf32, #tpu.memory_space<hbm>>) target_semaphore(%arg30 : memref<!tpu.dma_semaphore, #tpu.memory_space<semaphore_mem>>)
      %mul3A_309 = arith.constant 24960 : i32
      %mul3A_310 = arith.muli %arg1, %mul3A_309 : i32
      %add3A_311 = arith.constant 4992 : i32
      %add3A_312 = arith.addi %mul3A_310, %add3A_311 : i32
      "tpu.region"() ({
        %run_scoped3A = tpu.sem_alloc : memref<!tpu.dma_semaphore, #tpu.memory_space<semaphore_mem>>
        %dma_start3A_343 = tpu.memref_slice %arg28[%add3A_312] : memref<399360xf32, #tpu.memory_space<vmem_shared>> -> memref<4992xf32, #tpu.memory_space<vmem_shared>>
        %dma_start3A_344 = tpu.memref_slice %arg28[%add3A_312] : memref<399360xf32, #tpu.memory_space<vmem_shared>> -> memref<4992xf32, #tpu.memory_space<vmem_shared>>
        tpu.enqueue_dma source(%dma_start3A_344 : memref<4992xf32, #tpu.memory_space<vmem_shared>>) target(%arg17 : memref<4992xf32, #tpu.memory_space<vmem>>) target_semaphore(%run_scoped3A : memref<!tpu.dma_semaphore, #tpu.memory_space<semaphore_mem>>)
        %dma_wait3A_345 = tpu.memref_slice %arg28[%add3A_312] : memref<399360xf32, #tpu.memory_space<vmem_shared>> -> memref<4992xf32, #tpu.memory_space<vmem_shared>>
        %dma_wait3A_346 = tpu.memref_slice %arg28[%add3A_312] : memref<399360xf32, #tpu.memory_space<vmem_shared>> -> memref<4992xf32, #tpu.memory_space<vmem_shared>>
        tpu.wait_dma2 semaphore(%run_scoped3A : memref<!tpu.dma_semaphore, #tpu.memory_space<semaphore_mem>>) src(%dma_wait3A_346 : memref<4992xf32, #tpu.memory_space<vmem_shared>>) dst(%arg17 : memref<4992xf32, #tpu.memory_space<vmem>>)
        tpu.yield
      }) : () -> ()
      %dma_wait3A_313 = tpu.memref_slice %arg7[%add3A_306] : memref<399360xf32, #tpu.memory_space<hbm>> -> memref<4992xf32, #tpu.memory_space<hbm>>
      %dma_wait3A_314 = tpu.memref_slice %arg7[%add3A_306] : memref<399360xf32, #tpu.memory_space<hbm>> -> memref<4992xf32, #tpu.memory_space<hbm>>
      tpu.wait_dma2 semaphore(%arg30 : memref<!tpu.dma_semaphore, #tpu.memory_space<semaphore_mem>>) src(%arg16 : memref<4992xf32, #tpu.memory_space<vmem>>) dst(%dma_wait3A_314 : memref<4992xf32, #tpu.memory_space<hbm>>)
      %dma_start3A_315 = tpu.memref_slice %arg7[%add3A_312] : memref<399360xf32, #tpu.memory_space<hbm>> -> memref<4992xf32, #tpu.memory_space<hbm>>
      %dma_start3A_316 = tpu.memref_slice %arg7[%add3A_312] : memref<399360xf32, #tpu.memory_space<hbm>> -> memref<4992xf32, #tpu.memory_space<hbm>>
      tpu.enqueue_dma source(%arg17 : memref<4992xf32, #tpu.memory_space<vmem>>) target(%dma_start3A_316 : memref<4992xf32, #tpu.memory_space<hbm>>) target_semaphore(%arg30 : memref<!tpu.dma_semaphore, #tpu.memory_space<semaphore_mem>>)
      %mul3A_317 = arith.constant 24960 : i32
      %mul3A_318 = arith.muli %arg1, %mul3A_317 : i32
      %add3A_319 = arith.constant 9984 : i32
      %add3A_320 = arith.addi %mul3A_318, %add3A_319 : i32
      "tpu.region"() ({
        %run_scoped3A = tpu.sem_alloc : memref<!tpu.dma_semaphore, #tpu.memory_space<semaphore_mem>>
        %dma_start3A_343 = tpu.memref_slice %arg28[%add3A_320] : memref<399360xf32, #tpu.memory_space<vmem_shared>> -> memref<4992xf32, #tpu.memory_space<vmem_shared>>
        %dma_start3A_344 = tpu.memref_slice %arg28[%add3A_320] : memref<399360xf32, #tpu.memory_space<vmem_shared>> -> memref<4992xf32, #tpu.memory_space<vmem_shared>>
        tpu.enqueue_dma source(%dma_start3A_344 : memref<4992xf32, #tpu.memory_space<vmem_shared>>) target(%arg16 : memref<4992xf32, #tpu.memory_space<vmem>>) target_semaphore(%run_scoped3A : memref<!tpu.dma_semaphore, #tpu.memory_space<semaphore_mem>>)
        %dma_wait3A_345 = tpu.memref_slice %arg28[%add3A_320] : memref<399360xf32, #tpu.memory_space<vmem_shared>> -> memref<4992xf32, #tpu.memory_space<vmem_shared>>
        %dma_wait3A_346 = tpu.memref_slice %arg28[%add3A_320] : memref<399360xf32, #tpu.memory_space<vmem_shared>> -> memref<4992xf32, #tpu.memory_space<vmem_shared>>
        tpu.wait_dma2 semaphore(%run_scoped3A : memref<!tpu.dma_semaphore, #tpu.memory_space<semaphore_mem>>) src(%dma_wait3A_346 : memref<4992xf32, #tpu.memory_space<vmem_shared>>) dst(%arg16 : memref<4992xf32, #tpu.memory_space<vmem>>)
        tpu.yield
      }) : () -> ()
      %dma_wait3A_321 = tpu.memref_slice %arg7[%add3A_312] : memref<399360xf32, #tpu.memory_space<hbm>> -> memref<4992xf32, #tpu.memory_space<hbm>>
      %dma_wait3A_322 = tpu.memref_slice %arg7[%add3A_312] : memref<399360xf32, #tpu.memory_space<hbm>> -> memref<4992xf32, #tpu.memory_space<hbm>>
      tpu.wait_dma2 semaphore(%arg30 : memref<!tpu.dma_semaphore, #tpu.memory_space<semaphore_mem>>) src(%arg17 : memref<4992xf32, #tpu.memory_space<vmem>>) dst(%dma_wait3A_322 : memref<4992xf32, #tpu.memory_space<hbm>>)
      %dma_start3A_323 = tpu.memref_slice %arg7[%add3A_320] : memref<399360xf32, #tpu.memory_space<hbm>> -> memref<4992xf32, #tpu.memory_space<hbm>>
      %dma_start3A_324 = tpu.memref_slice %arg7[%add3A_320] : memref<399360xf32, #tpu.memory_space<hbm>> -> memref<4992xf32, #tpu.memory_space<hbm>>
      tpu.enqueue_dma source(%arg16 : memref<4992xf32, #tpu.memory_space<vmem>>) target(%dma_start3A_324 : memref<4992xf32, #tpu.memory_space<hbm>>) target_semaphore(%arg30 : memref<!tpu.dma_semaphore, #tpu.memory_space<semaphore_mem>>)
      %mul3A_325 = arith.constant 24960 : i32
      %mul3A_326 = arith.muli %arg1, %mul3A_325 : i32
      %add3A_327 = arith.constant 14976 : i32
      %add3A_328 = arith.addi %mul3A_326, %add3A_327 : i32
      "tpu.region"() ({
        %run_scoped3A = tpu.sem_alloc : memref<!tpu.dma_semaphore, #tpu.memory_space<semaphore_mem>>
        %dma_start3A_343 = tpu.memref_slice %arg28[%add3A_328] : memref<399360xf32, #tpu.memory_space<vmem_shared>> -> memref<4992xf32, #tpu.memory_space<vmem_shared>>
        %dma_start3A_344 = tpu.memref_slice %arg28[%add3A_328] : memref<399360xf32, #tpu.memory_space<vmem_shared>> -> memref<4992xf32, #tpu.memory_space<vmem_shared>>
        tpu.enqueue_dma source(%dma_start3A_344 : memref<4992xf32, #tpu.memory_space<vmem_shared>>) target(%arg17 : memref<4992xf32, #tpu.memory_space<vmem>>) target_semaphore(%run_scoped3A : memref<!tpu.dma_semaphore, #tpu.memory_space<semaphore_mem>>)
        %dma_wait3A_345 = tpu.memref_slice %arg28[%add3A_328] : memref<399360xf32, #tpu.memory_space<vmem_shared>> -> memref<4992xf32, #tpu.memory_space<vmem_shared>>
        %dma_wait3A_346 = tpu.memref_slice %arg28[%add3A_328] : memref<399360xf32, #tpu.memory_space<vmem_shared>> -> memref<4992xf32, #tpu.memory_space<vmem_shared>>
        tpu.wait_dma2 semaphore(%run_scoped3A : memref<!tpu.dma_semaphore, #tpu.memory_space<semaphore_mem>>) src(%dma_wait3A_346 : memref<4992xf32, #tpu.memory_space<vmem_shared>>) dst(%arg17 : memref<4992xf32, #tpu.memory_space<vmem>>)
        tpu.yield
      }) : () -> ()
      %dma_wait3A_329 = tpu.memref_slice %arg7[%add3A_320] : memref<399360xf32, #tpu.memory_space<hbm>> -> memref<4992xf32, #tpu.memory_space<hbm>>
      %dma_wait3A_330 = tpu.memref_slice %arg7[%add3A_320] : memref<399360xf32, #tpu.memory_space<hbm>> -> memref<4992xf32, #tpu.memory_space<hbm>>
      tpu.wait_dma2 semaphore(%arg30 : memref<!tpu.dma_semaphore, #tpu.memory_space<semaphore_mem>>) src(%arg16 : memref<4992xf32, #tpu.memory_space<vmem>>) dst(%dma_wait3A_330 : memref<4992xf32, #tpu.memory_space<hbm>>)
      %dma_start3A_331 = tpu.memref_slice %arg7[%add3A_328] : memref<399360xf32, #tpu.memory_space<hbm>> -> memref<4992xf32, #tpu.memory_space<hbm>>
      %dma_start3A_332 = tpu.memref_slice %arg7[%add3A_328] : memref<399360xf32, #tpu.memory_space<hbm>> -> memref<4992xf32, #tpu.memory_space<hbm>>
      tpu.enqueue_dma source(%arg17 : memref<4992xf32, #tpu.memory_space<vmem>>) target(%dma_start3A_332 : memref<4992xf32, #tpu.memory_space<hbm>>) target_semaphore(%arg30 : memref<!tpu.dma_semaphore, #tpu.memory_space<semaphore_mem>>)
      %mul3A_333 = arith.constant 24960 : i32
      %mul3A_334 = arith.muli %arg1, %mul3A_333 : i32
      %add3A_335 = arith.constant 19968 : i32
      %add3A_336 = arith.addi %mul3A_334, %add3A_335 : i32
      "tpu.region"() ({
        %run_scoped3A = tpu.sem_alloc : memref<!tpu.dma_semaphore, #tpu.memory_space<semaphore_mem>>
        %dma_start3A_343 = tpu.memref_slice %arg28[%add3A_336] : memref<399360xf32, #tpu.memory_space<vmem_shared>> -> memref<4992xf32, #tpu.memory_space<vmem_shared>>
        %dma_start3A_344 = tpu.memref_slice %arg28[%add3A_336] : memref<399360xf32, #tpu.memory_space<vmem_shared>> -> memref<4992xf32, #tpu.memory_space<vmem_shared>>
        tpu.enqueue_dma source(%dma_start3A_344 : memref<4992xf32, #tpu.memory_space<vmem_shared>>) target(%arg16 : memref<4992xf32, #tpu.memory_space<vmem>>) target_semaphore(%run_scoped3A : memref<!tpu.dma_semaphore, #tpu.memory_space<semaphore_mem>>)
        %dma_wait3A_345 = tpu.memref_slice %arg28[%add3A_336] : memref<399360xf32, #tpu.memory_space<vmem_shared>> -> memref<4992xf32, #tpu.memory_space<vmem_shared>>
        %dma_wait3A_346 = tpu.memref_slice %arg28[%add3A_336] : memref<399360xf32, #tpu.memory_space<vmem_shared>> -> memref<4992xf32, #tpu.memory_space<vmem_shared>>
        tpu.wait_dma2 semaphore(%run_scoped3A : memref<!tpu.dma_semaphore, #tpu.memory_space<semaphore_mem>>) src(%dma_wait3A_346 : memref<4992xf32, #tpu.memory_space<vmem_shared>>) dst(%arg16 : memref<4992xf32, #tpu.memory_space<vmem>>)
        tpu.yield
      }) : () -> ()
      %dma_wait3A_337 = tpu.memref_slice %arg7[%add3A_328] : memref<399360xf32, #tpu.memory_space<hbm>> -> memref<4992xf32, #tpu.memory_space<hbm>>
      %dma_wait3A_338 = tpu.memref_slice %arg7[%add3A_328] : memref<399360xf32, #tpu.memory_space<hbm>> -> memref<4992xf32, #tpu.memory_space<hbm>>
      tpu.wait_dma2 semaphore(%arg30 : memref<!tpu.dma_semaphore, #tpu.memory_space<semaphore_mem>>) src(%arg17 : memref<4992xf32, #tpu.memory_space<vmem>>) dst(%dma_wait3A_338 : memref<4992xf32, #tpu.memory_space<hbm>>)
      %dma_start3A_339 = tpu.memref_slice %arg7[%add3A_336] : memref<399360xf32, #tpu.memory_space<hbm>> -> memref<4992xf32, #tpu.memory_space<hbm>>
      %dma_start3A_340 = tpu.memref_slice %arg7[%add3A_336] : memref<399360xf32, #tpu.memory_space<hbm>> -> memref<4992xf32, #tpu.memory_space<hbm>>
      tpu.enqueue_dma source(%arg16 : memref<4992xf32, #tpu.memory_space<vmem>>) target(%dma_start3A_340 : memref<4992xf32, #tpu.memory_space<hbm>>) target_semaphore(%arg30 : memref<!tpu.dma_semaphore, #tpu.memory_space<semaphore_mem>>)
      %dma_wait3A_341 = tpu.memref_slice %arg7[%add3A_336] : memref<399360xf32, #tpu.memory_space<hbm>> -> memref<4992xf32, #tpu.memory_space<hbm>>
      %dma_wait3A_342 = tpu.memref_slice %arg7[%add3A_336] : memref<399360xf32, #tpu.memory_space<hbm>> -> memref<4992xf32, #tpu.memory_space<hbm>>
      tpu.wait_dma2 semaphore(%arg30 : memref<!tpu.dma_semaphore, #tpu.memory_space<semaphore_mem>>) src(%arg16 : memref<4992xf32, #tpu.memory_space<vmem>>) dst(%dma_wait3A_342 : memref<4992xf32, #tpu.memory_space<hbm>>)
    } else {
    }
    return
  }
}

module attributes {stable_mosaic.version = 14 : i64} {
  func.func @_tc_body(%arg0: memref<10240x128xf32, #tpu.memory_space<vmem>>, %arg1: memref<39x10240xf32, #tpu.memory_space<vmem>>, %arg2: memref<8x39xf32, #tpu.memory_space<vmem>>, %arg3: memref<8x128x128xf32, #tpu.memory_space<vmem>>, %arg4: memref<128x128xf32, #tpu.memory_space<vmem>>, %arg5: memref<1x128xf32, #tpu.memory_space<vmem>>, %arg6: memref<1x128xf32, #tpu.memory_space<vmem>>) attributes {dimension_semantics = [], scalar_prefetch = 0 : i64, scratch_operands = 0 : i64, tpu.core_type = #tpu.core_type<tc>} {
    %get3A = arith.constant 0 : index
    %get3A_0 = arith.constant 0 : index
    %get3A_1 = vector.load %arg0[%get3A, %get3A_0] : memref<10240x128xf32, #tpu.memory_space<vmem>>, vector<10240x128xf32>
    %get3A_2 = arith.constant 0 : index
    %get3A_3 = arith.constant 0 : index
    %get3A_4 = vector.load %arg1[%get3A_2, %get3A_3] : memref<39x10240xf32, #tpu.memory_space<vmem>>, vector<39x10240xf32>
    %dot_general3A = arith.constant dense<0.000000e+00> : vector<39x128xf32>
    %dot_general3A_5 = tpu.matmul %get3A_4, %get3A_1, %dot_general3A {dimension_numbers = #tpu.dot_dimension_numbers<[1], [0], [0], [1], [0, 0, 1, 1], [], []>, transpose_lhs_hint = false} : vector<39x10240xf32>, vector<10240x128xf32>, vector<39x128xf32> -> vector<39x128xf32>
    %get3A_6 = arith.constant 0 : index
    %get3A_7 = arith.constant 0 : index
    %get3A_8 = vector.load %arg2[%get3A_6, %get3A_7] : memref<8x39xf32, #tpu.memory_space<vmem>>, vector<8x39xf32>
    %dot_general3A_9 = arith.constant dense<0.000000e+00> : vector<8x128xf32>
    %dot_general3A_10 = tpu.matmul %get3A_8, %dot_general3A_5, %dot_general3A_9 {dimension_numbers = #tpu.dot_dimension_numbers<[1], [0], [0], [1], [0, 0, 1, 1], [], []>, transpose_lhs_hint = false} : vector<8x39xf32>, vector<39x128xf32>, vector<8x128xf32> -> vector<8x128xf32>
    %broadcast_in_dim3A = arith.constant 0.000000e+00 : f32
    %broadcast_in_dim3A_11 = vector.broadcast %broadcast_in_dim3A : f32 to vector<1x128xf32>
    %slice3A = vector.extract_strided_slice %dot_general3A_10 {offsets = [0, 0], sizes = [1, 128], strides = [1, 1]} : vector<8x128xf32> to vector<1x128xf32>
    %get3A_12 = arith.constant 0 : index
    %get3A_13 = arith.constant 0 : index
    %get3A_14 = arith.constant 0 : index
    %get3A_15 = vector.load %arg3[%get3A_12, %get3A_13, %get3A_14] : memref<8x128x128xf32, #tpu.memory_space<vmem>>, vector<1x128x128xf32>
    %get3A_16 = vector.shape_cast %get3A_15 : vector<1x128x128xf32> to vector<128x128xf32>
    %dot_general3A_17 = arith.constant dense<0.000000e+00> : vector<1x128xf32>
    %dot_general3A_18 = tpu.matmul %slice3A, %get3A_16, %dot_general3A_17 {dimension_numbers = #tpu.dot_dimension_numbers<[1], [0], [0], [1], [0, 0, 1, 1], [], []>, transpose_lhs_hint = false} : vector<1x128xf32>, vector<128x128xf32>, vector<1x128xf32> -> vector<1x128xf32>
    %add3A = arith.addf %broadcast_in_dim3A_11, %dot_general3A_18 : vector<1x128xf32>
    %slice3A_19 = vector.extract_strided_slice %dot_general3A_10 {offsets = [1, 0], sizes = [1, 128], strides = [1, 1]} : vector<8x128xf32> to vector<1x128xf32>
    %get3A_20 = arith.constant 1 : index
    %get3A_21 = arith.constant 0 : index
    %get3A_22 = arith.constant 0 : index
    %get3A_23 = vector.load %arg3[%get3A_20, %get3A_21, %get3A_22] : memref<8x128x128xf32, #tpu.memory_space<vmem>>, vector<1x128x128xf32>
    %get3A_24 = vector.shape_cast %get3A_23 : vector<1x128x128xf32> to vector<128x128xf32>
    %dot_general3A_25 = arith.constant dense<0.000000e+00> : vector<1x128xf32>
    %dot_general3A_26 = tpu.matmul %slice3A_19, %get3A_24, %dot_general3A_25 {dimension_numbers = #tpu.dot_dimension_numbers<[1], [0], [0], [1], [0, 0, 1, 1], [], []>, transpose_lhs_hint = false} : vector<1x128xf32>, vector<128x128xf32>, vector<1x128xf32> -> vector<1x128xf32>
    %add3A_27 = arith.addf %add3A, %dot_general3A_26 : vector<1x128xf32>
    %slice3A_28 = vector.extract_strided_slice %dot_general3A_10 {offsets = [2, 0], sizes = [1, 128], strides = [1, 1]} : vector<8x128xf32> to vector<1x128xf32>
    %get3A_29 = arith.constant 2 : index
    %get3A_30 = arith.constant 0 : index
    %get3A_31 = arith.constant 0 : index
    %get3A_32 = vector.load %arg3[%get3A_29, %get3A_30, %get3A_31] : memref<8x128x128xf32, #tpu.memory_space<vmem>>, vector<1x128x128xf32>
    %get3A_33 = vector.shape_cast %get3A_32 : vector<1x128x128xf32> to vector<128x128xf32>
    %dot_general3A_34 = arith.constant dense<0.000000e+00> : vector<1x128xf32>
    %dot_general3A_35 = tpu.matmul %slice3A_28, %get3A_33, %dot_general3A_34 {dimension_numbers = #tpu.dot_dimension_numbers<[1], [0], [0], [1], [0, 0, 1, 1], [], []>, transpose_lhs_hint = false} : vector<1x128xf32>, vector<128x128xf32>, vector<1x128xf32> -> vector<1x128xf32>
    %add3A_36 = arith.addf %add3A_27, %dot_general3A_35 : vector<1x128xf32>
    %slice3A_37 = vector.extract_strided_slice %dot_general3A_10 {offsets = [3, 0], sizes = [1, 128], strides = [1, 1]} : vector<8x128xf32> to vector<1x128xf32>
    %get3A_38 = arith.constant 3 : index
    %get3A_39 = arith.constant 0 : index
    %get3A_40 = arith.constant 0 : index
    %get3A_41 = vector.load %arg3[%get3A_38, %get3A_39, %get3A_40] : memref<8x128x128xf32, #tpu.memory_space<vmem>>, vector<1x128x128xf32>
    %get3A_42 = vector.shape_cast %get3A_41 : vector<1x128x128xf32> to vector<128x128xf32>
    %dot_general3A_43 = arith.constant dense<0.000000e+00> : vector<1x128xf32>
    %dot_general3A_44 = tpu.matmul %slice3A_37, %get3A_42, %dot_general3A_43 {dimension_numbers = #tpu.dot_dimension_numbers<[1], [0], [0], [1], [0, 0, 1, 1], [], []>, transpose_lhs_hint = false} : vector<1x128xf32>, vector<128x128xf32>, vector<1x128xf32> -> vector<1x128xf32>
    %add3A_45 = arith.addf %add3A_36, %dot_general3A_44 : vector<1x128xf32>
    %slice3A_46 = vector.extract_strided_slice %dot_general3A_10 {offsets = [4, 0], sizes = [1, 128], strides = [1, 1]} : vector<8x128xf32> to vector<1x128xf32>
    %get3A_47 = arith.constant 4 : index
    %get3A_48 = arith.constant 0 : index
    %get3A_49 = arith.constant 0 : index
    %get3A_50 = vector.load %arg3[%get3A_47, %get3A_48, %get3A_49] : memref<8x128x128xf32, #tpu.memory_space<vmem>>, vector<1x128x128xf32>
    %get3A_51 = vector.shape_cast %get3A_50 : vector<1x128x128xf32> to vector<128x128xf32>
    %dot_general3A_52 = arith.constant dense<0.000000e+00> : vector<1x128xf32>
    %dot_general3A_53 = tpu.matmul %slice3A_46, %get3A_51, %dot_general3A_52 {dimension_numbers = #tpu.dot_dimension_numbers<[1], [0], [0], [1], [0, 0, 1, 1], [], []>, transpose_lhs_hint = false} : vector<1x128xf32>, vector<128x128xf32>, vector<1x128xf32> -> vector<1x128xf32>
    %add3A_54 = arith.addf %add3A_45, %dot_general3A_53 : vector<1x128xf32>
    %slice3A_55 = vector.extract_strided_slice %dot_general3A_10 {offsets = [5, 0], sizes = [1, 128], strides = [1, 1]} : vector<8x128xf32> to vector<1x128xf32>
    %get3A_56 = arith.constant 5 : index
    %get3A_57 = arith.constant 0 : index
    %get3A_58 = arith.constant 0 : index
    %get3A_59 = vector.load %arg3[%get3A_56, %get3A_57, %get3A_58] : memref<8x128x128xf32, #tpu.memory_space<vmem>>, vector<1x128x128xf32>
    %get3A_60 = vector.shape_cast %get3A_59 : vector<1x128x128xf32> to vector<128x128xf32>
    %dot_general3A_61 = arith.constant dense<0.000000e+00> : vector<1x128xf32>
    %dot_general3A_62 = tpu.matmul %slice3A_55, %get3A_60, %dot_general3A_61 {dimension_numbers = #tpu.dot_dimension_numbers<[1], [0], [0], [1], [0, 0, 1, 1], [], []>, transpose_lhs_hint = false} : vector<1x128xf32>, vector<128x128xf32>, vector<1x128xf32> -> vector<1x128xf32>
    %add3A_63 = arith.addf %add3A_54, %dot_general3A_62 : vector<1x128xf32>
    %slice3A_64 = vector.extract_strided_slice %dot_general3A_10 {offsets = [6, 0], sizes = [1, 128], strides = [1, 1]} : vector<8x128xf32> to vector<1x128xf32>
    %get3A_65 = arith.constant 6 : index
    %get3A_66 = arith.constant 0 : index
    %get3A_67 = arith.constant 0 : index
    %get3A_68 = vector.load %arg3[%get3A_65, %get3A_66, %get3A_67] : memref<8x128x128xf32, #tpu.memory_space<vmem>>, vector<1x128x128xf32>
    %get3A_69 = vector.shape_cast %get3A_68 : vector<1x128x128xf32> to vector<128x128xf32>
    %dot_general3A_70 = arith.constant dense<0.000000e+00> : vector<1x128xf32>
    %dot_general3A_71 = tpu.matmul %slice3A_64, %get3A_69, %dot_general3A_70 {dimension_numbers = #tpu.dot_dimension_numbers<[1], [0], [0], [1], [0, 0, 1, 1], [], []>, transpose_lhs_hint = false} : vector<1x128xf32>, vector<128x128xf32>, vector<1x128xf32> -> vector<1x128xf32>
    %add3A_72 = arith.addf %add3A_63, %dot_general3A_71 : vector<1x128xf32>
    %slice3A_73 = vector.extract_strided_slice %dot_general3A_10 {offsets = [7, 0], sizes = [1, 128], strides = [1, 1]} : vector<8x128xf32> to vector<1x128xf32>
    %get3A_74 = arith.constant 7 : index
    %get3A_75 = arith.constant 0 : index
    %get3A_76 = arith.constant 0 : index
    %get3A_77 = vector.load %arg3[%get3A_74, %get3A_75, %get3A_76] : memref<8x128x128xf32, #tpu.memory_space<vmem>>, vector<1x128x128xf32>
    %get3A_78 = vector.shape_cast %get3A_77 : vector<1x128x128xf32> to vector<128x128xf32>
    %dot_general3A_79 = arith.constant dense<0.000000e+00> : vector<1x128xf32>
    %dot_general3A_80 = tpu.matmul %slice3A_73, %get3A_78, %dot_general3A_79 {dimension_numbers = #tpu.dot_dimension_numbers<[1], [0], [0], [1], [0, 0, 1, 1], [], []>, transpose_lhs_hint = false} : vector<1x128xf32>, vector<128x128xf32>, vector<1x128xf32> -> vector<1x128xf32>
    %add3A_81 = arith.addf %add3A_72, %dot_general3A_80 : vector<1x128xf32>
    %slice3A_82 = vector.extract_strided_slice %get3A_1 {offsets = [0, 0], sizes = [10000, 128], strides = [1, 1]} : vector<10240x128xf32> to vector<10000x128xf32>
    %reduce_sum3A = arith.constant dense<0.000000e+00> : vector<128xf32>
    %reduce_sum3A_83 = vector.multi_reduction <add>, %slice3A_82, %reduce_sum3A [0] : vector<10000x128xf32> to vector<128xf32>
    %broadcast_in_dim3A_84 = vector.shape_cast %reduce_sum3A_83 : vector<128xf32> to vector<1x128xf32>
    %get3A_85 = arith.constant 0 : index
    %get3A_86 = arith.constant 0 : index
    %get3A_87 = vector.load %arg4[%get3A_85, %get3A_86] : memref<128x128xf32, #tpu.memory_space<vmem>>, vector<128x128xf32>
    %dot_general3A_88 = arith.constant dense<0.000000e+00> : vector<1x128xf32>
    %dot_general3A_89 = tpu.matmul %broadcast_in_dim3A_84, %get3A_87, %dot_general3A_88 {dimension_numbers = #tpu.dot_dimension_numbers<[1], [0], [0], [1], [0, 0, 1, 1], [], []>, transpose_lhs_hint = false} : vector<1x128xf32>, vector<128x128xf32>, vector<1x128xf32> -> vector<1x128xf32>
    %add3A_90 = arith.addf %add3A_81, %dot_general3A_89 : vector<1x128xf32>
    %get3A_91 = arith.constant 0 : index
    %get3A_92 = arith.constant 0 : index
    %get3A_93 = vector.load %arg5[%get3A_91, %get3A_92] : memref<1x128xf32, #tpu.memory_space<vmem>>, vector<1x128xf32>
    %mul3A = arith.constant 1.000000e+04 : f32
    %mul3A_94 = vector.broadcast %mul3A : f32 to vector<1x128xf32>
    %mul3A_95 = arith.mulf %mul3A_94, %get3A_93 : vector<1x128xf32>
    %add3A_96 = arith.addf %add3A_90, %mul3A_95 : vector<1x128xf32>
    %mul3A_97 = arith.mulf %add3A_96, %add3A_96 : vector<1x128xf32>
    %reduce_sum3A_98 = vector.shape_cast %mul3A_97 : vector<1x128xf32> to vector<1x1x128xf32>
    %reduce_sum3A_99 = arith.constant dense<0.000000e+00> : vector<1xf32>
    %reduce_sum3A_100 = vector.multi_reduction <add>, %reduce_sum3A_98, %reduce_sum3A_99 [1, 2] : vector<1x1x128xf32> to vector<1xf32>
    %reduce_sum3A_101 = vector.shape_cast %reduce_sum3A_100 : vector<1xf32> to vector<1x1x1xf32>
    %reduce_sum3A_102 = vector.extract %reduce_sum3A_101[0, 0, 0] : f32 from vector<1x1x1xf32>
    %sqrt3A = math.sqrt %reduce_sum3A_102 : f32
    %max3A = arith.constant 9.99999974E-6 : f32
    %max3A_103 = arith.maximumf %sqrt3A, %max3A : f32
    %div3A = vector.broadcast %max3A_103 : f32 to vector<1x128xf32>
    %div3A_104 = arith.divf %add3A_96, %div3A : vector<1x128xf32>
    %swap3A = arith.constant 0 : index
    %swap3A_105 = arith.constant 0 : index
    %swap3A_106 = vector.load %arg6[%swap3A, %swap3A_105] : memref<1x128xf32, #tpu.memory_space<vmem>>, vector<1x128xf32>
    tpu.vector_store %arg6[%swap3A, %swap3A_105], %div3A_104 {strides = array<i32>} : memref<1x128xf32, #tpu.memory_space<vmem>>, vector<1x128xf32>,
    return
  }
}

</mosaic_0001>

<sc_bundles>
// kernel: kernel.4.cloned.1.call-start
scs
__scs_entry_jumppad:
0x0: {  	(pc) =	sbr.rel $0x88, $3  }
0x1: {  	(tag) =	ssettag $0x0;
	lr =	simm.s32 $0x1  }
0x2: {  	[smem:$0x3F99] =	sst lr;
	_ =	strace $0xD0000000  }
0x3: {  	_ = 	snop  }
0x4: {  	_ = 	snop  }
0x5: {  	_ = 	snop  }
0x6: {  	_ = 	snop  }
0x7: {  	_ = 	snop  }
__scs_overlays_trampoline_lowered:
0x8: {  	[smem:$0x3FA8] =	sst s0  }
0x9: {  	[smem:$0x3FA9] =	sst s1  }
0xa: {  	[smem:$0x3FAA] =	sst s2  }
0xb: {  	[smem:$0x3FAB] =	sst s3  }
0xc: {  	[smem:$0x3FAC] =	sst s4  }
0xd: {  	[smem:$0x3FAD] =	sst s5  }
0xe: {  	[smem:$0x3FAE] =	sst s6  }
0xf: {  	[smem:$0x3FAF] =	sst s7  }
0x10: {  	[smem:$0x3FB0] =	sst s8  }
0x11: {  	[smem:$0x3FB1] =	sst s9;
	s0 =	simm.s32 @!p0 $0x0  }
0x12: {  	s1 =	sld [smem:$0x3F97];
	s0 =	simm.s32 @p0 $0x1  }
0x13: {  	[smem:$0x3FB2] =	sst s0;
	s0 =	simm.s32 @!p1 $0x0  }
0x14: {  	s2 =	sld [smem:$0x3F96];
	s0 =	simm.s32 @p1 $0x1  }
0x15: {  	[smem:$0x3FB3] =	sst s0;
	s0 =	simm.s32 @!p2 $0x0  }
0x16: {  	s3 =	sld [smem:$0x3FDB];
	s0 =	simm.s32 @p2 $0x1  }
0x17: {  	s4 =	simm.s32 $0x1BF5;
	[smem:$0x3FB5] =	sst s0  }
0x18: {  	s0 =	sld [smem:$0x3F98];
	_ =	swait.ge [sflag:s4], $0x0  }
0x19: {  	s7 =	sld [smem:$0x3F99]  }
0x1a: {  	s8 =	sadd.s32 $0xFFFFE003, lr  }
0x1b: {  	s9 =	sadd.s32 $0xFFFFFEF7, lr;
	s5 =	simm.s32 $0xFFFFFFFF;
	p2 =	slt.u32 s8, $0xFFFFF086  }
0x1c: {  	p1 =	slt.u32 s9, $0xF7A;
	s5 =	simm.s32 @!p2 $0x0  }
0x1d: {  	s5 =	simm.s32 @p1 $0x1;
	p0 =	seq.s32 s7, s2  }
0x1e: {  	s7 =	smul.u32 @!p0 $0xF7A, s2;
	p2 =	seq.s32 @!p0 s5, $0x0  }
0x1f: {  	s9 =	smul.u32 $0xF7A, s1;
	s8 =	simm.s32 @!p0 $0x1BF5;
	p2 =	por !p2, p0  }
0x20: {  	[sflag:s8] =	ssyncset.s32 @!p0 $0xFFFFF086;
	s6 =	sadd.s32 @!p0 s3, s7;
	s7 =	simm.s32 @!p0 $0x108  }
0x21: {  	s3 =	sadd.s32 s3, s9;
	s6 =	sadd.s32 @!p0 $0x88, s6;
	s7 =	simm.s32 @p2 $0x1082  }
0x22: {  	[simem:s7], [sflag:s8] =	dma.local @!p0 [hbm:s6], $0xF7A  }
0x23: {  	s9 =	sor.u32 $0xD0000000, s2;
	s6 =	simm.s32 $0x108;
	_ =	swait.ge @!p0 [sflag:s8], $0x0  }
0x24: {  	s3 =	sadd.s32 $0x88, s3;
	s6 =	simm.s32 @!p1 $0x1082;
	[sflag:s4] =	ssyncset.s32 $0xFFFFF086  }
0x25: {  	[simem:s6], [sflag:s4] =	dma.local [hbm:s3], $0xF7A  }
0x26: {  	[smem:$0x3F99] =	sst s1;
	(tag) =	ssettag s2;
	_ =	strace s9  }
0x27: {  	s1 =	sld [smem:$0x3FA9]  }
0x28: {  	s2 =	sld [smem:$0x3FAA]  }
0x29: {  	s4 =	sld [smem:$0x3FAC]  }
0x2a: {  	p0 =	seq.s32 s5, $0x0;
	s5 =	sld [smem:$0x3FAD]  }
0x2b: {  	s6 =	sld [smem:$0x3FAE]  }
0x2c: {  	s7 =	sld [smem:$0x3FAF]  }
0x2d: {  	s3 =	simm.s32 $0x108;
	s8 =	sld [smem:$0x3FB0]  }
0x2e: {  	s3 =	simm.s32 @!p0 $0x1082;
	s9 =	sld [smem:$0x3FB1]  }
0x2f: {  	lr =	sadd.s32 s0, s3;
	s0 =	sld [smem:$0x3FA8]  }
0x30: {  	s3 =	sld [smem:$0x3FAB]  }
0x31: {  	[smem:$0x3FB4] =	sst s10  }
0x32: {  	s10 =	sld [smem:$0x3FB2];
	_ =	sdelay $0x3  }
0x33: {  	p0 =	seq.s32 s10, $0x1;
	s10 =	sld [smem:$0x3FB4];
	_ =	sdelay $0x3  }
0x34: {  	[smem:$0x3FB4] =	sst s10  }
0x35: {  	s10 =	sld [smem:$0x3FB3];
	_ =	sdelay $0x3  }
0x36: {  	p1 =	seq.s32 s10, $0x1;
	s10 =	sld [smem:$0x3FB4];
	_ =	sdelay $0x3  }
0x37: {  	[smem:$0x3FB4] =	sst s10  }
0x38: {  	s10 =	sld [smem:$0x3FB5]  }
0x39: {  	_ = 	snop;
	(pc) =	sbr.ind lr, $3  }
0x3a: {  	_ = 	snop  }
0x3b: {  	_ = 	snop  }
0x3c: {  	p2 =	seq.s32 s10, $0x1;
	s10 =	sld [smem:$0x3FB4]  }
0x3d: {  	_ =	shalt  }
0x3e: {  	_ =	shalt  }
0x3f: {  	_ =	shalt  }
0x40: {  	_ =	shalt  }
0x41: {  	_ =	shalt  }
0x42: {  	_ =	shalt  }
0x43: {  	_ =	shalt  }
0x44: {  	_ =	shalt  }
0x45: {  	_ =	shalt  }
0x46: {  	_ =	shalt  }
0x47: {  	_ =	shalt  }
0x48: {  	_ =	shalt  }
0x49: {  	_ =	shalt  }
0x4a: {  	_ =	shalt  }
0x4b: {  	_ =	shalt  }
0x4c: {  	_ =	shalt  }
0x4d: {  	_ =	shalt  }
0x4e: {  	_ =	shalt  }
0x4f: {  	_ =	shalt  }
0x50: {  	_ =	shalt  }
0x51: {  	_ =	shalt  }
0x52: {  	_ =	shalt  }
0x53: {  	_ =	shalt  }
0x54: {  	_ =	shalt  }
0x55: {  	_ =	shalt  }
0x56: {  	_ =	shalt  }
0x57: {  	_ =	shalt  }
0x58: {  	_ =	shalt  }
0x59: {  	_ =	shalt  }
0x5a: {  	_ =	shalt  }
0x5b: {  	_ =	shalt  }
0x5c: {  	_ =	shalt  }
0x5d: {  	_ =	shalt  }
0x5e: {  	_ =	shalt  }
0x5f: {  	_ =	shalt  }
0x60: {  	_ =	shalt  }
0x61: {  	_ =	shalt  }
0x62: {  	_ =	shalt  }
0x63: {  	_ =	shalt  }
0x64: {  	_ =	shalt  }
0x65: {  	_ =	shalt  }
0x66: {  	_ =	shalt  }
0x67: {  	_ =	shalt  }
0x68: {  	_ =	shalt  }
0x69: {  	_ =	shalt  }
0x6a: {  	_ =	shalt  }
0x6b: {  	_ =	shalt  }
0x6c: {  	_ =	shalt  }
0x6d: {  	_ =	shalt  }
0x6e: {  	_ =	shalt  }
0x6f: {  	_ =	shalt  }
0x70: {  	_ =	shalt  }
0x71: {  	_ =	shalt  }
0x72: {  	_ =	shalt  }
0x73: {  	_ =	shalt  }
0x74: {  	_ =	shalt  }
0x75: {  	_ =	shalt  }
0x76: {  	_ =	shalt  }
0x77: {  	_ =	shalt  }
0x78: {  	_ =	shalt  }
0x79: {  	_ =	shalt  }
0x7a: {  	_ =	shalt  }
0x7b: {  	_ =	shalt  }
0x7c: {  	_ =	shalt  }
0x7d: {  	_ =	shalt  }
0x7e: {  	_ =	shalt  }
0x7f: {  	_ =	shalt  }
0x80: {  	_ =	shalt  }
0x81: {  	_ =	shalt  }
0x82: {  	_ =	shalt  }
0x83: {  	_ =	shalt  }
0x84: {  	_ =	shalt  }
0x85: {  	_ =	shalt  }
0x86: {  	_ =	shalt  }
0x87: {  	_ =	shalt  }
.Lfunc_end0:
.L_simem_size_0:
called_computation_lowered:
.L_overlay_start_0:
0x88: {  	s2 =	sld [smem:$0x3FD9]  }
0x89: {  	s3 =	sld [smem:$0x3FFE];
	_ =	sdelay $0x1  }
0x8a: {  	s1 =	srdreg.scid  }
0x8b: {  	s0 =	sand.u32 $0x1, s1  }
0x8c: {  	s17 =	sshll.u32 s0, $0xA;
	s2 =	sadd.s32 s3, s2  }
0x8d: {  	s2 =	sadd.s32 s2, s17  }
0x8e: {  	[smem:$0x3FC0] =	sst s2  }
0x8f: {  	_ = 	snop  }
0x90: {  	s2 =	sld [smem:$0x3FC9]  }
0x91: {  	s18 =	sld [smem:$0x3FC8]  }
0x92: {  	s4 =	sld [smem:$0x3FC7]  }
0x93: {  	s5 =	sld [smem:$0x3FC6];
	(tm) =	ssettm $0x1  }
0x94: {  	s6 =	sld [smem:$0x3FFB];
	_ =	sdelay $0x3  }
0x95: {  	_ =	strace s6  }
0x96: {  	s6 =	sld [smem:$0x3FFC];
	_ =	sdelay $0x3  }
0x97: {  	_ =	strace s6  }
0x98: {  	s6 =	sld [smem:$0x3FFD];
	_ =	sdelay $0x3  }
0x99: {  	_ =	strace s6  }
0x9a: {  	_ =	strace $0x8FFFFFFF  }
0x9b: {  	s19 =	sld [smem:$0x3FDB];
	_ =	sdelay $0x1  }
0x9c: {  	s7 =	simm.s32 $_scs_section_size  }
0x9d: {  	s8 =	simm.s32 $_size__tile_overlayer_lowered;
	s9 =	simm.s32 $_tile_overlayer_lowered  }
0x9e: {  	s22 =	simm.s32 $0x1BFF;
	s21 =	sshll.u32 s9, $0x1;
	s6 =	sadd.s32 s7, s19  }
0x9f: {  	s10 =	simm.s32 $0x0;
	s20 =	sshll.u32 s8, $0x1;
	s8 =	sadd.s32 s21, s6  }
0xa0: {  	[timem:s10], [sflag:s22] =	dma.local [hbm:s8], s20  }
0xa1: {  	_ =	swait.ge [sflag:s22], s20  }
0xa2: {  	s7 =	ssub.s32 $0x0, s20;
	[sflag:s22] =	ssyncset.done $0x0  }
0xa3: {  	[sflag:s22] =	ssyncadd.s32 s7;
	_ =	sdelay $0x1  }
0xa4: {  	s23 =	simm.s32 $0x1B8B  }
0xa5: {  	_ =	swait.ge [sflag:s23], $0x1  }
0xa6: {  	[sflag:s23] =	ssyncset.done $0x0  }
0xa7: {  	s25 =	simm.s32 $0x1B8E;
	s24 =	sld [smem:$0x3FFE];
	[sflag:s23] =	ssyncadd.s32 $0xFFFFFFFF  }
0xa8: {  	s26 =	simm.s32 $execute0_lowered;
	[smem:$0x3FD2] =	sst s25  }
0xa9: {  	s8 =	sshll.u32 s26, $0x1;
	_ =	strace $0x80000046;
	[dreg:$0x1] =	wrdreg $0xFFFFFFFF  }
0xaa: {  	s28 =	simm.s32 $_size_execute0_lowered;
	s6 =	sadd.s32 s6, s8;
	[dreg:$0x0] =	wrdreg $0x0  }
0xab: {  	s8 =	sshll.u32 s28, $0x1;
	[dreg:$0x2] =	wrdreg s6  }
0xac: {  	[dreg:$0x3] =	wrdreg s8  }
0xad: {  	[dreg:$0x4] =	wrdreg $0xC0  }
0xae: {  	_ =	task [dreg:s10], $0x5FFFF  }
0xaf: {  	[dreg:$0x1] =	wrdreg $0xFFFFFFFF  }
0xb0: {  	[dreg:$0x0] =	wrdreg $0x60  }
0xb1: {  	[dreg:$0x2] =	wrdreg s18  }
0xb2: {  	[dreg:$0x3] =	wrdreg s4  }
0xb3: {  	[dreg:$0x4] =	wrdreg s2  }
0xb4: {  	[dreg:$0x5] =	wrdreg s5  }
0xb5: {  	[dreg:$0x6] =	wrdreg s24  }
0xb6: {  	[dreg:$0x7] =	wrdreg $0x108000  }
0xb7: {  	[dreg:$0x8] =	wrdreg $0x169800  }
0xb8: {  	[dreg:$0x9] =	wrdreg $0x9  }
0xb9: {  	_ =	task.clear_ibuf [dreg:s10], $0xAFFFF;
	_ =	strace $0x90000046  }
0xba: {  	s29 =	simm.s32 $0x9;
	_ =	strace $0x8000004A  }
0xbb: {  	_ =	swait.ge [sflag:s29], $0x1  }
0xbc: {  	[sflag:s29] =	ssyncadd.s32 $0xFFFFFFFF  }
0xbd: {  	_ =	strace $0x9000004A  }
0xbe: {  	_ =	sfence  }
0xbf: {  	s30 =	sld [smem:$0x0];
	_ =	sdelay $0x2  }
0xc0: {  	s31 =	sshll.u32 s1, $0xD;
	s1 =	sshrl.u32 s1, $0x2  }
0xc1: {  	s3 =	sand.u32 $0x4000, s31;
	s1 =	sadd.s32 s1, s30  }
0xc2: {  	s0 =	sor.u32 s3, s0;
	s1 =	sshll.u32 s1, $0x11  }
0xc3: {  	s0 =	sor.u32 s1, s0  }
0xc4: {  	s0 =	sadd.s32 $0x8F2B, s0  }
0xc5: {  	[sflag:s0] =	ssyncadd.remote.s32 $0x1  }
0xc6: {  	_ =	sfence.sel $0xFFFF  }
0xc7: {  	[dreg:$0x0] =	wrdreg $0xFFFFFFFF;
	(pc) =	sbr.abs _section_cstart, $3  }
0xc8: {  	[dreg:$0x1] =	wrdreg $0xFFFFFFFF  }
0xc9: {  	_ =	task.clear_ibuf [dreg:s10], $0x2FFFF;
	_ =	strace $0x9FFFFFFF  }
0xca: {  	(tm) =	ssettm $0x7FFFFFFF  }
0xcb: {  	_ =	shalt  }
tec
execute0_lowered:
.L_overlay_start_1:
0x0: {  	(tag) =	ssettag $0x1  }
0x1: {  	s2 =	rddreg [dreg:$0x0]  }
0x2: {  	s3 =	rddreg [dreg:$0x1]  }
0x3: {  	s21 =	rddreg [dreg:$0x2]  }
0x4: {  	s1 =	rddreg [dreg:$0x4];
	s4 =	simm.s32 $0x0;
	s0 =	srdreg.scid  }
0x5: {  	s24 =	stileid.u32;
	[smem:$0x7FF] =	sst s4;
	s4 =	sadd.s32 $0x1200, s1  }
0x6: {  	s0 =	sand.u32 $0x1, s0;
	s5 =	sadd.s32 $0xD600, s1;
	s8 =	smul.u32 $0x6180, s24  }
0x7: {  	s7 =	sadd.s32 $0x19A00, s1;
	s23 =	sshll.u32 s24, $0x1;
	s9 =	smul.u32 $0x1380, s24  }
0x8: {  	s10 =	smul.u32 $0x4E00, s24;
	s19 =	sor.u32 $0x9C0, s24;
	s6 =	ssub.s32 $0x2, s0  }
0x9: {  	s22 =	sshrl.u32 s6, $0x1;
	s13 =	sadd.s32 $0x1380, s8;
	s14 =	sadd.s32 $0x2700, s8  }
0xa: {  	s15 =	sadd.s32 $0x3A80, s8;
	s9 =	sadd.s32 s2, s9;
	s25 =	sshrl.u32 s10, $0x3  }
0xb: {  	s11 =	sadd.s32 $0x1380, s10;
	s17 =	sadd.s32 $0x2700, s10;
	s20 =	sadd.s32 $0x3A80, s10  }
0xc: {  	s1 =	ssub.s32 s6, s22;
	s6 =	sor.u32 s0, s23;
	[dreg:$0x8] =	wrdreg s9  }
0xd: {  	s16 =	sshrl.u32 s11, $0x2;
	s26 =	sshrl.u32 s17, $0x2;
	s10 =	sshrl.u32 s20, $0x2  }
0xe: {  	s22 =	sshll.u32 s19, $0x5;
	s9 =	sadd.s32 s3, s25;
	s25 =	sshrl.u32 s17, $0x3  }
0xf: {  	s17 =	sshrl.u32 s8, $0x3;
	s16 =	sadd.s32 s2, s16;
	[dreg:$0xe] =	wrdreg s9  }
0x10: {  	s12 =	smul.u32 $0x1400, s6;
	s10 =	sadd.s32 s2, s10;
	[dreg:$0x9] =	wrdreg s16  }
0x11: {  	s9 =	sshll.u32 s19, $0x4;
	s19 =	sadd.s32 s4, s17;
	[dreg:$0xc] =	wrdreg s10  }
0x12: {  	s23 =	sshrl.u32 s11, $0x3;
	s18 =	smul.u32 $0xA000, s6;
	[dreg:$0x10] =	wrdreg s19  }
0x13: {  	s11 =	sadd.s32 s3, s25;
	s19 =	rddreg [dreg:$0x3];
	s12 =	sadd.s32 s7, s12  }
0x14: {  	s10 =	sadd.s32 s3, s23;
	s18 =	sshrl.u32 s18, $0x3;
	[dreg:$0xa] =	wrdreg s12  }
0x15: {  	s7 =	sadd.s32 s7, s18;
	s12 =	sadd.s32 s2, s26;
	s2 =	sadd.s32 s2, s22  }
0x16: {  	s26 =	sshrl.u32 s20, $0x3;
	s18 =	sshrl.u32 s13, $0x3;
	[dreg:$0xb] =	wrdreg s12  }
0x17: {  	[dreg:$0xd] =	wrdreg s2;
	s12 =	sadd.s32 s3, s26;
	s3 =	sadd.s32 s3, s9  }
0x18: {  	s22 =	sshrl.u32 s14, $0x3;
	s20 =	sadd.s32 s4, s18;
	[dreg:$0xf] =	wrdreg s3  }
0x19: {  	s25 =	sshrl.u32 s15, $0x3;
	s23 =	sadd.s32 s4, s22;
	[dreg:$0x11] =	wrdreg s20  }
0x1a: {  	s26 =	sadd.s32 s4, s25;
	[dreg:$0x12] =	wrdreg s23  }
0x1b: {  	s16 =	sadd.s32 s5, s18;
	[dreg:$0x13] =	wrdreg s26  }
0x1c: {  	s29 =	simm.s32 $0x7500;
	[dreg:$0x16] =	wrdreg s16  }
0x1d: {  	s31 =	simm.s32 $0x40;
	s3 =	sadd.s32 s5, s17;
	s23 =	rddreg [dreg:$0x5]  }
0x1e: {  	s17 =	sadd.s32 s5, s22;
	s22 =	sadd.s32 s5, s25;
	s25 =	rddreg [dreg:$0x6]  }
0x1f: {  	s28 =	simm.s32 $0x8880;
	s2 =	sadd.s32 $0x4E00, s8;
	[dreg:$0x15] =	wrdreg s3  }
0x20: {  	p0 =	seq.s32 s0, $0x1;
	s20 =	sshrl.u32 s2, $0x3;
	[dreg:$0x17] =	wrdreg s17  }
0x21: {  	p1 =	sne.s32 s0, $0x0;
	s4 =	sadd.s32 s4, s20;
	[dreg:$0x18] =	wrdreg s22  }
0x22: {  	p2 =	seq.s32 s6, $0x1F;
	s26 =	sadd.s32 s5, s20;
	[dreg:$0x14] =	wrdreg s4  }
0x23: {  	s6 =	smul.u32 $0x28, s6;
	s3 =	sadd.s32 s8, s23;
	[dreg:$0x19] =	wrdreg s26  }
0x24: {  	s5 =	sadd.s32 s13, s23;
	_ =	strace $0x80000047;
	[dreg:$0x1a] =	wrdreg s3  }
0x25: {  	s30 =	sadd.s32 s8, s25;
	s8 =	sadd.s32 s14, s23;
	[dreg:$0x1b] =	wrdreg s5  }
0x26: {  	s22 =	sadd.s32 s13, s25;
	s9 =	sadd.s32 s15, s23;
	[dreg:$0x1c] =	wrdreg s8  }
0x27: {  	s0 =	sadd.s32 s14, s25;
	s13 =	sadd.s32 s2, s23;
	[dreg:$0x1d] =	wrdreg s9  }
0x28: {  	s14 =	sadd.s32 s15, s25;
	s15 =	sadd.s32 s21, s6;
	[dreg:$0x1e] =	wrdreg s13  }
0x29: {  	p3 =	sgt.u32 s24, $0x3;
	s17 =	sadd.s32 $0x400, s7;
	[dreg:$0x1f] =	wrdreg s15  }
0x2a: {  	s24 =	simm.s32 $0x5;
	s18 =	sadd.s32 $0x800, s7;
	[smem:$0x7F8] =	sst s17  }
0x2b: {  	s1 =	smax.u32 s1, $0x1;
	s20 =	sadd.s32 $0xC00, s7;
	[smem:$0x7F9] =	sst s18  }
0x2c: {  	s16 =	sadd.s32 s2, s25;
	s25 =	sadd.s32 $0x1000, s7;
	[smem:$0x7FA] =	sst s20  }
.Ltmp0:
0x2d: {  	s2 =	simm.s32 $0xC800;
	[smem:$0x7FB] =	sst s25;
	(pc) =	sbr.rel .LBB2_1-.Ltmp0, $4  }
0x2e: {  	s26 =	sadd.s32 $0x4D8, s21;
	s21 =	simm.s32 $0xE800;
	[smem:$0x7FC] =	sst s1  }
0x2f: {  	[smem:$0x7FD] =	sst s26;
	s5 =	simm.s32 $0x2;
	s15 =	simm.s32 $0x1  }
0x30: {  	s17 =	simm.s32 $0x1380;
	s18 =	simm.s32 $0x4E00;
	s20 =	simm.s32 $0x4  }
0x31: {  	v0 =	vimm.f32 $0.0e+00;
	v1 =	vimm.f32 $1.000000000e+00;
	s25 =	simm.s32 $0x6180;
	s1 =	simm.s32 $0x3;
	s26 =	simm.s32 $0x0  }
.LBB2_34:
0x32: {  	_ =	strace $0x90000049  }
0x33: {  	s3 =	simm.s32 @!p1 $0x9C00;
	s4 =	simm.s32 @!p1 $0x5;
	[bflag:$0x0] =	sbarrier.arrive $0xFFFF  }
0x34: {  	[tilespmem:s3], [sflag:$0x5] =	stream.linear.gather @!p1 [spmem:s30], $0x1380, $0x38;
	[tilespmem:$0x1CB00] =	vst v63  }
0x35: {  	_ =	swait.ge @!p1 [sflag:s4], $0x1380  }
0x36: {  	[sflag:s4] =	ssyncset.done @!p1 $0x0  }
0x37: {  	s6 =	simm.s32 @!p1 $0x0;
	s7 =	rddreg [dreg:$0x10];
	[sflag:s4] =	ssyncadd.s32 @!p1 $0xFFFFEC80  }
0x38: {  	[hbm4b:s7+s6] =	stream.linear.scatter @!p1 [tilespmem:s3], [sflag:$0x2], $0x1380, $0x38;
	[tilespmem:$0x1CB00] =	vst v63  }
0x39: {  	s7 =	simm.s32 @!p1 $0xAF80  }
0x3a: {  	[tilespmem:s7], [sflag:$0x5] =	stream.linear.gather @!p1 [spmem:s22], $0x1380, $0x38;
	[tilespmem:$0x1CB00] =	vst v63  }
0x3b: {  	_ =	swait.ge @!p1 [sflag:s4], $0x1380  }
0x3c: {  	[sflag:s4] =	ssyncset.done @!p1 $0x0  }
0x3d: {  	s8 =	simm.s32 @!p1 $0x2;
	[sflag:s4] =	ssyncadd.s32 @!p1 $0xFFFFEC80  }
0x3e: {  	_ =	swait.ge @!p1 [sflag:s8], $0x1380  }
0x3f: {  	[sflag:s8] =	ssyncset.done @!p1 $0x0  }
0x40: {  	s9 =	rddreg [dreg:$0x11];
	[sflag:s8] =	ssyncadd.s32 @!p1 $0xFFFFEC80  }
0x41: {  	[hbm4b:s9+s6] =	stream.linear.scatter @!p1 [tilespmem:s7], [sflag:$0x2], $0x1380, $0x38;
	[tilespmem:$0x1CB00] =	vst v63  }
0x42: {  	_ = 	snop  }
0x43: {  	[tilespmem:s3], [sflag:$0x5] =	stream.linear.gather @!p1 [spmem:s0], $0x1380, $0x38;
	[tilespmem:$0x1CB00] =	vst v63  }
0x44: {  	_ =	swait.ge @!p1 [sflag:s4], $0x1380  }
0x45: {  	[sflag:s4] =	ssyncset.done @!p1 $0x0  }
0x46: {  	[sflag:s4] =	ssyncadd.s32 @!p1 $0xFFFFEC80  }
0x47: {  	_ =	swait.ge @!p1 [sflag:s8], $0x1380  }
0x48: {  	[sflag:s8] =	ssyncset.done @!p1 $0x0  }
0x49: {  	s9 =	rddreg [dreg:$0x12];
	[sflag:s8] =	ssyncadd.s32 @!p1 $0xFFFFEC80  }
0x4a: {  	[hbm4b:s9+s6] =	stream.linear.scatter @!p1 [tilespmem:s3], [sflag:$0x2], $0x1380, $0x38;
	[tilespmem:$0x1CB00] =	vst v63  }
0x4b: {  	_ = 	snop  }
0x4c: {  	[tilespmem:s7], [sflag:$0x5] =	stream.linear.gather @!p1 [spmem:s14], $0x1380, $0x38;
	[tilespmem:$0x1CB00] =	vst v63  }
0x4d: {  	_ =	swait.ge @!p1 [sflag:s4], $0x1380  }
0x4e: {  	[sflag:s4] =	ssyncset.done @!p1 $0x0  }
0x4f: {  	[sflag:s4] =	ssyncadd.s32 @!p1 $0xFFFFEC80  }
0x50: {  	_ =	swait.ge @!p1 [sflag:s8], $0x1380  }
0x51: {  	[sflag:s8] =	ssyncset.done @!p1 $0x0  }
0x52: {  	s9 =	rddreg [dreg:$0x13];
	[sflag:s8] =	ssyncadd.s32 @!p1 $0xFFFFEC80  }
0x53: {  	[hbm4b:s9+s6] =	stream.linear.scatter @!p1 [tilespmem:s7], [sflag:$0x2], $0x1380, $0x38;
	[tilespmem:$0x1CB00] =	vst v63  }
0x54: {  	_ = 	snop  }
0x55: {  	[tilespmem:s3], [sflag:$0x5] =	stream.linear.gather @!p1 [spmem:s16], $0x1380, $0x38;
	[tilespmem:$0x1CB00] =	vst v63  }
0x56: {  	_ =	swait.ge @!p1 [sflag:s4], $0x1380  }
0x57: {  	[sflag:s4] =	ssyncset.done @!p1 $0x0  }
0x58: {  	[sflag:s4] =	ssyncadd.s32 @!p1 $0xFFFFEC80  }
0x59: {  	_ =	swait.ge @!p1 [sflag:s8], $0x1380  }
0x5a: {  	[sflag:s8] =	ssyncset.done @!p1 $0x0  }
0x5b: {  	s4 =	rddreg [dreg:$0x14];
	[sflag:s8] =	ssyncadd.s32 @!p1 $0xFFFFEC80  }
0x5c: {  	[hbm4b:s4+s6] =	stream.linear.scatter @!p1 [tilespmem:s3], [sflag:$0x2], $0x1380, $0x38;
	[tilespmem:$0x1CB00] =	vst v63  }
0x5d: {  	_ =	swait.ge @!p1 [sflag:s8], $0x1380  }
0x5e: {  	[sflag:s8] =	ssyncset.done @!p1 $0x0  }
0x5f: {  	s3 =	simm.s32 @p0 $0x9C00;
	s4 =	simm.s32 @p0 $0x5;
	[sflag:s8] =	ssyncadd.s32 @!p1 $0xFFFFEC80  }
0x60: {  	[tilespmem:s3], [sflag:$0x5] =	stream.linear.gather @p0 [spmem:s30], $0x1380, $0x38;
	[tilespmem:$0x1CB00] =	vst v63  }
0x61: {  	_ =	swait.ge @p0 [sflag:s4], $0x1380  }
0x62: {  	[sflag:s4] =	ssyncset.done @p0 $0x0  }
0x63: {  	s6 =	simm.s32 @p0 $0x0;
	s7 =	rddreg [dreg:$0x15];
	[sflag:s4] =	ssyncadd.s32 @p0 $0xFFFFEC80  }
0x64: {  	[hbm4b:s7+s6] =	stream.linear.scatter @p0 [tilespmem:s3], [sflag:$0x2], $0x1380, $0x38;
	[tilespmem:$0x1CB00] =	vst v63  }
0x65: {  	s7 =	simm.s32 @p0 $0xAF80  }
0x66: {  	[tilespmem:s7], [sflag:$0x5] =	stream.linear.gather @p0 [spmem:s22], $0x1380, $0x38;
	[tilespmem:$0x1CB00] =	vst v63  }
0x67: {  	_ =	swait.ge @p0 [sflag:s4], $0x1380  }
0x68: {  	[sflag:s4] =	ssyncset.done @p0 $0x0  }
0x69: {  	s8 =	simm.s32 @p0 $0x2;
	[sflag:s4] =	ssyncadd.s32 @p0 $0xFFFFEC80  }
0x6a: {  	_ =	swait.ge @p0 [sflag:s8], $0x1380  }
0x6b: {  	[sflag:s8] =	ssyncset.done @p0 $0x0  }
0x6c: {  	s9 =	rddreg [dreg:$0x16];
	[sflag:s8] =	ssyncadd.s32 @p0 $0xFFFFEC80  }
0x6d: {  	[hbm4b:s9+s6] =	stream.linear.scatter @p0 [tilespmem:s7], [sflag:$0x2], $0x1380, $0x38;
	[tilespmem:$0x1CB00] =	vst v63  }
0x6e: {  	_ = 	snop  }
0x6f: {  	[tilespmem:s3], [sflag:$0x5] =	stream.linear.gather @p0 [spmem:s0], $0x1380, $0x38;
	[tilespmem:$0x1CB00] =	vst v63  }
0x70: {  	_ =	swait.ge @p0 [sflag:s4], $0x1380  }
0x71: {  	[sflag:s4] =	ssyncset.done @p0 $0x0  }
0x72: {  	[sflag:s4] =	ssyncadd.s32 @p0 $0xFFFFEC80  }
0x73: {  	_ =	swait.ge @p0 [sflag:s8], $0x1380  }
0x74: {  	[sflag:s8] =	ssyncset.done @p0 $0x0  }
0x75: {  	s9 =	rddreg [dreg:$0x17];
	[sflag:s8] =	ssyncadd.s32 @p0 $0xFFFFEC80  }
0x76: {  	[hbm4b:s9+s6] =	stream.linear.scatter @p0 [tilespmem:s3], [sflag:$0x2], $0x1380, $0x38;
	[tilespmem:$0x1CB00] =	vst v63  }
0x77: {  	_ = 	snop  }
0x78: {  	[tilespmem:s7], [sflag:$0x5] =	stream.linear.gather @p0 [spmem:s14], $0x1380, $0x38;
	[tilespmem:$0x1CB00] =	vst v63  }
0x79: {  	_ =	swait.ge @p0 [sflag:s4], $0x1380  }
0x7a: {  	[sflag:s4] =	ssyncset.done @p0 $0x0  }
0x7b: {  	[sflag:s4] =	ssyncadd.s32 @p0 $0xFFFFEC80  }
0x7c: {  	_ =	swait.ge @p0 [sflag:s8], $0x1380  }
0x7d: {  	[sflag:s8] =	ssyncset.done @p0 $0x0  }
0x7e: {  	s9 =	rddreg [dreg:$0x18];
	[sflag:s8] =	ssyncadd.s32 @p0 $0xFFFFEC80  }
0x7f: {  	[hbm4b:s9+s6] =	stream.linear.scatter @p0 [tilespmem:s7], [sflag:$0x2], $0x1380, $0x38;
	[tilespmem:$0x1CB00] =	vst v63  }
0x80: {  	_ = 	snop  }
0x81: {  	[tilespmem:s3], [sflag:$0x5] =	stream.linear.gather @p0 [spmem:s16], $0x1380, $0x38;
	[tilespmem:$0x1CB00] =	vst v63  }
0x82: {  	_ =	swait.ge @p0 [sflag:s4], $0x1380  }
0x83: {  	[sflag:s4] =	ssyncset.done @p0 $0x0  }
0x84: {  	[sflag:s4] =	ssyncadd.s32 @p0 $0xFFFFEC80  }
0x85: {  	_ =	swait.ge @p0 [sflag:s8], $0x1380  }
0x86: {  	[sflag:s8] =	ssyncset.done @p0 $0x0  }
0x87: {  	s4 =	rddreg [dreg:$0x19];
	[sflag:s8] =	ssyncadd.s32 @p0 $0xFFFFEC80  }
0x88: {  	[hbm4b:s4+s6] =	stream.linear.scatter @p0 [tilespmem:s3], [sflag:$0x2], $0x1380, $0x38;
	[tilespmem:$0x1CB00] =	vst v63  }
0x89: {  	_ =	swait.ge @p0 [sflag:s8], $0x1380  }
0x8a: {  	s13 =	sld [smem:$0x7FC];
	_ =	sdelay $0x1  }
0x8b: {  	s26 =	sadd.s32 $0x1, s26  }
0x8c: {  	p4 =	sne.s32 s26, s13  }
.Ltmp1:
0x8d: {  	_ = 	snop;
	(pc) =	sbr.rel @!p4 .LBB2_35-.Ltmp1, $3  }
0x8e: {  	_ =	sdelay $0x1  }
0x8f: {  	[sflag:s8] =	ssyncset.done @p0 $0x0  }
0x90: {  	[sflag:s8] =	ssyncadd.s32 @p0 $0xFFFFEC80  }
.LBB2_1:
0x91: {  	s3 =	simm.s32 $0x40;
	s4 =	simm.s32 $0x0  }
.LBB2_2:
0x92: {  	p4 =	sne.s32 s3, $0x4DC0;
	[tilespmem:s4+$0x7500] =	vst v0;
	s4 =	smov.u32 s3;
	s3 =	sadd.s32 $0x40, s3  }
.Ltmp2:
0x93: {  	(pc) =	sbr.rel @p4 .LBB2_2-.Ltmp2, $2  }
0x94: {  	_ =	sdelay $0x2  }
0x95: {  	s4 =	sshra.s32 s4, $0x2  }
0x96: {  	[tilespmem:s4+$0x7500] =	vst v0;
	s3 =	rddreg [dreg:$0x1a]  }
0x97: {  	[spmem:s3] =	stream.linear.scatter [tilespmem:s29], [sflag:$0x2], $0x1380, $0x38;
	[tilespmem:$0x1CB00] =	vst v63  }
0x98: {  	s6 =	rddreg [dreg:$0x1b]  }
0x99: {  	[spmem:s6] =	stream.linear.scatter [tilespmem:s29], [sflag:$0x2], $0x1380, $0x38;
	[tilespmem:$0x1CB00] =	vst v63  }
0x9a: {  	s7 =	rddreg [dreg:$0x1c]  }
0x9b: {  	[spmem:s7] =	stream.linear.scatter [tilespmem:s29], [sflag:$0x2], $0x1380, $0x38;
	[tilespmem:$0x1CB00] =	vst v63  }
0x9c: {  	s8 =	rddreg [dreg:$0x1d]  }
0x9d: {  	[spmem:s8] =	stream.linear.scatter [tilespmem:s29], [sflag:$0x2], $0x1380, $0x38;
	[tilespmem:$0x1CB00] =	vst v63  }
0x9e: {  	s9 =	rddreg [dreg:$0x1e]  }
0x9f: {  	[spmem:s9] =	stream.linear.scatter [tilespmem:s29], [sflag:$0x2], $0x1380, $0x38;
	[tilespmem:$0x1CB00] =	vst v63  }
0xa0: {  	_ = 	snop  }
0xa1: {  	[spmem:s30] =	stream.linear.scatter [tilespmem:s29], [sflag:$0x2], $0x1380, $0x38;
	[tilespmem:$0x1CB00] =	vst v63  }
0xa2: {  	_ = 	snop  }
0xa3: {  	[spmem:s22] =	stream.linear.scatter [tilespmem:s29], [sflag:$0x2], $0x1380, $0x38;
	[tilespmem:$0x1CB00] =	vst v63  }
0xa4: {  	_ = 	snop  }
0xa5: {  	[spmem:s0] =	stream.linear.scatter [tilespmem:s29], [sflag:$0x2], $0x1380, $0x38;
	[tilespmem:$0x1CB00] =	vst v63  }
0xa6: {  	_ = 	snop  }
0xa7: {  	[spmem:s14] =	stream.linear.scatter [tilespmem:s29], [sflag:$0x2], $0x1380, $0x38;
	[tilespmem:$0x1CB00] =	vst v63  }
0xa8: {  	s6 =	sld [smem:$0x7FD]  }
0xa9: {  	[spmem:s16] =	stream.linear.scatter [tilespmem:s29], [sflag:$0x2], $0x1380, $0x38;
	[tilespmem:$0x1CB00] =	vst v63  }
0xaa: {  	s4 =	simm.s32 @p2 $0xC680;
	s3 =	simm.s32 @p2 $0x0  }
0xab: {  	[tilespmem:s4], [sflag:$0x5] =	stream.linear.gather @p2 [hbm4b:s6+s3], $0x50, $0x38;
	[tilespmem:$0x1CB00] =	vst v63  }
0xac: {  	s4 =	simm.s32 @p2 $0x5  }
0xad: {  	_ =	swait.ge @p2 [sflag:s4], $0x50  }
0xae: {  	[sflag:s4] =	ssyncset.done @p2 $0x0  }
0xaf: {  	[sflag:s4] =	ssyncadd.s32 @p2 $0xFFFFFFB0  }
0xb0: {  	s6 =	simm.s32 @p2 $0xC6D0;
	s7 =	rddreg [dreg:$0x2]  }
0xb1: {  	[tilespmem:s6], [sflag:$0x5] =	stream.linear.gather @p2 [hbm4b:s7+s3], $0xF0, $0x38;
	[tilespmem:$0x1CB00] =	vst v63  }
0xb2: {  	_ =	swait.ge @p2 [sflag:s4], $0xF0  }
0xb3: {  	s3 =	simm.s32 @!p2 $0x0;
	[sflag:s4] =	ssyncset.done @p2 $0x0  }
0xb4: {  	s6 =	rddreg [dreg:$0x1f];
	[sflag:s4] =	ssyncadd.s32 @p2 $0xFFFFFF10;
	s4 =	simm.s32 @!p2 $0xC680  }
0xb5: {  	[tilespmem:s4], [sflag:$0x5] =	stream.linear.gather @!p2 [hbm4b:s6+s3], $0x140, $0x38;
	[tilespmem:$0x1CB00] =	vst v63  }
0xb6: {  	s3 =	simm.s32 @!p2 $0x5  }
0xb7: {  	_ =	swait.ge @!p2 [sflag:s3], $0x140  }
0xb8: {  	[sflag:s3] =	ssyncset.done @!p2 $0x0  }
0xb9: {  	s13 =	simm.s32 $0xC680;
	[sflag:s3] =	ssyncadd.s32 @!p2 $0xFFFFFEC0  }
0xba: {  	[tilespmem:s2], [sflag:$0x4] =	stream.indirect.gather [hbm4b:s19+s31], $0x80, s13, s31, $0xb8;
	[tilespmem:$0x1CB00] =	vst v63  }
0xbb: {  	_ =	swait.ge [sflag:s5], $0x1380  }
0xbc: {  	[sflag:s5] =	ssyncset.done $0x0  }
0xbd: {  	[sflag:s5] =	ssyncadd.s32 $0xFFFFEC80  }
0xbe: {  	_ =	swait.ge [sflag:s5], $0x1380  }
0xbf: {  	[sflag:s5] =	ssyncset.done $0x0  }
0xc0: {  	[sflag:s5] =	ssyncadd.s32 $0xFFFFEC80  }
0xc1: {  	_ =	swait.ge [sflag:s5], $0x1380  }
0xc2: {  	[sflag:s5] =	ssyncset.done $0x0  }
0xc3: {  	[sflag:s5] =	ssyncadd.s32 $0xFFFFEC80  }
0xc4: {  	_ =	swait.ge [sflag:s5], $0x1380  }
0xc5: {  	[sflag:s5] =	ssyncset.done $0x0  }
0xc6: {  	[sflag:s5] =	ssyncadd.s32 $0xFFFFEC80  }
0xc7: {  	_ =	swait.ge [sflag:s5], $0x1380  }
0xc8: {  	[sflag:s5] =	ssyncset.done $0x0  }
0xc9: {  	[sflag:s5] =	ssyncadd.s32 $0xFFFFEC80  }
0xca: {  	_ =	swait.ge [sflag:s5], $0x1380  }
0xcb: {  	[sflag:s5] =	ssyncset.done $0x0  }
0xcc: {  	[sflag:s5] =	ssyncadd.s32 $0xFFFFEC80  }
0xcd: {  	_ =	swait.ge [sflag:s5], $0x1380  }
0xce: {  	[sflag:s5] =	ssyncset.done $0x0  }
0xcf: {  	[sflag:s5] =	ssyncadd.s32 $0xFFFFEC80  }
0xd0: {  	_ =	swait.ge [sflag:s5], $0x1380  }
0xd1: {  	[sflag:s5] =	ssyncset.done $0x0  }
0xd2: {  	[sflag:s5] =	ssyncadd.s32 $0xFFFFEC80  }
0xd3: {  	_ =	swait.ge [sflag:s5], $0x1380  }
0xd4: {  	[sflag:s5] =	ssyncset.done $0x0  }
0xd5: {  	[sflag:s5] =	ssyncadd.s32 $0xFFFFEC80  }
0xd6: {  	_ =	swait.ge [sflag:s5], $0x1380  }
0xd7: {  	[sflag:s5] =	ssyncset.done $0x0  }
0xd8: {  	s4 =	simm.s32 $0x0;
	s3 =	simm.s32 $0x40;
	[sflag:s5] =	ssyncadd.s32 $0xFFFFEC80  }
.LBB2_4:
0xd9: {  	p4 =	sne.s32 s3, $0x4DC0;
	[tilespmem:s4+$0x7500] =	vst v1;
	s6 =	smov.u32 s3;
	s3 =	sadd.s32 $0x40, s3  }
.Ltmp3:
0xda: {  	[tilespmem:s4+$0x8880] =	vst v1;
	(pc) =	sbr.rel @p4 .LBB2_4-.Ltmp3, $2  }
0xdb: {  	_ =	sdelay $0x2  }
0xdc: {  	s4 =	sshra.s32 s6, $0x2  }
0xdd: {  	[tilespmem:s4+$0x7500] =	vst v1  }
0xde: {  	[tilespmem:s4+$0x8880] =	vst v1  }
0xdf: {  	[tilespmem:$0xC580] =	vst v1  }
0xe0: {  	[tilespmem:$0xC590] =	vst v1  }
0xe1: {  	[tilespmem:$0xC5A0] =	vst v1  }
0xe2: {  	[tilespmem:$0xC5B0] =	vst v1  }
0xe3: {  	[tilespmem:$0xC5C0] =	vst v1  }
0xe4: {  	[tilespmem:$0xC5D0] =	vst v1  }
0xe5: {  	[tilespmem:$0xC5E0] =	vst v1  }
0xe6: {  	[tilespmem:$0xC5F0] =	vst v1  }
0xe7: {  	[bflag:$0x0] =	sbarrier.arrive $0xFFFF  }
0xe8: {  	_ =	strace $0x80000048  }
0xe9: {  	s3 =	simm.s32 $0x0;
	s8 =	rddreg [dreg:$0x8]  }
0xea: {  	[tilespmem:s3], [sflag:$0x1] =	stream.linear.gather [hbm4b:s8+s3], $0x2700, $0x200038;
	[tilespmem:$0x1CB00] =	vst v63  }
0xeb: {  	s9 =	simm.s32 $0x2700;
	s6 =	rddreg [dreg:$0xe]  }
0xec: {  	[tilespmem:s9], [sflag:$0x1] =	stream.linear.gather [hbm4b:s6+s3], $0x1380, $0x200038;
	[tilespmem:$0x1CB00] =	vst v63  }
0xed: {  	_ =	swait.ge [sflag:s15], $0x2700  }
0xee: {  	[sflag:s15] =	ssyncset.done $0x0  }
0xef: {  	[sflag:s15] =	ssyncadd.s32 $0xFFFFD900  }
0xf0: {  	_ =	swait.ge [sflag:s15], $0x1380  }
0xf1: {  	[sflag:s15] =	ssyncset.done $0x0  }
0xf2: {  	[sflag:s15] =	ssyncadd.s32 $0xFFFFEC80  }
0xf3: {  	s13 =	sand.u32 $0x70, s3;
	s3 =	sand.u32 $0x3F00, s3;
	v2 =	vld [tilespmem:s9+$0x0]  }
0xf4: {  	s3 =	sor.u32 s13, s3  }
0xf5: {  	v3 =	vld [tilespmem:s3+$0x80];
	_ =	sdelay $0x2  }
0xf6: {  	v2 =	vmul.u32 $0x2800, v2;
	_ =	sdelay $0x1  }
0xf7: {  	s3 =	simm.s32 $0x4E00;
	v2 =	vadd.s32 v3, v2  }
0xf8: {  	s7 =	simm.s32 $0x10;
	s4 =	simm.s32 $0x20;
	s6 =	simm.s32 $0x2710;
	[tilespmem:s3+$0x0] =	vst v2  }
0xf9: {  	s8 =	sand.u32 $0x70, s7;
	s7 =	simm.s32 $0x20;
	s13 =	sand.u32 $0x3F00, s4;
	v2 =	vld [tilespmem:s6+$0x0]  }
.LBB2_6:
0xfa: {  	p4 =	sne.s32 s7, $0x1370;
	s8 =	sor.u32 s8, s13  }
0xfb: {  	v3 =	vld [tilespmem:s8+$0x80];
	_ =	sdelay $0x2  }
.Ltmp4:
0xfc: {  	v2 =	vmul.u32 $0x2800, v2;
	(pc) =	sbr.rel @p4 .LBB2_6-.Ltmp4, $4  }
0xfd: {  	_ = 	snop  }
0xfe: {  	s3 =	sadd.s32 $0x10, s3;
	v2 =	vadd.s32 v3, v2  }
0xff: {  	s4 =	sadd.s32 $0x20, s4;
	s6 =	sadd.s32 $0x10, s6;
	[tilespmem:s3+$0x0] =	vst v2  }
0x100: {  	s8 =	sand.u32 $0x70, s7;
	s13 =	sand.u32 $0x3F00, s4;
	s7 =	sadd.s32 $0x10, s7;
	v2 =	vld [tilespmem:s6+$0x0]  }
0x101: {  	s4 =	sor.u32 s8, s13  }
0x102: {  	v3 =	vld [tilespmem:s4+$0x80];
	_ =	sdelay $0x2  }
0x103: {  	v2 =	vmul.u32 $0x2800, v2;
	_ =	sdelay $0x1  }
0x104: {  	s3 =	sadd.s32 $0x10, s3;
	v2 =	vadd.s32 v3, v2  }
0x105: {  	s7 =	rddreg [dreg:$0x9];
	[tilespmem:s3+$0x0] =	vst v2;
	s3 =	simm.s32 $0x0  }
0x106: {  	[tilespmem:s3], [sflag:$0x1] =	stream.linear.gather [hbm4b:s7+s3], $0x2700, $0x200038;
	[tilespmem:$0x1CB00] =	vst v63  }
0x107: {  	s8 =	simm.s32 $0x2700  }
0x108: {  	[tilespmem:s8], [sflag:$0x1] =	stream.linear.gather [hbm4b:s10+s3], $0x1380, $0x200038;
	[tilespmem:$0x1CB00] =	vst v63  }
0x109: {  	_ = 	snop  }
0x10a: {  	[spmem:s23] =	stream.indirect.scatter.add.f32 [tilespmem:s29], [sflag:$0x2], $0x1, s18, s17, $0x2000b8;
	[tilespmem:$0x1CB00] =	vst v63  }
0x10b: {  	_ =	swait.ge [sflag:s20], $0x2000  }
0x10c: {  	[sflag:s20] =	ssyncset.done $0x0  }
0x10d: {  	s6 =	simm.s32 $0xC6C0;
	[sflag:s20] =	ssyncadd.s32 $0xFFFFE000  }
0x10e: {  	[tilespmem:s21], [sflag:$0x4] =	stream.indirect.gather [hbm4b:s19+s31], $0x80, s6, s31, $0x2000b8;
	[tilespmem:$0x1CB00] =	vst v63  }
0x10f: {  	s9 =	rddreg [dreg:$0xa]  }
0x110: {  	[hbm4b:s9+s3] =	stream.linear.scatter [tilespmem:s2], [sflag:$0x5], $0x2000, $0x200038;
	[tilespmem:$0x1CB00] =	vst v63  }
0x111: {  	_ =	swait.ge [sflag:s24], $0x2000  }
0x112: {  	[sflag:s24] =	ssyncset.done $0x0  }
0x113: {  	[sflag:s24] =	ssyncadd.s32 $0xFFFFE000  }
0x114: {  	_ =	swait.ge [sflag:s15], $0x2700  }
0x115: {  	[sflag:s15] =	ssyncset.done $0x0  }
0x116: {  	[sflag:s15] =	ssyncadd.s32 $0xFFFFD900  }
0x117: {  	_ =	swait.ge [sflag:s15], $0x1380  }
0x118: {  	[sflag:s15] =	ssyncset.done $0x0  }
0x119: {  	[sflag:s15] =	ssyncadd.s32 $0xFFFFEC80  }
0x11a: {  	s13 =	sand.u32 $0x70, s3;
	s3 =	sand.u32 $0x3F00, s3;
	v2 =	vld [tilespmem:s8+$0x0]  }
0x11b: {  	s3 =	sor.u32 s13, s3  }
0x11c: {  	v3 =	vld [tilespmem:s3+$0x80];
	_ =	sdelay $0x2  }
0x11d: {  	v2 =	vmul.u32 $0x2800, v2;
	_ =	sdelay $0x1  }
0x11e: {  	s3 =	simm.s32 $0x6180;
	v2 =	vadd.s32 v3, v2  }
0x11f: {  	s4 =	simm.s32 $0x20;
	s7 =	simm.s32 $0x10;
	s6 =	simm.s32 $0x2710;
	[tilespmem:s3+$0x0] =	vst v2  }
0x120: {  	s13 =	sand.u32 $0x3F00, s4;
	s8 =	sand.u32 $0x70, s7;
	s7 =	simm.s32 $0x20;
	v2 =	vld [tilespmem:s6+$0x0]  }
.LBB2_8:
0x121: {  	p4 =	sne.s32 s7, $0x1370;
	s8 =	sor.u32 s8, s13  }
0x122: {  	v3 =	vld [tilespmem:s8+$0x80];
	_ =	sdelay $0x2  }
.Ltmp5:
0x123: {  	v2 =	vmul.u32 $0x2800, v2;
	(pc) =	sbr.rel @p4 .LBB2_8-.Ltmp5, $4  }
0x124: {  	_ = 	snop  }
0x125: {  	s3 =	sadd.s32 $0x10, s3;
	v2 =	vadd.s32 v3, v2  }
0x126: {  	s4 =	sadd.s32 $0x20, s4;
	s6 =	sadd.s32 $0x10, s6;
	[tilespmem:s3+$0x0] =	vst v2  }
0x127: {  	s8 =	sand.u32 $0x70, s7;
	s13 =	sand.u32 $0x3F00, s4;
	s7 =	sadd.s32 $0x10, s7;
	v2 =	vld [tilespmem:s6+$0x0]  }
0x128: {  	s4 =	sor.u32 s8, s13  }
0x129: {  	v3 =	vld [tilespmem:s4+$0x80];
	_ =	sdelay $0x2  }
0x12a: {  	v2 =	vmul.u32 $0x2800, v2;
	_ =	sdelay $0x1  }
0x12b: {  	s3 =	sadd.s32 $0x10, s3;
	v2 =	vadd.s32 v3, v2  }
0x12c: {  	s7 =	rddreg [dreg:$0xb];
	[tilespmem:s3+$0x0] =	vst v2;
	s3 =	simm.s32 $0x0  }
0x12d: {  	[tilespmem:s3], [sflag:$0x1] =	stream.linear.gather [hbm4b:s7+s3], $0x2700, $0x200038;
	[tilespmem:$0x1CB00] =	vst v63  }
0x12e: {  	s8 =	simm.s32 $0x2700  }
0x12f: {  	[tilespmem:s8], [sflag:$0x1] =	stream.linear.gather [hbm4b:s11+s3], $0x1380, $0x200038;
	[tilespmem:$0x1CB00] =	vst v63  }
0x130: {  	_ =	swait.ge [sflag:s5], $0x1380  }
0x131: {  	[sflag:s5] =	ssyncset.done $0x0  }
0x132: {  	[sflag:s5] =	ssyncadd.s32 $0xFFFFEC80  }
0x133: {  	[spmem:s23] =	stream.indirect.scatter.add.f32 [tilespmem:s28], [sflag:$0x2], $0x1, s25, s17, $0x2000b8;
	[tilespmem:$0x1CB00] =	vst v63  }
0x134: {  	_ =	swait.ge [sflag:s20], $0x2000  }
0x135: {  	[sflag:s20] =	ssyncset.done $0x0  }
0x136: {  	s6 =	simm.s32 $0xC700;
	s9 =	sld [smem:$0x7F8];
	[sflag:s20] =	ssyncadd.s32 $0xFFFFE000  }
0x137: {  	[tilespmem:s2], [sflag:$0x4] =	stream.indirect.gather [hbm4b:s19+s31], $0x80, s6, s31, $0x2000b8;
	[tilespmem:$0x1CB00] =	vst v63  }
0x138: {  	_ = 	snop  }
0x139: {  	[hbm4b:s9+s3] =	stream.linear.scatter [tilespmem:s21], [sflag:$0x5], $0x2000, $0x200038;
	[tilespmem:$0x1CB00] =	vst v63  }
0x13a: {  	_ =	swait.ge [sflag:s24], $0x2000  }
0x13b: {  	[sflag:s24] =	ssyncset.done $0x0  }
0x13c: {  	[sflag:s24] =	ssyncadd.s32 $0xFFFFE000  }
0x13d: {  	_ =	swait.ge [sflag:s15], $0x2700  }
0x13e: {  	[sflag:s15] =	ssyncset.done $0x0  }
0x13f: {  	[sflag:s15] =	ssyncadd.s32 $0xFFFFD900  }
0x140: {  	_ =	swait.ge [sflag:s15], $0x1380  }
0x141: {  	[sflag:s15] =	ssyncset.done $0x0  }
0x142: {  	[sflag:s15] =	ssyncadd.s32 $0xFFFFEC80  }
0x143: {  	s13 =	sand.u32 $0x70, s3;
	s3 =	sand.u32 $0x3F00, s3;
	v2 =	vld [tilespmem:s8+$0x0]  }
0x144: {  	s3 =	sor.u32 s13, s3  }
0x145: {  	v3 =	vld [tilespmem:s3+$0x80];
	_ =	sdelay $0x2  }
0x146: {  	v2 =	vmul.u32 $0x2800, v2;
	_ =	sdelay $0x1  }
0x147: {  	s3 =	simm.s32 $0x4E00;
	v2 =	vadd.s32 v3, v2  }
0x148: {  	s4 =	simm.s32 $0x20;
	s7 =	simm.s32 $0x10;
	s6 =	simm.s32 $0x2710;
	[tilespmem:s3+$0x0] =	vst v2  }
0x149: {  	s13 =	sand.u32 $0x3F00, s4;
	s8 =	sand.u32 $0x70, s7;
	s7 =	simm.s32 $0x20;
	v2 =	vld [tilespmem:s6+$0x0]  }
.LBB2_10:
0x14a: {  	p4 =	sne.s32 s7, $0x1370;
	s8 =	sor.u32 s8, s13  }
0x14b: {  	v3 =	vld [tilespmem:s8+$0x80];
	_ =	sdelay $0x2  }
.Ltmp6:
0x14c: {  	v2 =	vmul.u32 $0x2800, v2;
	(pc) =	sbr.rel @p4 .LBB2_10-.Ltmp6, $4  }
0x14d: {  	_ = 	snop  }
0x14e: {  	s3 =	sadd.s32 $0x10, s3;
	v2 =	vadd.s32 v3, v2  }
0x14f: {  	s4 =	sadd.s32 $0x20, s4;
	s6 =	sadd.s32 $0x10, s6;
	[tilespmem:s3+$0x0] =	vst v2  }
0x150: {  	s8 =	sand.u32 $0x70, s7;
	s13 =	sand.u32 $0x3F00, s4;
	s7 =	sadd.s32 $0x10, s7;
	v2 =	vld [tilespmem:s6+$0x0]  }
0x151: {  	s4 =	sor.u32 s8, s13  }
0x152: {  	v3 =	vld [tilespmem:s4+$0x80];
	_ =	sdelay $0x2  }
0x153: {  	v2 =	vmul.u32 $0x2800, v2;
	_ =	sdelay $0x1  }
0x154: {  	s3 =	sadd.s32 $0x10, s3;
	v2 =	vadd.s32 v3, v2  }
0x155: {  	s7 =	rddreg [dreg:$0xc];
	[tilespmem:s3+$0x0] =	vst v2;
	s3 =	simm.s32 $0x0  }
0x156: {  	[tilespmem:s3], [sflag:$0x1] =	stream.linear.gather [hbm4b:s7+s3], $0x2700, $0x200038;
	[tilespmem:$0x1CB00] =	vst v63  }
0x157: {  	s8 =	simm.s32 $0x2700  }
0x158: {  	[tilespmem:s8], [sflag:$0x1] =	stream.linear.gather [hbm4b:s12+s3], $0x1380, $0x200038;
	[tilespmem:$0x1CB00] =	vst v63  }
0x159: {  	_ =	swait.ge [sflag:s5], $0x1380  }
0x15a: {  	[sflag:s5] =	ssyncset.done $0x0  }
0x15b: {  	[sflag:s5] =	ssyncadd.s32 $0xFFFFEC80  }
0x15c: {  	[spmem:s23] =	stream.indirect.scatter.add.f32 [tilespmem:s29], [sflag:$0x2], $0x1, s18, s17, $0x2000b8;
	[tilespmem:$0x1CB00] =	vst v63  }
0x15d: {  	_ =	swait.ge [sflag:s20], $0x2000  }
0x15e: {  	[sflag:s20] =	ssyncset.done $0x0  }
0x15f: {  	s6 =	simm.s32 $0xC740;
	s9 =	sld [smem:$0x7F9];
	[sflag:s20] =	ssyncadd.s32 $0xFFFFE000  }
0x160: {  	[tilespmem:s21], [sflag:$0x4] =	stream.indirect.gather [hbm4b:s19+s31], $0x80, s6, s31, $0x2000b8;
	[tilespmem:$0x1CB00] =	vst v63  }
0x161: {  	_ = 	snop  }
0x162: {  	[hbm4b:s9+s3] =	stream.linear.scatter [tilespmem:s2], [sflag:$0x5], $0x2000, $0x200038;
	[tilespmem:$0x1CB00] =	vst v63  }
0x163: {  	_ =	swait.ge [sflag:s24], $0x2000  }
0x164: {  	[sflag:s24] =	ssyncset.done $0x0  }
0x165: {  	[sflag:s24] =	ssyncadd.s32 $0xFFFFE000  }
0x166: {  	_ =	swait.ge [sflag:s15], $0x2700  }
0x167: {  	[sflag:s15] =	ssyncset.done $0x0  }
0x168: {  	[sflag:s15] =	ssyncadd.s32 $0xFFFFD900  }
0x169: {  	_ =	swait.ge [sflag:s15], $0x1380  }
0x16a: {  	[sflag:s15] =	ssyncset.done $0x0  }
0x16b: {  	[sflag:s15] =	ssyncadd.s32 $0xFFFFEC80  }
0x16c: {  	s13 =	sand.u32 $0x70, s3;
	s3 =	sand.u32 $0x3F00, s3;
	v2 =	vld [tilespmem:s8+$0x0]  }
0x16d: {  	s3 =	sor.u32 s13, s3  }
0x16e: {  	v3 =	vld [tilespmem:s3+$0x80];
	_ =	sdelay $0x2  }
0x16f: {  	v2 =	vmul.u32 $0x2800, v2;
	_ =	sdelay $0x1  }
0x170: {  	s3 =	simm.s32 $0x6180;
	v2 =	vadd.s32 v3, v2  }
0x171: {  	s4 =	simm.s32 $0x20;
	s7 =	simm.s32 $0x10;
	s6 =	simm.s32 $0x2710;
	[tilespmem:s3+$0x0] =	vst v2  }
0x172: {  	s13 =	sand.u32 $0x3F00, s4;
	s8 =	sand.u32 $0x70, s7;
	s7 =	simm.s32 $0x20;
	v2 =	vld [tilespmem:s6+$0x0]  }
.LBB2_12:
0x173: {  	p4 =	sne.s32 s7, $0x1370;
	s8 =	sor.u32 s8, s13  }
0x174: {  	v3 =	vld [tilespmem:s8+$0x80];
	_ =	sdelay $0x2  }
.Ltmp7:
0x175: {  	v2 =	vmul.u32 $0x2800, v2;
	(pc) =	sbr.rel @p4 .LBB2_12-.Ltmp7, $4  }
0x176: {  	_ = 	snop  }
0x177: {  	s3 =	sadd.s32 $0x10, s3;
	v2 =	vadd.s32 v3, v2  }
0x178: {  	s4 =	sadd.s32 $0x20, s4;
	s6 =	sadd.s32 $0x10, s6;
	[tilespmem:s3+$0x0] =	vst v2  }
0x179: {  	s8 =	sand.u32 $0x70, s7;
	s13 =	sand.u32 $0x3F00, s4;
	s7 =	sadd.s32 $0x10, s7;
	v2 =	vld [tilespmem:s6+$0x0]  }
0x17a: {  	s4 =	sor.u32 s8, s13  }
0x17b: {  	v3 =	vld [tilespmem:s4+$0x80];
	_ =	sdelay $0x2  }
0x17c: {  	v2 =	vmul.u32 $0x2800, v2;
	_ =	sdelay $0x1  }
0x17d: {  	s3 =	sadd.s32 $0x10, s3;
	v2 =	vadd.s32 v3, v2  }
0x17e: {  	[tilespmem:s3+$0x0] =	vst v2  }
0x17f: {  	_ =	swait.ge [sflag:s5], $0x1380  }
0x180: {  	[sflag:s5] =	ssyncset.done $0x0  }
0x181: {  	[sflag:s5] =	ssyncadd.s32 $0xFFFFEC80  }
0x182: {  	[spmem:s23] =	stream.indirect.scatter.add.f32 [tilespmem:s28], [sflag:$0x2], $0x1, s25, s17, $0x2000b8;
	[tilespmem:$0x1CB00] =	vst v63  }
0x183: {  	_ =	swait.ge [sflag:s20], $0x2000  }
0x184: {  	[sflag:s20] =	ssyncset.done $0x0  }
0x185: {  	s7 =	simm.s32 $0xC780;
	s9 =	sld [smem:$0x7FA];
	[sflag:s20] =	ssyncadd.s32 $0xFFFFE000  }
0x186: {  	[tilespmem:s2], [sflag:$0x4] =	stream.indirect.gather [hbm4b:s19+s31], $0x80, s7, s31, $0x2000b8;
	[tilespmem:$0x1CB00] =	vst v63  }
0x187: {  	s8 =	simm.s32 $0x0  }
0x188: {  	[hbm4b:s9+s8] =	stream.linear.scatter [tilespmem:s21], [sflag:$0x5], $0x2000, $0x200038;
	[tilespmem:$0x1CB00] =	vst v63  }
0x189: {  	_ =	swait.ge [sflag:s24], $0x2000  }
0x18a: {  	[sflag:s24] =	ssyncset.done $0x0  }
0x18b: {  	[sflag:s24] =	ssyncadd.s32 $0xFFFFE000  }
0x18c: {  	_ =	swait.ge [sflag:s5], $0x1380  }
0x18d: {  	[sflag:s5] =	ssyncset.done $0x0  }
0x18e: {  	[sflag:s5] =	ssyncadd.s32 $0xFFFFEC80  }
0x18f: {  	_ =	swait.ge [sflag:s20], $0x2000  }
0x190: {  	s13 =	sld [smem:$0x7FB]  }
0x191: {  	[sflag:s20] =	ssyncset.done $0x0  }
0x192: {  	[sflag:s20] =	ssyncadd.s32 $0xFFFFE000  }
0x193: {  	[hbm4b:s13+s8] =	stream.linear.scatter [tilespmem:s2], [sflag:$0x5], $0x2000, $0x200038;
	[tilespmem:$0x1CB00] =	vst v63  }
0x194: {  	_ =	swait.ge [sflag:s24], $0x2000  }
0x195: {  	s4 =	simm.s32 @!p3 $0xC300;
	[sflag:s24] =	ssyncset.done $0x0  }
0x196: {  	s3 =	simm.s32 @!p3 $0x0;
	s6 =	rddreg [dreg:$0xd];
	[sflag:s24] =	ssyncadd.s32 $0xFFFFE000  }
0x197: {  	[tilespmem:s4], [sflag:$0x5] =	stream.linear.gather @!p3 [hbm4b:s6+s3], $0x100, $0x200038;
	[tilespmem:$0x1CB00] =	vst v63  }
0x198: {  	s4 =	simm.s32 @!p3 $0x5  }
0x199: {  	_ =	swait.ge @!p3 [sflag:s4], $0x100  }
0x19a: {  	[sflag:s4] =	ssyncset.done @!p3 $0x0  }
0x19b: {  	s6 =	simm.s32 @!p3 $0xC400;
	s7 =	rddreg [dreg:$0xf];
	[sflag:s4] =	ssyncadd.s32 @!p3 $0xFFFFFF00  }
0x19c: {  	[tilespmem:s6], [sflag:$0x5] =	stream.linear.gather @!p3 [hbm4b:s7+s3], $0x80, $0x200038;
	[tilespmem:$0x1CB00] =	vst v63  }
0x19d: {  	_ =	swait.ge @!p3 [sflag:s4], $0x80  }
0x19e: {  	[sflag:s4] =	ssyncset.done @!p3 $0x0  }
0x19f: {  	[sflag:s4] =	ssyncadd.s32 @!p3 $0xFFFFFF80  }
0x1a0: {  	v2 =	vld @!p3 [tilespmem:$0xC400]  }
0x1a1: {  	v3 =	vld @!p3 [tilespmem:$0xC380]  }
0x1a2: {  	v4 =	vld @!p3 [tilespmem:$0xC410]  }
0x1a3: {  	v5 =	vld @!p3 [tilespmem:$0xC390]  }
0x1a4: {  	v6 =	vld @!p3 [tilespmem:$0xC420]  }
0x1a5: {  	v7 =	vld @!p3 [tilespmem:$0xC3A0]  }
0x1a6: {  	v8 =	vld @!p3 [tilespmem:$0xC430]  }
0x1a7: {  	v9 =	vld @!p3 [tilespmem:$0xC3B0]  }
0x1a8: {  	v10 =	vld @!p3 [tilespmem:$0xC440]  }
0x1a9: {  	v11 =	vld @!p3 [tilespmem:$0xC3C0]  }
0x1aa: {  	v12 =	vld @!p3 [tilespmem:$0xC450]  }
0x1ab: {  	v13 =	vld @!p3 [tilespmem:$0xC3D0];
	v2 =	vmul.u32 @!p3 $0x2800, v2  }
0x1ac: {  	v14 =	vld @!p3 [tilespmem:$0xC460];
	v4 =	vmul.u32 @!p3 $0x2800, v4  }
0x1ad: {  	v2 =	vadd.s32 @!p3 v3, v2;
	v3 =	vmul.u32 @!p3 $0x2800, v6;
	v6 =	vld @!p3 [tilespmem:$0xC470]  }
0x1ae: {  	[tilespmem:$0xC480] =	vst @!p3 v2;
	v2 =	vadd.s32 @!p3 v5, v4;
	v4 =	vmul.u32 @!p3 $0x2800, v8;
	v5 =	vld @!p3 [tilespmem:$0xC3E0]  }
0x1af: {  	[tilespmem:$0xC490] =	vst @!p3 v2;
	v2 =	vadd.s32 @!p3 v7, v3;
	v3 =	vmul.u32 @!p3 $0x2800, v10;
	v7 =	vld @!p3 [tilespmem:$0xC3F0]  }
0x1b0: {  	[tilespmem:$0xC4A0] =	vst @!p3 v2;
	v2 =	vadd.s32 @!p3 v9, v4;
	v4 =	vmul.u32 @!p3 $0x2800, v12  }
0x1b1: {  	[tilespmem:$0xC4B0] =	vst @!p3 v2;
	v2 =	vadd.s32 @!p3 v11, v3;
	v3 =	vmul.u32 @!p3 $0x2800, v14  }
0x1b2: {  	[tilespmem:$0xC4C0] =	vst @!p3 v2;
	v2 =	vadd.s32 @!p3 v13, v4;
	v4 =	vmul.u32 @!p3 $0x2800, v6  }
0x1b3: {  	[tilespmem:$0xC4D0] =	vst @!p3 v2;
	v2 =	vadd.s32 @!p3 v5, v3  }
0x1b4: {  	[tilespmem:$0xC4E0] =	vst @!p3 v2;
	v2 =	vadd.s32 @!p3 v7, v4  }
0x1b5: {  	s3 =	simm.s32 @!p3 $0x80;
	s6 =	simm.s32 @!p3 $0xC480;
	s7 =	simm.s32 @!p3 $0xC580;
	[tilespmem:$0xC4F0] =	vst @!p3 v2  }
0x1b6: {  	[spmem:s23] =	stream.indirect.scatter.add.f32 @!p3 [tilespmem:s7], [sflag:$0x5], $0x1, s6, s3, $0x2000b8;
	[tilespmem:$0x1CB00] =	vst v63  }
0x1b7: {  	_ =	swait.ge @!p3 [sflag:s4], $0x80  }
.Ltmp8:
0x1b8: {  	[sflag:s4] =	ssyncset.done @!p3 $0x0;
	(pc) =	sbr.rel @p1 .LBB2_23-.Ltmp8, $4  }
0x1b9: {  	[sflag:s4] =	ssyncadd.s32 @!p3 $0xFFFFFF80  }
0x1ba: {  	_ =	strace $0x90000048  }
0x1bb: {  	[bflag:$0x0] =	sbarrier.arrive $0xFFFF  }
0x1bc: {  	_ =	strace $0x80000049  }
0x1bd: {  	s8 =	simm.s32 $0x0;
	s3 =	rddreg [dreg:$0x8]  }
0x1be: {  	[tilespmem:s8], [sflag:$0x1] =	stream.linear.gather [hbm4b:s3+s8], $0x2700, $0x200038;
	[tilespmem:$0x1CB00] =	vst v63  }
0x1bf: {  	s4 =	rddreg [dreg:$0xe];
	s3 =	simm.s32 $0x2700  }
0x1c0: {  	[tilespmem:s3], [sflag:$0x1] =	stream.linear.gather [hbm4b:s4+s8], $0x1380, $0x200038;
	[tilespmem:$0x1CB00] =	vst v63  }
0x1c1: {  	_ =	swait.ge [sflag:s15], $0x2700  }
0x1c2: {  	[sflag:s15] =	ssyncset.done $0x0  }
0x1c3: {  	[sflag:s15] =	ssyncadd.s32 $0xFFFFD900  }
0x1c4: {  	_ =	swait.ge [sflag:s15], $0x1380  }
0x1c5: {  	[sflag:s15] =	ssyncset.done $0x0  }
0x1c6: {  	[sflag:s15] =	ssyncadd.s32 $0xFFFFEC80  }
0x1c7: {  	s13 =	sand.u32 $0x70, s8;
	s6 =	sand.u32 $0x3F00, s8;
	v2 =	vld [tilespmem:s3+$0x0]  }
0x1c8: {  	s4 =	sor.u32 s13, s6  }
0x1c9: {  	v3 =	vld [tilespmem:s4+$0x80];
	_ =	sdelay $0x2  }
0x1ca: {  	v2 =	vmul.u32 $0x2800, v2;
	_ =	sdelay $0x1  }
0x1cb: {  	s13 =	simm.s32 $0x3A80;
	v3 =	vadd.s32 v3, v2  }
0x1cc: {  	[tilespmem:s13+$0x0] =	vst v3  }
0x1cd: {  	v3 =	vld [tilespmem:s4+$0x0];
	_ =	sdelay $0x4  }
0x1ce: {  	s7 =	simm.s32 $0x4E00;
	s6 =	simm.s32 $0x4E10;
	s4 =	simm.s32 $0x10;
	v2 =	vadd.s32 v2, v3  }
.LBB2_15:
0x1cf: {  	[tilespmem:s7+$0x0] =	vst v2;
	s8 =	sadd.s32 $0x20, s8;
	s3 =	sadd.s32 $0x10, s3;
	s13 =	sadd.s32 $0x10, s13  }
0x1d0: {  	s7 =	sand.u32 $0x70, s4;
	p4 =	sne.s32 s4, $0x1370;
	v2 =	vld [tilespmem:s3+$0x0];
	s9 =	sand.u32 $0x3F00, s8  }
0x1d1: {  	s4 =	sadd.s32 $0x10, s4;
	s9 =	sor.u32 s7, s9;
	s7 =	smov.u32 s6  }
0x1d2: {  	v3 =	vld [tilespmem:s9+$0x80];
	_ =	sdelay $0x2  }
0x1d3: {  	v2 =	vmul.u32 $0x2800, v2;
	_ =	sdelay $0x1  }
0x1d4: {  	v3 =	vadd.s32 v3, v2  }
0x1d5: {  	[tilespmem:s13+$0x0] =	vst v3  }
0x1d6: {  	v3 =	vld [tilespmem:s9+$0x0]  }
.Ltmp9:
0x1d7: {  	(pc) =	sbr.rel @p4 .LBB2_15-.Ltmp9, $2  }
0x1d8: {  	_ =	sdelay $0x2  }
0x1d9: {  	s6 =	sadd.s32 $0x10, s6;
	v2 =	vadd.s32 v2, v3  }
0x1da: {  	[tilespmem:s7+$0x0] =	vst v2;
	s8 =	simm.s32 $0x3A80;
	s3 =	simm.s32 $0x9C00  }
0x1db: {  	[tilespmem:s3], [sflag:$0x3] =	stream.indirect.gather [spmem:s23], $0x1, s8, s17, $0x2000b8;
	[tilespmem:$0x1CB00] =	vst v63  }
0x1dc: {  	s13 =	simm.s32 $0x0;
	s9 =	rddreg [dreg:$0x9]  }
0x1dd: {  	[tilespmem:s13], [sflag:$0x1] =	stream.linear.gather [hbm4b:s9+s13], $0x2700, $0x200038;
	[tilespmem:$0x1CB00] =	vst v63  }
0x1de: {  	s3 =	simm.s32 $0x2700  }
0x1df: {  	[tilespmem:s3], [sflag:$0x1] =	stream.linear.gather [hbm4b:s10+s13], $0x1380, $0x200038;
	[tilespmem:$0x1CB00] =	vst v63  }
0x1e0: {  	_ =	swait.ge [sflag:s15], $0x2700  }
0x1e1: {  	[sflag:s15] =	ssyncset.done $0x0  }
0x1e2: {  	[sflag:s15] =	ssyncadd.s32 $0xFFFFD900  }
0x1e3: {  	_ =	swait.ge [sflag:s15], $0x1380  }
0x1e4: {  	[sflag:s15] =	ssyncset.done $0x0  }
0x1e5: {  	[sflag:s15] =	ssyncadd.s32 $0xFFFFEC80  }
0x1e6: {  	_ =	swait.ge [sflag:s1], $0x1380  }
0x1e7: {  	[sflag:s1] =	ssyncset.done $0x0  }
0x1e8: {  	[sflag:s1] =	ssyncadd.s32 $0xFFFFEC80  }
0x1e9: {  	s4 =	sand.u32 $0x70, s13;
	s6 =	sand.u32 $0x3F00, s13;
	v2 =	vld [tilespmem:s3+$0x0]  }
0x1ea: {  	s4 =	sor.u32 s4, s6  }
0x1eb: {  	v3 =	vld [tilespmem:s4+$0x80];
	_ =	sdelay $0x2  }
0x1ec: {  	v2 =	vmul.u32 $0x2800, v2;
	_ =	sdelay $0x1  }
0x1ed: {  	v3 =	vadd.s32 v3, v2  }
0x1ee: {  	[tilespmem:s8+$0x0] =	vst v3  }
0x1ef: {  	v3 =	vld [tilespmem:s4+$0x0];
	_ =	sdelay $0x4  }
0x1f0: {  	s7 =	simm.s32 $0x6180;
	s6 =	simm.s32 $0x6190;
	s4 =	simm.s32 $0x10;
	v2 =	vadd.s32 v2, v3  }
.LBB2_17:
0x1f1: {  	[tilespmem:s7+$0x0] =	vst v2;
	s13 =	sadd.s32 $0x20, s13;
	s3 =	sadd.s32 $0x10, s3;
	s8 =	sadd.s32 $0x10, s8  }
0x1f2: {  	s7 =	sand.u32 $0x70, s4;
	p4 =	sne.s32 s4, $0x1370;
	v2 =	vld [tilespmem:s3+$0x0];
	s9 =	sand.u32 $0x3F00, s13  }
0x1f3: {  	s4 =	sadd.s32 $0x10, s4;
	s9 =	sor.u32 s7, s9;
	s7 =	smov.u32 s6  }
0x1f4: {  	v3 =	vld [tilespmem:s9+$0x80];
	_ =	sdelay $0x2  }
0x1f5: {  	v2 =	vmul.u32 $0x2800, v2;
	_ =	sdelay $0x1  }
0x1f6: {  	v3 =	vadd.s32 v3, v2  }
0x1f7: {  	[tilespmem:s8+$0x0] =	vst v3  }
0x1f8: {  	v3 =	vld [tilespmem:s9+$0x0]  }
.Ltmp10:
0x1f9: {  	(pc) =	sbr.rel @p4 .LBB2_17-.Ltmp10, $2  }
0x1fa: {  	_ =	sdelay $0x2  }
0x1fb: {  	s6 =	sadd.s32 $0x10, s6;
	v2 =	vadd.s32 v2, v3  }
0x1fc: {  	[tilespmem:s7+$0x0] =	vst v2;
	s3 =	simm.s32 $0x3A80;
	s4 =	simm.s32 $0xAF80  }
0x1fd: {  	[tilespmem:s4], [sflag:$0x3] =	stream.indirect.gather [spmem:s23], $0x1, s3, s17, $0x2000b8;
	[tilespmem:$0x1CB00] =	vst v63  }
0x1fe: {  	s3 =	simm.s32 $0x0  }
0x1ff: {  	v2 =	vld [tilespmem:s3+$0x9C00];
	_ =	sdelay $0x4  }
0x200: {  	s4 =	simm.s32 $0x10;
	(erf) = vrcp.f32 v2  }
0x201: {  	v2 =	vld [tilespmem:s4+$0x9C00];
	_ =	sdelay $0x2  }
0x202: {  	s6 =	simm.s32 $0x80  }
.LBB2_19:
0x203: {  	p4 =	sne.s32 s6, $0x4DC0  }
.Ltmp11:
0x204: {  	s7 =	sshra.s32 s6, $0x2;
	s6 =	sadd.s32 $0x40, s6;
	(erf) = vrcp.f32 v2;
	(pc) =	sbr.rel @p4 .LBB2_19-.Ltmp11, $3  }
0x205: {  	v2 =	vld [tilespmem:s7+$0x9C00];
	_ =	sdelay $0x1  }
0x206: {  	v3 =	vpop (erf)  }
0x207: {  	[tilespmem:s3+$0x7500] =	vst v3;
	s3 =	smov.u32 s4;
	s4 =	smov.u32 s7  }
0x208: {  	_ = 	snop  }
0x209: {  	(erf) = vrcp.f32 v2;
	_ =	sdelay $0x7  }
0x20a: {  	v2 =	vpop (erf)  }
0x20b: {  	[tilespmem:s3+$0x7500] =	vst v2;
	v2 =	vpop (erf)  }
0x20c: {  	s13 =	rddreg [dreg:$0x6];
	[tilespmem:s4+$0x7500] =	vst v2  }
0x20d: {  	[spmem:s13] =	stream.indirect.scatter.add.f32 [tilespmem:s29], [sflag:$0x2], $0x1, s18, s17, $0x2000b8;
	[tilespmem:$0x1CB00] =	vst v63  }
0x20e: {  	_ =	swait.ge [sflag:s1], $0x1380  }
0x20f: {  	[sflag:s1] =	ssyncset.done $0x0  }
0x210: {  	s3 =	simm.s32 $0x0;
	[sflag:s1] =	ssyncadd.s32 $0xFFFFEC80  }
0x211: {  	v2 =	vld [tilespmem:s3+$0xAF80];
	_ =	sdelay $0x4  }
0x212: {  	s4 =	simm.s32 $0x10;
	(erf) = vrcp.f32 v2  }
0x213: {  	v2 =	vld [tilespmem:s4+$0xAF80];
	_ =	sdelay $0x2  }
0x214: {  	s6 =	simm.s32 $0x80  }
.LBB2_21:
0x215: {  	p4 =	sne.s32 s6, $0x4DC0  }
.Ltmp12:
0x216: {  	s7 =	sshra.s32 s6, $0x2;
	s6 =	sadd.s32 $0x40, s6;
	(erf) = vrcp.f32 v2;
	(pc) =	sbr.rel @p4 .LBB2_21-.Ltmp12, $3  }
0x217: {  	v2 =	vld [tilespmem:s7+$0xAF80];
	_ =	sdelay $0x1  }
0x218: {  	v3 =	vpop (erf)  }
0x219: {  	[tilespmem:s3+$0x8880] =	vst v3;
	s3 =	smov.u32 s4;
	s4 =	smov.u32 s7  }
0x21a: {  	_ = 	snop  }
0x21b: {  	(erf) = vrcp.f32 v2;
	_ =	sdelay $0x7  }
0x21c: {  	v2 =	vpop (erf)  }
0x21d: {  	[tilespmem:s3+$0x8880] =	vst v2;
	v2 =	vpop (erf)  }
0x21e: {  	[tilespmem:s4+$0x8880] =	vst v2  }
0x21f: {  	_ =	swait.ge [sflag:s5], $0x1380  }
0x220: {  	[sflag:s5] =	ssyncset.done $0x0  }
0x221: {  	[sflag:s5] =	ssyncadd.s32 $0xFFFFEC80  }
0x222: {  	s13 =	rddreg [dreg:$0x6]  }
0x223: {  	[spmem:s13] =	stream.indirect.scatter.add.f32 [tilespmem:s28], [sflag:$0x2], $0x1, s25, s17, $0x2000b8;
	[tilespmem:$0x1CB00] =	vst v63  }
0x224: {  	_ =	swait.ge [sflag:s5], $0x1380  }
0x225: {  	[sflag:s5] =	ssyncset.done $0x0  }
0x226: {  	[sflag:s5] =	ssyncadd.s32 $0xFFFFEC80  }
.LBB2_23:
.Ltmp13:
0x227: {  	(pc) =	sbr.rel @!p0 .LBB2_34-.Ltmp13, $1  }
0x228: {  	_ =	sdelay $0x3  }
0x229: {  	s3 =	simm.s32 $0x0;
	s4 =	rddreg [dreg:$0xb]  }
0x22a: {  	[tilespmem:s3], [sflag:$0x1] =	stream.linear.gather [hbm4b:s4+s3], $0x2700, $0x200038;
	[tilespmem:$0x1CB00] =	vst v63  }
0x22b: {  	s8 =	simm.s32 $0x2700  }
0x22c: {  	[tilespmem:s8], [sflag:$0x1] =	stream.linear.gather [hbm4b:s11+s3], $0x1380, $0x200038;
	[tilespmem:$0x1CB00] =	vst v63  }
0x22d: {  	_ =	swait.ge [sflag:s15], $0x2700  }
0x22e: {  	[sflag:s15] =	ssyncset.done $0x0  }
0x22f: {  	[sflag:s15] =	ssyncadd.s32 $0xFFFFD900  }
0x230: {  	_ =	swait.ge [sflag:s15], $0x1380  }
0x231: {  	[sflag:s15] =	ssyncset.done $0x0  }
0x232: {  	[sflag:s15] =	ssyncadd.s32 $0xFFFFEC80  }
0x233: {  	s13 =	sand.u32 $0x70, s3;
	s6 =	sand.u32 $0x3F00, s3;
	v2 =	vld [tilespmem:s8+$0x0]  }
0x234: {  	s4 =	sor.u32 s13, s6  }
0x235: {  	v3 =	vld [tilespmem:s4+$0x80];
	_ =	sdelay $0x2  }
0x236: {  	v2 =	vmul.u32 $0x2800, v2;
	_ =	sdelay $0x1  }
0x237: {  	s13 =	simm.s32 $0x3A80;
	v3 =	vadd.s32 v3, v2  }
0x238: {  	[tilespmem:s13+$0x0] =	vst v3  }
0x239: {  	v3 =	vld [tilespmem:s4+$0x0];
	_ =	sdelay $0x4  }
0x23a: {  	s7 =	simm.s32 $0x4E00;
	s6 =	simm.s32 $0x4E10;
	s4 =	simm.s32 $0x10;
	v2 =	vadd.s32 v2, v3  }
.LBB2_25:
0x23b: {  	[tilespmem:s7+$0x0] =	vst v2;
	s3 =	sadd.s32 $0x20, s3;
	s8 =	sadd.s32 $0x10, s8;
	s13 =	sadd.s32 $0x10, s13  }
0x23c: {  	s7 =	sand.u32 $0x70, s4;
	p4 =	sne.s32 s4, $0x1370;
	v2 =	vld [tilespmem:s8+$0x0];
	s9 =	sand.u32 $0x3F00, s3  }
0x23d: {  	s4 =	sadd.s32 $0x10, s4;
	s9 =	sor.u32 s7, s9;
	s7 =	smov.u32 s6  }
0x23e: {  	v3 =	vld [tilespmem:s9+$0x80];
	_ =	sdelay $0x2  }
0x23f: {  	v2 =	vmul.u32 $0x2800, v2;
	_ =	sdelay $0x1  }
0x240: {  	v3 =	vadd.s32 v3, v2  }
0x241: {  	[tilespmem:s13+$0x0] =	vst v3  }
0x242: {  	v3 =	vld [tilespmem:s9+$0x0]  }
.Ltmp14:
0x243: {  	(pc) =	sbr.rel @p4 .LBB2_25-.Ltmp14, $2  }
0x244: {  	_ =	sdelay $0x2  }
0x245: {  	s6 =	sadd.s32 $0x10, s6;
	v2 =	vadd.s32 v2, v3  }
0x246: {  	[tilespmem:s7+$0x0] =	vst v2;
	s8 =	simm.s32 $0x3A80;
	s3 =	simm.s32 $0x9C00  }
0x247: {  	[tilespmem:s3], [sflag:$0x3] =	stream.indirect.gather [spmem:s23], $0x1, s8, s17, $0x2000b8;
	[tilespmem:$0x1CB00] =	vst v63  }
0x248: {  	s13 =	simm.s32 $0x0;
	s9 =	rddreg [dreg:$0xc]  }
0x249: {  	[tilespmem:s13], [sflag:$0x1] =	stream.linear.gather [hbm4b:s9+s13], $0x2700, $0x200038;
	[tilespmem:$0x1CB00] =	vst v63  }
0x24a: {  	s3 =	simm.s32 $0x2700  }
0x24b: {  	[tilespmem:s3], [sflag:$0x1] =	stream.linear.gather [hbm4b:s12+s13], $0x1380, $0x200038;
	[tilespmem:$0x1CB00] =	vst v63  }
0x24c: {  	_ =	swait.ge [sflag:s15], $0x2700  }
0x24d: {  	[sflag:s15] =	ssyncset.done $0x0  }
0x24e: {  	[sflag:s15] =	ssyncadd.s32 $0xFFFFD900  }
0x24f: {  	_ =	swait.ge [sflag:s15], $0x1380  }
0x250: {  	[sflag:s15] =	ssyncset.done $0x0  }
0x251: {  	[sflag:s15] =	ssyncadd.s32 $0xFFFFEC80  }
0x252: {  	_ =	swait.ge [sflag:s1], $0x1380  }
0x253: {  	[sflag:s1] =	ssyncset.done $0x0  }
0x254: {  	[sflag:s1] =	ssyncadd.s32 $0xFFFFEC80  }
0x255: {  	s4 =	sand.u32 $0x70, s13;
	s6 =	sand.u32 $0x3F00, s13;
	v2 =	vld [tilespmem:s3+$0x0]  }
0x256: {  	s4 =	sor.u32 s4, s6  }
0x257: {  	v3 =	vld [tilespmem:s4+$0x80];
	_ =	sdelay $0x2  }
0x258: {  	v2 =	vmul.u32 $0x2800, v2;
	_ =	sdelay $0x1  }
0x259: {  	v3 =	vadd.s32 v3, v2  }
0x25a: {  	[tilespmem:s8+$0x0] =	vst v3  }
0x25b: {  	v3 =	vld [tilespmem:s4+$0x0];
	_ =	sdelay $0x4  }
0x25c: {  	s7 =	simm.s32 $0x6180;
	s6 =	simm.s32 $0x6190;
	s4 =	simm.s32 $0x10;
	v2 =	vadd.s32 v2, v3  }
.LBB2_27:
0x25d: {  	[tilespmem:s7+$0x0] =	vst v2;
	s13 =	sadd.s32 $0x20, s13;
	s3 =	sadd.s32 $0x10, s3;
	s8 =	sadd.s32 $0x10, s8  }
0x25e: {  	s7 =	sand.u32 $0x70, s4;
	p4 =	sne.s32 s4, $0x1370;
	v2 =	vld [tilespmem:s3+$0x0];
	s9 =	sand.u32 $0x3F00, s13  }
0x25f: {  	s4 =	sadd.s32 $0x10, s4;
	s9 =	sor.u32 s7, s9;
	s7 =	smov.u32 s6  }
0x260: {  	v3 =	vld [tilespmem:s9+$0x80];
	_ =	sdelay $0x2  }
0x261: {  	v2 =	vmul.u32 $0x2800, v2;
	_ =	sdelay $0x1  }
0x262: {  	v3 =	vadd.s32 v3, v2  }
0x263: {  	[tilespmem:s8+$0x0] =	vst v3  }
0x264: {  	v3 =	vld [tilespmem:s9+$0x0]  }
.Ltmp15:
0x265: {  	(pc) =	sbr.rel @p4 .LBB2_27-.Ltmp15, $2  }
0x266: {  	_ =	sdelay $0x2  }
0x267: {  	s6 =	sadd.s32 $0x10, s6;
	v2 =	vadd.s32 v2, v3  }
0x268: {  	[tilespmem:s7+$0x0] =	vst v2;
	s3 =	simm.s32 $0x3A80;
	s4 =	simm.s32 $0xAF80  }
0x269: {  	[tilespmem:s4], [sflag:$0x3] =	stream.indirect.gather [spmem:s23], $0x1, s3, s17, $0x2000b8;
	[tilespmem:$0x1CB00] =	vst v63  }
0x26a: {  	s3 =	simm.s32 $0x0  }
0x26b: {  	v2 =	vld [tilespmem:s3+$0x9C00];
	_ =	sdelay $0x4  }
0x26c: {  	s4 =	simm.s32 $0x10;
	(erf) = vrcp.f32 v2  }
0x26d: {  	v2 =	vld [tilespmem:s4+$0x9C00];
	_ =	sdelay $0x2  }
0x26e: {  	s6 =	simm.s32 $0x80  }
.LBB2_29:
0x26f: {  	p4 =	sne.s32 s6, $0x4DC0  }
.Ltmp16:
0x270: {  	s7 =	sshra.s32 s6, $0x2;
	s6 =	sadd.s32 $0x40, s6;
	(erf) = vrcp.f32 v2;
	(pc) =	sbr.rel @p4 .LBB2_29-.Ltmp16, $3  }
0x271: {  	v2 =	vld [tilespmem:s7+$0x9C00];
	_ =	sdelay $0x1  }
0x272: {  	v3 =	vpop (erf)  }
0x273: {  	[tilespmem:s3+$0x7500] =	vst v3;
	s3 =	smov.u32 s4;
	s4 =	smov.u32 s7  }
0x274: {  	_ = 	snop  }
0x275: {  	(erf) = vrcp.f32 v2;
	_ =	sdelay $0x7  }
0x276: {  	v2 =	vpop (erf)  }
0x277: {  	[tilespmem:s3+$0x7500] =	vst v2;
	v2 =	vpop (erf)  }
0x278: {  	s13 =	rddreg [dreg:$0x6];
	[tilespmem:s4+$0x7500] =	vst v2  }
0x279: {  	[spmem:s13] =	stream.indirect.scatter.add.f32 [tilespmem:s29], [sflag:$0x2], $0x1, s18, s17, $0x2000b8;
	[tilespmem:$0x1CB00] =	vst v63  }
0x27a: {  	_ =	swait.ge [sflag:s1], $0x1380  }
0x27b: {  	[sflag:s1] =	ssyncset.done $0x0  }
0x27c: {  	s3 =	simm.s32 $0x0;
	[sflag:s1] =	ssyncadd.s32 $0xFFFFEC80  }
0x27d: {  	v2 =	vld [tilespmem:s3+$0xAF80];
	_ =	sdelay $0x4  }
0x27e: {  	s4 =	simm.s32 $0x10;
	(erf) = vrcp.f32 v2  }
0x27f: {  	v2 =	vld [tilespmem:s4+$0xAF80];
	_ =	sdelay $0x2  }
0x280: {  	s6 =	simm.s32 $0x80  }
.LBB2_31:
0x281: {  	p4 =	sne.s32 s6, $0x4DC0  }
.Ltmp17:
0x282: {  	s7 =	sshra.s32 s6, $0x2;
	s6 =	sadd.s32 $0x40, s6;
	(erf) = vrcp.f32 v2;
	(pc) =	sbr.rel @p4 .LBB2_31-.Ltmp17, $3  }
0x283: {  	v2 =	vld [tilespmem:s7+$0xAF80];
	_ =	sdelay $0x1  }
0x284: {  	v3 =	vpop (erf)  }
0x285: {  	[tilespmem:s3+$0x8880] =	vst v3;
	s3 =	smov.u32 s4;
	s4 =	smov.u32 s7  }
0x286: {  	_ = 	snop  }
0x287: {  	(erf) = vrcp.f32 v2;
	_ =	sdelay $0x7  }
0x288: {  	v2 =	vpop (erf)  }
0x289: {  	[tilespmem:s3+$0x8880] =	vst v2;
	v2 =	vpop (erf)  }
0x28a: {  	[tilespmem:s4+$0x8880] =	vst v2  }
0x28b: {  	_ =	swait.ge [sflag:s5], $0x1380  }
0x28c: {  	[sflag:s5] =	ssyncset.done $0x0  }
0x28d: {  	[sflag:s5] =	ssyncadd.s32 $0xFFFFEC80  }
.Ltmp18:
0x28e: {  	s13 =	rddreg [dreg:$0x6];
	(pc) =	sbr.rel @p3 .LBB2_34-.Ltmp18, $4  }
0x28f: {  	[spmem:s13] =	stream.indirect.scatter.add.f32 [tilespmem:s28], [sflag:$0x2], $0x1, s25, s17, $0x2000b8;
	[tilespmem:$0x1CB00] =	vst v63  }
0x290: {  	_ =	swait.ge [sflag:s5], $0x1380  }
0x291: {  	[sflag:s5] =	ssyncset.done $0x0  }
0x292: {  	[sflag:s5] =	ssyncadd.s32 $0xFFFFEC80  }
0x293: {  	s3 =	simm.s32 $0x0;
	s4 =	rddreg [dreg:$0xd];
	s6 =	simm.s32 $0xC300  }
0x294: {  	[tilespmem:s6], [sflag:$0x5] =	stream.linear.gather [hbm4b:s4+s3], $0x100, $0x200038;
	[tilespmem:$0x1CB00] =	vst v63  }
0x295: {  	_ =	swait.ge [sflag:s24], $0x100  }
0x296: {  	[sflag:s24] =	ssyncset.done $0x0  }
0x297: {  	s13 =	simm.s32 $0xC400;
	s9 =	rddreg [dreg:$0xf];
	[sflag:s24] =	ssyncadd.s32 $0xFFFFFF00  }
0x298: {  	[tilespmem:s13], [sflag:$0x5] =	stream.linear.gather [hbm4b:s9+s3], $0x80, $0x200038;
	[tilespmem:$0x1CB00] =	vst v63  }
0x299: {  	_ =	swait.ge [sflag:s24], $0x80  }
0x29a: {  	[sflag:s24] =	ssyncset.done $0x0  }
0x29b: {  	[sflag:s24] =	ssyncadd.s32 $0xFFFFFF80  }
0x29c: {  	v2 =	vld [tilespmem:$0xC400]  }
0x29d: {  	v3 =	vld [tilespmem:$0xC380]  }
0x29e: {  	v4 =	vld [tilespmem:$0xC300]  }
0x29f: {  	v5 =	vld [tilespmem:$0xC410]  }
0x2a0: {  	v6 =	vld [tilespmem:$0xC390]  }
0x2a1: {  	v7 =	vld [tilespmem:$0xC310]  }
0x2a2: {  	v8 =	vld [tilespmem:$0xC420]  }
0x2a3: {  	v9 =	vld [tilespmem:$0xC3A0]  }
0x2a4: {  	v10 =	vld [tilespmem:$0xC320]  }
0x2a5: {  	v11 =	vld [tilespmem:$0xC430]  }
0x2a6: {  	v12 =	vld [tilespmem:$0xC3B0]  }
0x2a7: {  	v13 =	vld [tilespmem:$0xC330];
	v2 =	vmul.u32 $0x2800, v2  }
0x2a8: {  	v14 =	vld [tilespmem:$0xC440]  }
0x2a9: {  	v15 =	vld [tilespmem:$0xC3C0];
	v5 =	vmul.u32 $0x2800, v5;
	v3 =	vadd.s32 v3, v2  }
0x2aa: {  	v49 =	vld [tilespmem:$0xC450];
	v2 =	vadd.s32 v2, v4;
	[tilespmem:$0xC500] =	vst v3  }
0x2ab: {  	v50 =	vld [tilespmem:$0xC3D0];
	v48 =	vmul.u32 $0x2800, v8;
	[tilespmem:$0xC480] =	vst v2;
	v2 =	vadd.s32 v6, v5  }
0x2ac: {  	v52 =	vld [tilespmem:$0xC350];
	[tilespmem:$0xC510] =	vst v2;
	v2 =	vadd.s32 v5, v7  }
0x2ad: {  	v51 =	vmul.u32 $0x2800, v11;
	v3 =	vld [tilespmem:$0xC340];
	[tilespmem:$0xC490] =	vst v2;
	v2 =	vadd.s32 v9, v48  }
0x2ae: {  	v53 =	vld [tilespmem:$0xC460];
	[tilespmem:$0xC520] =	vst v2;
	v2 =	vadd.s32 v48, v10  }
0x2af: {  	v55 =	vld [tilespmem:$0xC3E0];
	v54 =	vmul.u32 $0x2800, v14;
	[tilespmem:$0xC4A0] =	vst v2;
	v2 =	vadd.s32 v12, v51  }
0x2b0: {  	v56 =	vld [tilespmem:$0xC470];
	[tilespmem:$0xC530] =	vst v2;
	v2 =	vadd.s32 v51, v13  }
0x2b1: {  	v57 =	vld [tilespmem:$0xC360];
	v6 =	vmul.u32 $0x2800, v49;
	[tilespmem:$0xC4B0] =	vst v2;
	v2 =	vadd.s32 v15, v54  }
0x2b2: {  	[tilespmem:$0xC540] =	vst v2;
	v2 =	vadd.s32 v54, v3;
	v3 =	vld [tilespmem:$0xC3F0]  }
0x2b3: {  	v58 =	vld [tilespmem:$0xC370];
	v4 =	vmul.u32 $0x2800, v53;
	[tilespmem:$0xC4C0] =	vst v2;
	v2 =	vadd.s32 v50, v6  }
0x2b4: {  	[tilespmem:$0xC550] =	vst v2;
	v2 =	vadd.s32 v6, v52  }
0x2b5: {  	v59 =	vmul.u32 $0x2800, v56;
	[tilespmem:$0xC4D0] =	vst v2;
	v2 =	vadd.s32 v55, v4  }
0x2b6: {  	[tilespmem:$0xC560] =	vst v2;
	v2 =	vadd.s32 v4, v57  }
0x2b7: {  	[tilespmem:$0xC4E0] =	vst v2;
	v2 =	vadd.s32 v3, v59  }
0x2b8: {  	[tilespmem:$0xC570] =	vst v2;
	v2 =	vadd.s32 v59, v58  }
0x2b9: {  	s7 =	simm.s32 $0xC500;
	s8 =	simm.s32 $0xC600;
	s4 =	simm.s32 $0x80;
	[tilespmem:$0xC4F0] =	vst v2  }
0x2ba: {  	[tilespmem:s8], [sflag:$0x3] =	stream.indirect.gather [spmem:s23], $0x1, s7, s4, $0x2000b8;
	[tilespmem:$0x1CB00] =	vst v63  }
0x2bb: {  	_ =	swait.ge [sflag:s1], $0x80  }
0x2bc: {  	[sflag:s1] =	ssyncset.done $0x0  }
0x2bd: {  	[sflag:s1] =	ssyncadd.s32 $0xFFFFFF80  }
0x2be: {  	v2 =	vld [tilespmem:$0xC600]  }
0x2bf: {  	v3 =	vld [tilespmem:$0xC610]  }
0x2c0: {  	v60 =	vld [tilespmem:$0xC620]  }
0x2c1: {  	v61 =	vld [tilespmem:$0xC630]  }
0x2c2: {  	v62 =	vld [tilespmem:$0xC640]  }
0x2c3: {  	(erf) = vrcp.f32 v2;
	v2 =	vld [tilespmem:$0xC650]  }
0x2c4: {  	(erf) = vrcp.f32 v3;
	v3 =	vld [tilespmem:$0xC660]  }
0x2c5: {  	v63 =	vld [tilespmem:$0xC670];
	(erf) = vrcp.f32 v60  }
0x2c6: {  	(erf) = vrcp.f32 v61  }
0x2c7: {  	(erf) = vrcp.f32 v62  }
0x2c8: {  	(erf) = vrcp.f32 v2  }
0x2c9: {  	(erf) = vrcp.f32 v3  }
0x2ca: {  	(erf) = vrcp.f32 v63;
	_ =	sdelay $0x1  }
0x2cb: {  	v2 =	vpop (erf)  }
0x2cc: {  	v3 =	vpop (erf);
	[tilespmem:$0xC580] =	vst v2  }
0x2cd: {  	v2 =	vpop (erf);
	[tilespmem:$0xC590] =	vst v3  }
0x2ce: {  	v3 =	vpop (erf);
	[tilespmem:$0xC5A0] =	vst v2  }
0x2cf: {  	v2 =	vpop (erf);
	[tilespmem:$0xC5B0] =	vst v3  }
0x2d0: {  	v3 =	vpop (erf);
	[tilespmem:$0xC5C0] =	vst v2  }
0x2d1: {  	v2 =	vpop (erf);
	[tilespmem:$0xC5D0] =	vst v3  }
0x2d2: {  	s13 =	simm.s32 $0xC480;
	[tilespmem:$0xC5E0] =	vst v2;
	v2 =	vpop (erf)  }
.Ltmp19:
0x2d3: {  	s7 =	simm.s32 $0xC580;
	s9 =	rddreg [dreg:$0x6];
	[tilespmem:$0xC5F0] =	vst v2;
	(pc) =	sbr.rel .LBB2_34-.Ltmp19, $4  }
0x2d4: {  	[spmem:s9] =	stream.indirect.scatter.add.f32 [tilespmem:s7], [sflag:$0x5], $0x1, s13, s4, $0x2000b8;
	[tilespmem:$0x1CB00] =	vst v63  }
0x2d5: {  	_ =	swait.ge [sflag:s24], $0x80  }
0x2d6: {  	[sflag:s24] =	ssyncset.done $0x0  }
0x2d7: {  	[sflag:s24] =	ssyncadd.s32 $0xFFFFFF80  }
.LBB2_35:
0x2d8: {  	_ =	sfence.sel $0x180000  }
0x2d9: {  	[bflag:$0x0] =	sbarrier.arrive $0xFFFF  }
0x2da: {  	_ =	strace $0x90000047  }
0x2db: {  	s0 =	stileid.u32;
	[bflag:$0x2] =	sbarrier.arrive $0xFFFF  }
0x2dc: {  	p0 =	sne.s32 s0, $0x0;
	s0 =	rddreg [dreg:$0x7]  }
0x2dd: {  	s0 =	sadd.s32 @!p0 $0x100000, s0  }
0x2de: {  	[sflag:s0] =	ssyncadd.tile.s32 @!p0 $0x1;
	_ =	shalt  }
.Lfunc_end2:
_tile_overlayer_lowered:
.L_overlay_start_2:
0x2df: {  	(tag) =	ssettag $0x2  }
0x2e0: {  	s0 =	rddreg [dreg:$0x0];
	s2 =	stileid.u32  }
0x2e1: {  	s1 =	rddreg [dreg:$0x1];
	p0 =	sne.s32 s2, $0x0  }
0x2e2: {  	s3 =	rddreg [dreg:$0x2];
	[bflag:$0x3] =	sbarrier.arrive $0xFFFF;
	s2 =	simm.s32 @!p0 $0x1C05  }
0x2e3: {  	[timem:s3], [sflag:s2] =	dma.local @!p0 [hbm:s0], s1  }
0x2e4: {  	s0 =	simm.s32 @!p0 $0x5  }
0x2e5: {  	_ =	swait.ge @!p0 [sflag:s0], s1  }
0x2e6: {  	s1 =	ssub.s32 @!p0 $0x0, s1;
	[sflag:s0] =	ssyncset.done @!p0 $0x0  }
0x2e7: {  	[sflag:s0] =	ssyncadd.s32 @!p0 s1  }
0x2e8: {  	[bflag:$0x3] =	sbarrier.arrive $0xFFFF  }
0x2e9: {  	_ =	shalt  }

</sc_bundles>
